<compile_context>
chip_gen: v7x
topology: tpu7x:2x2x1
jax: 0.10.2.dev20260603
libtpu: 0.0.44.dev20260713+nightly
codegen_flags: <defaults>
</compile_context>

<pallas_src>
import dataclasses
import functools

import jax
import jax.numpy as jnp
from jax import lax
from jax.experimental import pallas as pl
from jax.experimental.pallas import tpu as pltpu
from jax.experimental.pallas import tpu_sc as plsc

_V = 1000000
_D = 64
_DP = 128
_B = 4096
_S = 200
_SCALE = 8.0
_NC = 2
_NS = 16
_BT = _B // 128


def _compiler_params():
    cp = pltpu.CompilerParams(use_tc_tiling_on_sc=True)
    if "needs_layout_passes" in pltpu.CompilerParams.__dataclass_fields__:
        cp = dataclasses.replace(cp, needs_layout_passes=False)
    return cp


@jax.jit
def _emb_lookup(table_pad, x_t):
    mesh = plsc.VectorSubcoreMesh(core_axis_name="c", subcore_axis_name="s")

    @functools.partial(
        pl.kernel,
        out_type=jax.ShapeDtypeStruct((_S, _D // 8, _BT, 8, 128), jnp.float32),
        mesh=mesh,
        compiler_params=_compiler_params(),
        scratch_types=[
            pltpu.VMEM((_S, 128), jnp.int32),
        ] + [pltpu.VMEM((128, _DP), jnp.float32)] * 4 + [
            pltpu.VMEM((_D // 8, 8, 129), jnp.float32),
            pltpu.VMEM((_D // 8, 8, 129), jnp.float32),
        ] + [pltpu.SemaphoreType.DMA] * 6,
    )
    def k(table_hbm, xt_hbm, out_hbm, idx_all, rows0, rows1, rows2, rows3,
          tout0, tout1, sg0, sg1, sg2, sg3, so0, so1):
        wid = lax.axis_index("s") * _NC + lax.axis_index("c")
        bt = wid

        pltpu.sync_copy(xt_hbm.at[:, pl.ds(bt * 128, 128)], idx_all)

        iota = lax.iota(jnp.int32, 16)
        _i0 = [(iota + 16 * c) >> 3 for c in range(_D // 16)]
        _i1 = [(iota + 16 * c) & 7 for c in range(_D // 16)]

        def transpose_scale(rowsb, toutb):
            @plsc.parallel_loop(0, 128, unroll=4)
            def _t(j):
                jvec = lax.broadcast(j, (16,))
                for c in range(_D // 16):
                    vals = rowsb.at[j, pl.ds(16 * c, 16)][...] * _SCALE
                    plsc.store_scatter(toutb, [_i0[c], _i1[c], jvec], vals)

        rows = (rows0, rows1, rows2, rows3)
        sg = (sg0, sg1, sg2, sg3)
        touts = (tout0, tout1)
        sos = (so0, so1)

        def start_gather(s, rowsb, sem):
            for g in range(8):
                ivec = idx_all.at[s, pl.ds(g * 16, 16)][...]
                pltpu.async_copy(
                    table_hbm.at[ivec], rowsb.at[pl.ds(g * 16, 16), :], sem)

        def wait_gather(s, rowsb, sem):
            for g in range(8):
                ivec = idx_all.at[s, pl.ds(g * 16, 16)][...]
                pltpu.make_async_copy(
                    table_hbm.at[ivec], rowsb.at[pl.ds(g * 16, 16), :],
                    sem).wait()

        for p in range(3):
            start_gather(p, rows[p], sg[p])

        @pl.loop(0, _S // 4)
        def _step(i):
            for par in range(4):
                s = i * 4 + par
                rowsb, toutb = rows[par], touts[par % 2]

                @pl.when(s + 3 < _S)
                def _():
                    start_gather(s + 3, rows[(par + 3) % 4],
                                 sg[(par + 3) % 4])

                wait_gather(s, rowsb, sg[par])

                @pl.when(s >= 2)
                def _():
                    pltpu.make_async_copy(
                        toutb.at[:, :, pl.ds(0, 128)],
                        out_hbm.at[s, :, bt], sos[par % 2]).wait()

                transpose_scale(rowsb, toutb)
                pltpu.async_copy(toutb.at[:, :, pl.ds(0, 128)],
                                 out_hbm.at[s, :, bt], sos[par % 2])

        pltpu.make_async_copy(tout0.at[:, :, pl.ds(0, 128)],
                              out_hbm.at[0, :, bt], so0).wait()
        pltpu.make_async_copy(tout1.at[:, :, pl.ds(0, 128)],
                              out_hbm.at[0, :, bt], so1).wait()

    return k(table_pad, x_t)


def kernel(x, table):
    x_t = x.astype(jnp.int32).T
    table_pad = jnp.pad(table, ((0, 0), (0, _DP - _D)))
    raw = _emb_lookup(table_pad, x_t)
    return raw.transpose(2, 4, 0, 1, 3).reshape(_B, _S, _D)

# --- scband reference (transcript-rebuilt; emitter-appended) ---
"""Pipeline reference for scband-embeddings-32753420599692 (READ-ONLY COPY).

The authoritative reference and input builder live on the scoring server;
editing this copy changes nothing except your own understanding.
"""

import math
import jax, jax.numpy as jnp
import numpy as np

DIM_MODEL = 64
VOCAB_SIZE = 1000000

def setup_inputs(seed: int = 0) -> dict:
    key = jax.random.key(seed)
    k_idx, k_tab = jax.random.split(key)
    x = jax.random.randint(k_idx, (4096, 200), 0, VOCAB_SIZE, dtype=jnp.int64 if jax.config.jax_enable_x64 else jnp.int32)
    table = jax.random.normal(k_tab, (VOCAB_SIZE, DIM_MODEL), dtype=jnp.float32)
    return {"x": x, "table": table}

def reference(x, table):
    # Embeddings.forward: self.embd_layer(x) * math.sqrt(self.dim_model)
    emb = jnp.take(table, x, axis=0)
    return emb * math.sqrt(DIM_MODEL)

if __name__ == "__main__":
    import jax
    _d = setup_inputs()
    print(jax.jit(kernel)(*tuple(_d.values())))

</pallas_src>

<mosaic_0001>
#map = affine_map<(d0, d1) -> (0, 0)>
#map1 = affine_map<(d0, d1) -> (0, 0, 0, 0, 0)>
module attributes {stable_mosaic.version = 14 : i64} {
  func.func @k(%arg0: i32, %arg1: i32, %arg2: memref<1000000x128xf32, #tpu.memory_space<hbm>>, %arg3: memref<200x4096xi32, #tpu.memory_space<hbm>>, %arg4: memref<200x8x32x8x128xf32, #tpu.memory_space<hbm>>, %arg5: memref<200x128xi32, #tpu.memory_space<vmem>>, %arg6: memref<128x128xf32, #tpu.memory_space<vmem>>, %arg7: memref<128x128xf32, #tpu.memory_space<vmem>>, %arg8: memref<128x128xf32, #tpu.memory_space<vmem>>, %arg9: memref<128x128xf32, #tpu.memory_space<vmem>>, %arg10: memref<8x8x129xf32, #tpu.memory_space<vmem>>, %arg11: memref<8x8x129xf32, #tpu.memory_space<vmem>>, %arg12: memref<!tpu.dma_semaphore, #tpu.memory_space<semaphore_mem>>, %arg13: memref<!tpu.dma_semaphore, #tpu.memory_space<semaphore_mem>>, %arg14: memref<!tpu.dma_semaphore, #tpu.memory_space<semaphore_mem>>, %arg15: memref<!tpu.dma_semaphore, #tpu.memory_space<semaphore_mem>>, %arg16: memref<!tpu.dma_semaphore, #tpu.memory_space<semaphore_mem>>, %arg17: memref<!tpu.dma_semaphore, #tpu.memory_space<semaphore_mem>>) attributes {dimension_semantics = [#tpu.dimension_semantics<core_parallel>, #tpu.dimension_semantics<subcore_parallel>], iteration_bounds = array<i64: 2, 16>, scalar_prefetch = 0 : i64, scratch_operands = 13 : i64, tpu.core_type = #tpu.core_type<sc_vector_subcore>, window_params = [{transform_indices = #map}, {transform_indices = #map}, {transform_indices = #map1}]} {
    %mul3A = arith.constant 2 : i32
    %mul3A_0 = arith.muli %arg1, %mul3A : i32
    %add3A = arith.addi %mul3A_0, %arg0 : i32
    %mul3A_1 = arith.constant 128 : i32
    %mul3A_2 = arith.muli %add3A, %mul3A_1 : i32
    "tpu.region"() ({
      %run_scoped3A = tpu.sem_alloc : memref<!tpu.dma_semaphore, #tpu.memory_space<semaphore_mem>>
      %dma_start3A_328 = arith.constant 0 : i32
      %dma_start3A_329 = tpu.memref_slice %arg3[%dma_start3A_328, %mul3A_2] : memref<200x4096xi32, #tpu.memory_space<hbm>> -> memref<200x128xi32, #tpu.memory_space<hbm>>
      %dma_start3A_330 = arith.constant 0 : i32
      %dma_start3A_331 = tpu.memref_slice %arg3[%dma_start3A_330, %mul3A_2] : memref<200x4096xi32, #tpu.memory_space<hbm>> -> memref<200x128xi32, #tpu.memory_space<hbm>>
      tpu.enqueue_dma source(%dma_start3A_331 : memref<200x128xi32, #tpu.memory_space<hbm>>) target(%arg5 : memref<200x128xi32, #tpu.memory_space<vmem>>) target_semaphore(%run_scoped3A : memref<!tpu.dma_semaphore, #tpu.memory_space<semaphore_mem>>)
      %dma_wait3A_332 = arith.constant 0 : i32
      %dma_wait3A_333 = tpu.memref_slice %arg3[%dma_wait3A_332, %mul3A_2] : memref<200x4096xi32, #tpu.memory_space<hbm>> -> memref<200x128xi32, #tpu.memory_space<hbm>>
      %dma_wait3A_334 = arith.constant 0 : i32
      %dma_wait3A_335 = tpu.memref_slice %arg3[%dma_wait3A_334, %mul3A_2] : memref<200x4096xi32, #tpu.memory_space<hbm>> -> memref<200x128xi32, #tpu.memory_space<hbm>>
      tpu.wait_dma2 semaphore(%run_scoped3A : memref<!tpu.dma_semaphore, #tpu.memory_space<semaphore_mem>>) src(%dma_wait3A_335 : memref<200x128xi32, #tpu.memory_space<hbm>>) dst(%arg5 : memref<200x128xi32, #tpu.memory_space<vmem>>)
      tpu.yield
    }) : () -> ()
    %iota3A = tpu.iota {dimensions = array<i32: 0>} : vector<16xi32>
    %add3A_3 = arith.constant 0 : i32
    %add3A_4 = vector.broadcast %add3A_3 : i32 to vector<16xi32>
    %add3A_5 = arith.addi %iota3A, %add3A_4 : vector<16xi32>
    %shift_right_arithmetic3A = arith.constant 3 : i32
    %shift_right_arithmetic3A_6 = vector.broadcast %shift_right_arithmetic3A : i32 to vector<16xi32>
    %shift_right_arithmetic3A_7 = arith.shrsi %add3A_5, %shift_right_arithmetic3A_6 : vector<16xi32>
    %add3A_8 = arith.constant 16 : i32
    %add3A_9 = vector.broadcast %add3A_8 : i32 to vector<16xi32>
    %add3A_10 = arith.addi %iota3A, %add3A_9 : vector<16xi32>
    %shift_right_arithmetic3A_11 = arith.constant 3 : i32
    %shift_right_arithmetic3A_12 = vector.broadcast %shift_right_arithmetic3A_11 : i32 to vector<16xi32>
    %shift_right_arithmetic3A_13 = arith.shrsi %add3A_10, %shift_right_arithmetic3A_12 : vector<16xi32>
    %add3A_14 = arith.constant 32 : i32
    %add3A_15 = vector.broadcast %add3A_14 : i32 to vector<16xi32>
    %add3A_16 = arith.addi %iota3A, %add3A_15 : vector<16xi32>
    %shift_right_arithmetic3A_17 = arith.constant 3 : i32
    %shift_right_arithmetic3A_18 = vector.broadcast %shift_right_arithmetic3A_17 : i32 to vector<16xi32>
    %shift_right_arithmetic3A_19 = arith.shrsi %add3A_16, %shift_right_arithmetic3A_18 : vector<16xi32>
    %add3A_20 = arith.constant 48 : i32
    %add3A_21 = vector.broadcast %add3A_20 : i32 to vector<16xi32>
    %add3A_22 = arith.addi %iota3A, %add3A_21 : vector<16xi32>
    %shift_right_arithmetic3A_23 = arith.constant 3 : i32
    %shift_right_arithmetic3A_24 = vector.broadcast %shift_right_arithmetic3A_23 : i32 to vector<16xi32>
    %shift_right_arithmetic3A_25 = arith.shrsi %add3A_22, %shift_right_arithmetic3A_24 : vector<16xi32>
    %add3A_26 = arith.constant 0 : i32
    %add3A_27 = vector.broadcast %add3A_26 : i32 to vector<16xi32>
    %add3A_28 = arith.addi %iota3A, %add3A_27 : vector<16xi32>
    %and3A = arith.constant 7 : i32
    %and3A_29 = vector.broadcast %and3A : i32 to vector<16xi32>
    %and3A_30 = arith.andi %add3A_28, %and3A_29 : vector<16xi32>
    %add3A_31 = arith.constant 16 : i32
    %add3A_32 = vector.broadcast %add3A_31 : i32 to vector<16xi32>
    %add3A_33 = arith.addi %iota3A, %add3A_32 : vector<16xi32>
    %and3A_34 = arith.constant 7 : i32
    %and3A_35 = vector.broadcast %and3A_34 : i32 to vector<16xi32>
    %and3A_36 = arith.andi %add3A_33, %and3A_35 : vector<16xi32>
    %add3A_37 = arith.constant 32 : i32
    %add3A_38 = vector.broadcast %add3A_37 : i32 to vector<16xi32>
    %add3A_39 = arith.addi %iota3A, %add3A_38 : vector<16xi32>
    %and3A_40 = arith.constant 7 : i32
    %and3A_41 = vector.broadcast %and3A_40 : i32 to vector<16xi32>
    %and3A_42 = arith.andi %add3A_39, %and3A_41 : vector<16xi32>
    %add3A_43 = arith.constant 48 : i32
    %add3A_44 = vector.broadcast %add3A_43 : i32 to vector<16xi32>
    %add3A_45 = arith.addi %iota3A, %add3A_44 : vector<16xi32>
    %and3A_46 = arith.constant 7 : i32
    %and3A_47 = vector.broadcast %and3A_46 : i32 to vector<16xi32>
    %and3A_48 = arith.andi %add3A_45, %and3A_47 : vector<16xi32>
    %get3A = arith.constant 0 : i32
    %get3A_49 = arith.index_cast %get3A : i32 to index
    %get3A_50 = arith.constant 0 : index
    %get3A_51 = tpu.vector_load %arg5[%get3A_49, %get3A_50] {strides = array<i32>} : memref<200x128xi32, #tpu.memory_space<vmem>>, vector<16xi32>,
    %dma_start3A = arith.constant 0 : i32
    %dma_start3A_52 = arith.constant 0 : i32
    %dma_start3A_53 = tpu.memref_slice %arg6[%dma_start3A, %dma_start3A_52] : memref<128x128xf32, #tpu.memory_space<vmem>> -> memref<16x128xf32, #tpu.memory_space<vmem>>
    %dma_start3A_54 = arith.constant 0 : i32
    %dma_start3A_55 = arith.constant 0 : i32
    %dma_start3A_56 = tpu.memref_slice %arg2[%dma_start3A_54, %dma_start3A_55] : memref<1000000x128xf32, #tpu.memory_space<hbm>> -> memref<1000000x128xf32, #tpu.memory_space<hbm>>
    tpu.enqueue_indirect_dma source(%dma_start3A_56 : memref<1000000x128xf32, #tpu.memory_space<hbm>>) target(%dma_start3A_53 : memref<16x128xf32, #tpu.memory_space<vmem>>) offsets(%get3A_51 : vector<16xi32>) semaphore(%arg12 : memref<!tpu.dma_semaphore, #tpu.memory_space<semaphore_mem>>)
    %get3A_57 = arith.constant 0 : i32
    %get3A_58 = arith.index_cast %get3A_57 : i32 to index
    %get3A_59 = arith.constant 16 : index
    %get3A_60 = tpu.vector_load %arg5[%get3A_58, %get3A_59] {strides = array<i32>} : memref<200x128xi32, #tpu.memory_space<vmem>>, vector<16xi32>,
    %dma_start3A_61 = arith.constant 16 : i32
    %dma_start3A_62 = arith.constant 0 : i32
    %dma_start3A_63 = tpu.memref_slice %arg6[%dma_start3A_61, %dma_start3A_62] : memref<128x128xf32, #tpu.memory_space<vmem>> -> memref<16x128xf32, #tpu.memory_space<vmem>>
    %dma_start3A_64 = arith.constant 0 : i32
    %dma_start3A_65 = arith.constant 0 : i32
    %dma_start3A_66 = tpu.memref_slice %arg2[%dma_start3A_64, %dma_start3A_65] : memref<1000000x128xf32, #tpu.memory_space<hbm>> -> memref<1000000x128xf32, #tpu.memory_space<hbm>>
    tpu.enqueue_indirect_dma source(%dma_start3A_66 : memref<1000000x128xf32, #tpu.memory_space<hbm>>) target(%dma_start3A_63 : memref<16x128xf32, #tpu.memory_space<vmem>>) offsets(%get3A_60 : vector<16xi32>) semaphore(%arg12 : memref<!tpu.dma_semaphore, #tpu.memory_space<semaphore_mem>>)
    %get3A_67 = arith.constant 0 : i32
    %get3A_68 = arith.index_cast %get3A_67 : i32 to index
    %get3A_69 = arith.constant 32 : index
    %get3A_70 = tpu.vector_load %arg5[%get3A_68, %get3A_69] {strides = array<i32>} : memref<200x128xi32, #tpu.memory_space<vmem>>, vector<16xi32>,
    %dma_start3A_71 = arith.constant 32 : i32
    %dma_start3A_72 = arith.constant 0 : i32
    %dma_start3A_73 = tpu.memref_slice %arg6[%dma_start3A_71, %dma_start3A_72] : memref<128x128xf32, #tpu.memory_space<vmem>> -> memref<16x128xf32, #tpu.memory_space<vmem>>
    %dma_start3A_74 = arith.constant 0 : i32
    %dma_start3A_75 = arith.constant 0 : i32
    %dma_start3A_76 = tpu.memref_slice %arg2[%dma_start3A_74, %dma_start3A_75] : memref<1000000x128xf32, #tpu.memory_space<hbm>> -> memref<1000000x128xf32, #tpu.memory_space<hbm>>
    tpu.enqueue_indirect_dma source(%dma_start3A_76 : memref<1000000x128xf32, #tpu.memory_space<hbm>>) target(%dma_start3A_73 : memref<16x128xf32, #tpu.memory_space<vmem>>) offsets(%get3A_70 : vector<16xi32>) semaphore(%arg12 : memref<!tpu.dma_semaphore, #tpu.memory_space<semaphore_mem>>)
    %get3A_77 = arith.constant 0 : i32
    %get3A_78 = arith.index_cast %get3A_77 : i32 to index
    %get3A_79 = arith.constant 48 : index
    %get3A_80 = tpu.vector_load %arg5[%get3A_78, %get3A_79] {strides = array<i32>} : memref<200x128xi32, #tpu.memory_space<vmem>>, vector<16xi32>,
    %dma_start3A_81 = arith.constant 48 : i32
    %dma_start3A_82 = arith.constant 0 : i32
    %dma_start3A_83 = tpu.memref_slice %arg6[%dma_start3A_81, %dma_start3A_82] : memref<128x128xf32, #tpu.memory_space<vmem>> -> memref<16x128xf32, #tpu.memory_space<vmem>>
    %dma_start3A_84 = arith.constant 0 : i32
    %dma_start3A_85 = arith.constant 0 : i32
    %dma_start3A_86 = tpu.memref_slice %arg2[%dma_start3A_84, %dma_start3A_85] : memref<1000000x128xf32, #tpu.memory_space<hbm>> -> memref<1000000x128xf32, #tpu.memory_space<hbm>>
    tpu.enqueue_indirect_dma source(%dma_start3A_86 : memref<1000000x128xf32, #tpu.memory_space<hbm>>) target(%dma_start3A_83 : memref<16x128xf32, #tpu.memory_space<vmem>>) offsets(%get3A_80 : vector<16xi32>) semaphore(%arg12 : memref<!tpu.dma_semaphore, #tpu.memory_space<semaphore_mem>>)
    %get3A_87 = arith.constant 0 : i32
    %get3A_88 = arith.index_cast %get3A_87 : i32 to index
    %get3A_89 = arith.constant 64 : index
    %get3A_90 = tpu.vector_load %arg5[%get3A_88, %get3A_89] {strides = array<i32>} : memref<200x128xi32, #tpu.memory_space<vmem>>, vector<16xi32>,
    %dma_start3A_91 = arith.constant 64 : i32
    %dma_start3A_92 = arith.constant 0 : i32
    %dma_start3A_93 = tpu.memref_slice %arg6[%dma_start3A_91, %dma_start3A_92] : memref<128x128xf32, #tpu.memory_space<vmem>> -> memref<16x128xf32, #tpu.memory_space<vmem>>
    %dma_start3A_94 = arith.constant 0 : i32
    %dma_start3A_95 = arith.constant 0 : i32
    %dma_start3A_96 = tpu.memref_slice %arg2[%dma_start3A_94, %dma_start3A_95] : memref<1000000x128xf32, #tpu.memory_space<hbm>> -> memref<1000000x128xf32, #tpu.memory_space<hbm>>
    tpu.enqueue_indirect_dma source(%dma_start3A_96 : memref<1000000x128xf32, #tpu.memory_space<hbm>>) target(%dma_start3A_93 : memref<16x128xf32, #tpu.memory_space<vmem>>) offsets(%get3A_90 : vector<16xi32>) semaphore(%arg12 : memref<!tpu.dma_semaphore, #tpu.memory_space<semaphore_mem>>)
    %get3A_97 = arith.constant 0 : i32
    %get3A_98 = arith.index_cast %get3A_97 : i32 to index
    %get3A_99 = arith.constant 80 : index
    %get3A_100 = tpu.vector_load %arg5[%get3A_98, %get3A_99] {strides = array<i32>} : memref<200x128xi32, #tpu.memory_space<vmem>>, vector<16xi32>,
    %dma_start3A_101 = arith.constant 80 : i32
    %dma_start3A_102 = arith.constant 0 : i32
    %dma_start3A_103 = tpu.memref_slice %arg6[%dma_start3A_101, %dma_start3A_102] : memref<128x128xf32, #tpu.memory_space<vmem>> -> memref<16x128xf32, #tpu.memory_space<vmem>>
    %dma_start3A_104 = arith.constant 0 : i32
    %dma_start3A_105 = arith.constant 0 : i32
    %dma_start3A_106 = tpu.memref_slice %arg2[%dma_start3A_104, %dma_start3A_105] : memref<1000000x128xf32, #tpu.memory_space<hbm>> -> memref<1000000x128xf32, #tpu.memory_space<hbm>>
    tpu.enqueue_indirect_dma source(%dma_start3A_106 : memref<1000000x128xf32, #tpu.memory_space<hbm>>) target(%dma_start3A_103 : memref<16x128xf32, #tpu.memory_space<vmem>>) offsets(%get3A_100 : vector<16xi32>) semaphore(%arg12 : memref<!tpu.dma_semaphore, #tpu.memory_space<semaphore_mem>>)
    %get3A_107 = arith.constant 0 : i32
    %get3A_108 = arith.index_cast %get3A_107 : i32 to index
    %get3A_109 = arith.constant 96 : index
    %get3A_110 = tpu.vector_load %arg5[%get3A_108, %get3A_109] {strides = array<i32>} : memref<200x128xi32, #tpu.memory_space<vmem>>, vector<16xi32>,
    %dma_start3A_111 = arith.constant 96 : i32
    %dma_start3A_112 = arith.constant 0 : i32
    %dma_start3A_113 = tpu.memref_slice %arg6[%dma_start3A_111, %dma_start3A_112] : memref<128x128xf32, #tpu.memory_space<vmem>> -> memref<16x128xf32, #tpu.memory_space<vmem>>
    %dma_start3A_114 = arith.constant 0 : i32
    %dma_start3A_115 = arith.constant 0 : i32
    %dma_start3A_116 = tpu.memref_slice %arg2[%dma_start3A_114, %dma_start3A_115] : memref<1000000x128xf32, #tpu.memory_space<hbm>> -> memref<1000000x128xf32, #tpu.memory_space<hbm>>
    tpu.enqueue_indirect_dma source(%dma_start3A_116 : memref<1000000x128xf32, #tpu.memory_space<hbm>>) target(%dma_start3A_113 : memref<16x128xf32, #tpu.memory_space<vmem>>) offsets(%get3A_110 : vector<16xi32>) semaphore(%arg12 : memref<!tpu.dma_semaphore, #tpu.memory_space<semaphore_mem>>)
    %get3A_117 = arith.constant 0 : i32
    %get3A_118 = arith.index_cast %get3A_117 : i32 to index
    %get3A_119 = arith.constant 112 : index
    %get3A_120 = tpu.vector_load %arg5[%get3A_118, %get3A_119] {strides = array<i32>} : memref<200x128xi32, #tpu.memory_space<vmem>>, vector<16xi32>,
    %dma_start3A_121 = arith.constant 112 : i32
    %dma_start3A_122 = arith.constant 0 : i32
    %dma_start3A_123 = tpu.memref_slice %arg6[%dma_start3A_121, %dma_start3A_122] : memref<128x128xf32, #tpu.memory_space<vmem>> -> memref<16x128xf32, #tpu.memory_space<vmem>>
    %dma_start3A_124 = arith.constant 0 : i32
    %dma_start3A_125 = arith.constant 0 : i32
    %dma_start3A_126 = tpu.memref_slice %arg2[%dma_start3A_124, %dma_start3A_125] : memref<1000000x128xf32, #tpu.memory_space<hbm>> -> memref<1000000x128xf32, #tpu.memory_space<hbm>>
    tpu.enqueue_indirect_dma source(%dma_start3A_126 : memref<1000000x128xf32, #tpu.memory_space<hbm>>) target(%dma_start3A_123 : memref<16x128xf32, #tpu.memory_space<vmem>>) offsets(%get3A_120 : vector<16xi32>) semaphore(%arg12 : memref<!tpu.dma_semaphore, #tpu.memory_space<semaphore_mem>>)
    %get3A_127 = arith.constant 1 : i32
    %get3A_128 = arith.index_cast %get3A_127 : i32 to index
    %get3A_129 = arith.constant 0 : index
    %get3A_130 = tpu.vector_load %arg5[%get3A_128, %get3A_129] {strides = array<i32>} : memref<200x128xi32, #tpu.memory_space<vmem>>, vector<16xi32>,
    %dma_start3A_131 = arith.constant 0 : i32
    %dma_start3A_132 = arith.constant 0 : i32
    %dma_start3A_133 = tpu.memref_slice %arg7[%dma_start3A_131, %dma_start3A_132] : memref<128x128xf32, #tpu.memory_space<vmem>> -> memref<16x128xf32, #tpu.memory_space<vmem>>
    %dma_start3A_134 = arith.constant 0 : i32
    %dma_start3A_135 = arith.constant 0 : i32
    %dma_start3A_136 = tpu.memref_slice %arg2[%dma_start3A_134, %dma_start3A_135] : memref<1000000x128xf32, #tpu.memory_space<hbm>> -> memref<1000000x128xf32, #tpu.memory_space<hbm>>
    tpu.enqueue_indirect_dma source(%dma_start3A_136 : memref<1000000x128xf32, #tpu.memory_space<hbm>>) target(%dma_start3A_133 : memref<16x128xf32, #tpu.memory_space<vmem>>) offsets(%get3A_130 : vector<16xi32>) semaphore(%arg13 : memref<!tpu.dma_semaphore, #tpu.memory_space<semaphore_mem>>)
    %get3A_137 = arith.constant 1 : i32
    %get3A_138 = arith.index_cast %get3A_137 : i32 to index
    %get3A_139 = arith.constant 16 : index
    %get3A_140 = tpu.vector_load %arg5[%get3A_138, %get3A_139] {strides = array<i32>} : memref<200x128xi32, #tpu.memory_space<vmem>>, vector<16xi32>,
    %dma_start3A_141 = arith.constant 16 : i32
    %dma_start3A_142 = arith.constant 0 : i32
    %dma_start3A_143 = tpu.memref_slice %arg7[%dma_start3A_141, %dma_start3A_142] : memref<128x128xf32, #tpu.memory_space<vmem>> -> memref<16x128xf32, #tpu.memory_space<vmem>>
    %dma_start3A_144 = arith.constant 0 : i32
    %dma_start3A_145 = arith.constant 0 : i32
    %dma_start3A_146 = tpu.memref_slice %arg2[%dma_start3A_144, %dma_start3A_145] : memref<1000000x128xf32, #tpu.memory_space<hbm>> -> memref<1000000x128xf32, #tpu.memory_space<hbm>>
    tpu.enqueue_indirect_dma source(%dma_start3A_146 : memref<1000000x128xf32, #tpu.memory_space<hbm>>) target(%dma_start3A_143 : memref<16x128xf32, #tpu.memory_space<vmem>>) offsets(%get3A_140 : vector<16xi32>) semaphore(%arg13 : memref<!tpu.dma_semaphore, #tpu.memory_space<semaphore_mem>>)
    %get3A_147 = arith.constant 1 : i32
    %get3A_148 = arith.index_cast %get3A_147 : i32 to index
    %get3A_149 = arith.constant 32 : index
    %get3A_150 = tpu.vector_load %arg5[%get3A_148, %get3A_149] {strides = array<i32>} : memref<200x128xi32, #tpu.memory_space<vmem>>, vector<16xi32>,
    %dma_start3A_151 = arith.constant 32 : i32
    %dma_start3A_152 = arith.constant 0 : i32
    %dma_start3A_153 = tpu.memref_slice %arg7[%dma_start3A_151, %dma_start3A_152] : memref<128x128xf32, #tpu.memory_space<vmem>> -> memref<16x128xf32, #tpu.memory_space<vmem>>
    %dma_start3A_154 = arith.constant 0 : i32
    %dma_start3A_155 = arith.constant 0 : i32
    %dma_start3A_156 = tpu.memref_slice %arg2[%dma_start3A_154, %dma_start3A_155] : memref<1000000x128xf32, #tpu.memory_space<hbm>> -> memref<1000000x128xf32, #tpu.memory_space<hbm>>
    tpu.enqueue_indirect_dma source(%dma_start3A_156 : memref<1000000x128xf32, #tpu.memory_space<hbm>>) target(%dma_start3A_153 : memref<16x128xf32, #tpu.memory_space<vmem>>) offsets(%get3A_150 : vector<16xi32>) semaphore(%arg13 : memref<!tpu.dma_semaphore, #tpu.memory_space<semaphore_mem>>)
    %get3A_157 = arith.constant 1 : i32
    %get3A_158 = arith.index_cast %get3A_157 : i32 to index
    %get3A_159 = arith.constant 48 : index
    %get3A_160 = tpu.vector_load %arg5[%get3A_158, %get3A_159] {strides = array<i32>} : memref<200x128xi32, #tpu.memory_space<vmem>>, vector<16xi32>,
    %dma_start3A_161 = arith.constant 48 : i32
    %dma_start3A_162 = arith.constant 0 : i32
    %dma_start3A_163 = tpu.memref_slice %arg7[%dma_start3A_161, %dma_start3A_162] : memref<128x128xf32, #tpu.memory_space<vmem>> -> memref<16x128xf32, #tpu.memory_space<vmem>>
    %dma_start3A_164 = arith.constant 0 : i32
    %dma_start3A_165 = arith.constant 0 : i32
    %dma_start3A_166 = tpu.memref_slice %arg2[%dma_start3A_164, %dma_start3A_165] : memref<1000000x128xf32, #tpu.memory_space<hbm>> -> memref<1000000x128xf32, #tpu.memory_space<hbm>>
    tpu.enqueue_indirect_dma source(%dma_start3A_166 : memref<1000000x128xf32, #tpu.memory_space<hbm>>) target(%dma_start3A_163 : memref<16x128xf32, #tpu.memory_space<vmem>>) offsets(%get3A_160 : vector<16xi32>) semaphore(%arg13 : memref<!tpu.dma_semaphore, #tpu.memory_space<semaphore_mem>>)
    %get3A_167 = arith.constant 1 : i32
    %get3A_168 = arith.index_cast %get3A_167 : i32 to index
    %get3A_169 = arith.constant 64 : index
    %get3A_170 = tpu.vector_load %arg5[%get3A_168, %get3A_169] {strides = array<i32>} : memref<200x128xi32, #tpu.memory_space<vmem>>, vector<16xi32>,
    %dma_start3A_171 = arith.constant 64 : i32
    %dma_start3A_172 = arith.constant 0 : i32
    %dma_start3A_173 = tpu.memref_slice %arg7[%dma_start3A_171, %dma_start3A_172] : memref<128x128xf32, #tpu.memory_space<vmem>> -> memref<16x128xf32, #tpu.memory_space<vmem>>
    %dma_start3A_174 = arith.constant 0 : i32
    %dma_start3A_175 = arith.constant 0 : i32
    %dma_start3A_176 = tpu.memref_slice %arg2[%dma_start3A_174, %dma_start3A_175] : memref<1000000x128xf32, #tpu.memory_space<hbm>> -> memref<1000000x128xf32, #tpu.memory_space<hbm>>
    tpu.enqueue_indirect_dma source(%dma_start3A_176 : memref<1000000x128xf32, #tpu.memory_space<hbm>>) target(%dma_start3A_173 : memref<16x128xf32, #tpu.memory_space<vmem>>) offsets(%get3A_170 : vector<16xi32>) semaphore(%arg13 : memref<!tpu.dma_semaphore, #tpu.memory_space<semaphore_mem>>)
    %get3A_177 = arith.constant 1 : i32
    %get3A_178 = arith.index_cast %get3A_177 : i32 to index
    %get3A_179 = arith.constant 80 : index
    %get3A_180 = tpu.vector_load %arg5[%get3A_178, %get3A_179] {strides = array<i32>} : memref<200x128xi32, #tpu.memory_space<vmem>>, vector<16xi32>,
    %dma_start3A_181 = arith.constant 80 : i32
    %dma_start3A_182 = arith.constant 0 : i32
    %dma_start3A_183 = tpu.memref_slice %arg7[%dma_start3A_181, %dma_start3A_182] : memref<128x128xf32, #tpu.memory_space<vmem>> -> memref<16x128xf32, #tpu.memory_space<vmem>>
    %dma_start3A_184 = arith.constant 0 : i32
    %dma_start3A_185 = arith.constant 0 : i32
    %dma_start3A_186 = tpu.memref_slice %arg2[%dma_start3A_184, %dma_start3A_185] : memref<1000000x128xf32, #tpu.memory_space<hbm>> -> memref<1000000x128xf32, #tpu.memory_space<hbm>>
    tpu.enqueue_indirect_dma source(%dma_start3A_186 : memref<1000000x128xf32, #tpu.memory_space<hbm>>) target(%dma_start3A_183 : memref<16x128xf32, #tpu.memory_space<vmem>>) offsets(%get3A_180 : vector<16xi32>) semaphore(%arg13 : memref<!tpu.dma_semaphore, #tpu.memory_space<semaphore_mem>>)
    %get3A_187 = arith.constant 1 : i32
    %get3A_188 = arith.index_cast %get3A_187 : i32 to index
    %get3A_189 = arith.constant 96 : index
    %get3A_190 = tpu.vector_load %arg5[%get3A_188, %get3A_189] {strides = array<i32>} : memref<200x128xi32, #tpu.memory_space<vmem>>, vector<16xi32>,
    %dma_start3A_191 = arith.constant 96 : i32
    %dma_start3A_192 = arith.constant 0 : i32
    %dma_start3A_193 = tpu.memref_slice %arg7[%dma_start3A_191, %dma_start3A_192] : memref<128x128xf32, #tpu.memory_space<vmem>> -> memref<16x128xf32, #tpu.memory_space<vmem>>
    %dma_start3A_194 = arith.constant 0 : i32
    %dma_start3A_195 = arith.constant 0 : i32
    %dma_start3A_196 = tpu.memref_slice %arg2[%dma_start3A_194, %dma_start3A_195] : memref<1000000x128xf32, #tpu.memory_space<hbm>> -> memref<1000000x128xf32, #tpu.memory_space<hbm>>
    tpu.enqueue_indirect_dma source(%dma_start3A_196 : memref<1000000x128xf32, #tpu.memory_space<hbm>>) target(%dma_start3A_193 : memref<16x128xf32, #tpu.memory_space<vmem>>) offsets(%get3A_190 : vector<16xi32>) semaphore(%arg13 : memref<!tpu.dma_semaphore, #tpu.memory_space<semaphore_mem>>)
    %get3A_197 = arith.constant 1 : i32
    %get3A_198 = arith.index_cast %get3A_197 : i32 to index
    %get3A_199 = arith.constant 112 : index
    %get3A_200 = tpu.vector_load %arg5[%get3A_198, %get3A_199] {strides = array<i32>} : memref<200x128xi32, #tpu.memory_space<vmem>>, vector<16xi32>,
    %dma_start3A_201 = arith.constant 112 : i32
    %dma_start3A_202 = arith.constant 0 : i32
    %dma_start3A_203 = tpu.memref_slice %arg7[%dma_start3A_201, %dma_start3A_202] : memref<128x128xf32, #tpu.memory_space<vmem>> -> memref<16x128xf32, #tpu.memory_space<vmem>>
    %dma_start3A_204 = arith.constant 0 : i32
    %dma_start3A_205 = arith.constant 0 : i32
    %dma_start3A_206 = tpu.memref_slice %arg2[%dma_start3A_204, %dma_start3A_205] : memref<1000000x128xf32, #tpu.memory_space<hbm>> -> memref<1000000x128xf32, #tpu.memory_space<hbm>>
    tpu.enqueue_indirect_dma source(%dma_start3A_206 : memref<1000000x128xf32, #tpu.memory_space<hbm>>) target(%dma_start3A_203 : memref<16x128xf32, #tpu.memory_space<vmem>>) offsets(%get3A_200 : vector<16xi32>) semaphore(%arg13 : memref<!tpu.dma_semaphore, #tpu.memory_space<semaphore_mem>>)
    %get3A_207 = arith.constant 2 : i32
    %get3A_208 = arith.index_cast %get3A_207 : i32 to index
    %get3A_209 = arith.constant 0 : index
    %get3A_210 = tpu.vector_load %arg5[%get3A_208, %get3A_209] {strides = array<i32>} : memref<200x128xi32, #tpu.memory_space<vmem>>, vector<16xi32>,
    %dma_start3A_211 = arith.constant 0 : i32
    %dma_start3A_212 = arith.constant 0 : i32
    %dma_start3A_213 = tpu.memref_slice %arg8[%dma_start3A_211, %dma_start3A_212] : memref<128x128xf32, #tpu.memory_space<vmem>> -> memref<16x128xf32, #tpu.memory_space<vmem>>
    %dma_start3A_214 = arith.constant 0 : i32
    %dma_start3A_215 = arith.constant 0 : i32
    %dma_start3A_216 = tpu.memref_slice %arg2[%dma_start3A_214, %dma_start3A_215] : memref<1000000x128xf32, #tpu.memory_space<hbm>> -> memref<1000000x128xf32, #tpu.memory_space<hbm>>
    tpu.enqueue_indirect_dma source(%dma_start3A_216 : memref<1000000x128xf32, #tpu.memory_space<hbm>>) target(%dma_start3A_213 : memref<16x128xf32, #tpu.memory_space<vmem>>) offsets(%get3A_210 : vector<16xi32>) semaphore(%arg14 : memref<!tpu.dma_semaphore, #tpu.memory_space<semaphore_mem>>)
    %get3A_217 = arith.constant 2 : i32
    %get3A_218 = arith.index_cast %get3A_217 : i32 to index
    %get3A_219 = arith.constant 16 : index
    %get3A_220 = tpu.vector_load %arg5[%get3A_218, %get3A_219] {strides = array<i32>} : memref<200x128xi32, #tpu.memory_space<vmem>>, vector<16xi32>,
    %dma_start3A_221 = arith.constant 16 : i32
    %dma_start3A_222 = arith.constant 0 : i32
    %dma_start3A_223 = tpu.memref_slice %arg8[%dma_start3A_221, %dma_start3A_222] : memref<128x128xf32, #tpu.memory_space<vmem>> -> memref<16x128xf32, #tpu.memory_space<vmem>>
    %dma_start3A_224 = arith.constant 0 : i32
    %dma_start3A_225 = arith.constant 0 : i32
    %dma_start3A_226 = tpu.memref_slice %arg2[%dma_start3A_224, %dma_start3A_225] : memref<1000000x128xf32, #tpu.memory_space<hbm>> -> memref<1000000x128xf32, #tpu.memory_space<hbm>>
    tpu.enqueue_indirect_dma source(%dma_start3A_226 : memref<1000000x128xf32, #tpu.memory_space<hbm>>) target(%dma_start3A_223 : memref<16x128xf32, #tpu.memory_space<vmem>>) offsets(%get3A_220 : vector<16xi32>) semaphore(%arg14 : memref<!tpu.dma_semaphore, #tpu.memory_space<semaphore_mem>>)
    %get3A_227 = arith.constant 2 : i32
    %get3A_228 = arith.index_cast %get3A_227 : i32 to index
    %get3A_229 = arith.constant 32 : index
    %get3A_230 = tpu.vector_load %arg5[%get3A_228, %get3A_229] {strides = array<i32>} : memref<200x128xi32, #tpu.memory_space<vmem>>, vector<16xi32>,
    %dma_start3A_231 = arith.constant 32 : i32
    %dma_start3A_232 = arith.constant 0 : i32
    %dma_start3A_233 = tpu.memref_slice %arg8[%dma_start3A_231, %dma_start3A_232] : memref<128x128xf32, #tpu.memory_space<vmem>> -> memref<16x128xf32, #tpu.memory_space<vmem>>
    %dma_start3A_234 = arith.constant 0 : i32
    %dma_start3A_235 = arith.constant 0 : i32
    %dma_start3A_236 = tpu.memref_slice %arg2[%dma_start3A_234, %dma_start3A_235] : memref<1000000x128xf32, #tpu.memory_space<hbm>> -> memref<1000000x128xf32, #tpu.memory_space<hbm>>
    tpu.enqueue_indirect_dma source(%dma_start3A_236 : memref<1000000x128xf32, #tpu.memory_space<hbm>>) target(%dma_start3A_233 : memref<16x128xf32, #tpu.memory_space<vmem>>) offsets(%get3A_230 : vector<16xi32>) semaphore(%arg14 : memref<!tpu.dma_semaphore, #tpu.memory_space<semaphore_mem>>)
    %get3A_237 = arith.constant 2 : i32
    %get3A_238 = arith.index_cast %get3A_237 : i32 to index
    %get3A_239 = arith.constant 48 : index
    %get3A_240 = tpu.vector_load %arg5[%get3A_238, %get3A_239] {strides = array<i32>} : memref<200x128xi32, #tpu.memory_space<vmem>>, vector<16xi32>,
    %dma_start3A_241 = arith.constant 48 : i32
    %dma_start3A_242 = arith.constant 0 : i32
    %dma_start3A_243 = tpu.memref_slice %arg8[%dma_start3A_241, %dma_start3A_242] : memref<128x128xf32, #tpu.memory_space<vmem>> -> memref<16x128xf32, #tpu.memory_space<vmem>>
    %dma_start3A_244 = arith.constant 0 : i32
    %dma_start3A_245 = arith.constant 0 : i32
    %dma_start3A_246 = tpu.memref_slice %arg2[%dma_start3A_244, %dma_start3A_245] : memref<1000000x128xf32, #tpu.memory_space<hbm>> -> memref<1000000x128xf32, #tpu.memory_space<hbm>>
    tpu.enqueue_indirect_dma source(%dma_start3A_246 : memref<1000000x128xf32, #tpu.memory_space<hbm>>) target(%dma_start3A_243 : memref<16x128xf32, #tpu.memory_space<vmem>>) offsets(%get3A_240 : vector<16xi32>) semaphore(%arg14 : memref<!tpu.dma_semaphore, #tpu.memory_space<semaphore_mem>>)
    %get3A_247 = arith.constant 2 : i32
    %get3A_248 = arith.index_cast %get3A_247 : i32 to index
    %get3A_249 = arith.constant 64 : index
    %get3A_250 = tpu.vector_load %arg5[%get3A_248, %get3A_249] {strides = array<i32>} : memref<200x128xi32, #tpu.memory_space<vmem>>, vector<16xi32>,
    %dma_start3A_251 = arith.constant 64 : i32
    %dma_start3A_252 = arith.constant 0 : i32
    %dma_start3A_253 = tpu.memref_slice %arg8[%dma_start3A_251, %dma_start3A_252] : memref<128x128xf32, #tpu.memory_space<vmem>> -> memref<16x128xf32, #tpu.memory_space<vmem>>
    %dma_start3A_254 = arith.constant 0 : i32
    %dma_start3A_255 = arith.constant 0 : i32
    %dma_start3A_256 = tpu.memref_slice %arg2[%dma_start3A_254, %dma_start3A_255] : memref<1000000x128xf32, #tpu.memory_space<hbm>> -> memref<1000000x128xf32, #tpu.memory_space<hbm>>
    tpu.enqueue_indirect_dma source(%dma_start3A_256 : memref<1000000x128xf32, #tpu.memory_space<hbm>>) target(%dma_start3A_253 : memref<16x128xf32, #tpu.memory_space<vmem>>) offsets(%get3A_250 : vector<16xi32>) semaphore(%arg14 : memref<!tpu.dma_semaphore, #tpu.memory_space<semaphore_mem>>)
    %get3A_257 = arith.constant 2 : i32
    %get3A_258 = arith.index_cast %get3A_257 : i32 to index
    %get3A_259 = arith.constant 80 : index
    %get3A_260 = tpu.vector_load %arg5[%get3A_258, %get3A_259] {strides = array<i32>} : memref<200x128xi32, #tpu.memory_space<vmem>>, vector<16xi32>,
    %dma_start3A_261 = arith.constant 80 : i32
    %dma_start3A_262 = arith.constant 0 : i32
    %dma_start3A_263 = tpu.memref_slice %arg8[%dma_start3A_261, %dma_start3A_262] : memref<128x128xf32, #tpu.memory_space<vmem>> -> memref<16x128xf32, #tpu.memory_space<vmem>>
    %dma_start3A_264 = arith.constant 0 : i32
    %dma_start3A_265 = arith.constant 0 : i32
    %dma_start3A_266 = tpu.memref_slice %arg2[%dma_start3A_264, %dma_start3A_265] : memref<1000000x128xf32, #tpu.memory_space<hbm>> -> memref<1000000x128xf32, #tpu.memory_space<hbm>>
    tpu.enqueue_indirect_dma source(%dma_start3A_266 : memref<1000000x128xf32, #tpu.memory_space<hbm>>) target(%dma_start3A_263 : memref<16x128xf32, #tpu.memory_space<vmem>>) offsets(%get3A_260 : vector<16xi32>) semaphore(%arg14 : memref<!tpu.dma_semaphore, #tpu.memory_space<semaphore_mem>>)
    %get3A_267 = arith.constant 2 : i32
    %get3A_268 = arith.index_cast %get3A_267 : i32 to index
    %get3A_269 = arith.constant 96 : index
    %get3A_270 = tpu.vector_load %arg5[%get3A_268, %get3A_269] {strides = array<i32>} : memref<200x128xi32, #tpu.memory_space<vmem>>, vector<16xi32>,
    %dma_start3A_271 = arith.constant 96 : i32
    %dma_start3A_272 = arith.constant 0 : i32
    %dma_start3A_273 = tpu.memref_slice %arg8[%dma_start3A_271, %dma_start3A_272] : memref<128x128xf32, #tpu.memory_space<vmem>> -> memref<16x128xf32, #tpu.memory_space<vmem>>
    %dma_start3A_274 = arith.constant 0 : i32
    %dma_start3A_275 = arith.constant 0 : i32
    %dma_start3A_276 = tpu.memref_slice %arg2[%dma_start3A_274, %dma_start3A_275] : memref<1000000x128xf32, #tpu.memory_space<hbm>> -> memref<1000000x128xf32, #tpu.memory_space<hbm>>
    tpu.enqueue_indirect_dma source(%dma_start3A_276 : memref<1000000x128xf32, #tpu.memory_space<hbm>>) target(%dma_start3A_273 : memref<16x128xf32, #tpu.memory_space<vmem>>) offsets(%get3A_270 : vector<16xi32>) semaphore(%arg14 : memref<!tpu.dma_semaphore, #tpu.memory_space<semaphore_mem>>)
    %get3A_277 = arith.constant 2 : i32
    %get3A_278 = arith.index_cast %get3A_277 : i32 to index
    %get3A_279 = arith.constant 112 : index
    %get3A_280 = tpu.vector_load %arg5[%get3A_278, %get3A_279] {strides = array<i32>} : memref<200x128xi32, #tpu.memory_space<vmem>>, vector<16xi32>,
    %dma_start3A_281 = arith.constant 112 : i32
    %dma_start3A_282 = arith.constant 0 : i32
    %dma_start3A_283 = tpu.memref_slice %arg8[%dma_start3A_281, %dma_start3A_282] : memref<128x128xf32, #tpu.memory_space<vmem>> -> memref<16x128xf32, #tpu.memory_space<vmem>>
    %dma_start3A_284 = arith.constant 0 : i32
    %dma_start3A_285 = arith.constant 0 : i32
    %dma_start3A_286 = tpu.memref_slice %arg2[%dma_start3A_284, %dma_start3A_285] : memref<1000000x128xf32, #tpu.memory_space<hbm>> -> memref<1000000x128xf32, #tpu.memory_space<hbm>>
    tpu.enqueue_indirect_dma source(%dma_start3A_286 : memref<1000000x128xf32, #tpu.memory_space<hbm>>) target(%dma_start3A_283 : memref<16x128xf32, #tpu.memory_space<vmem>>) offsets(%get3A_280 : vector<16xi32>) semaphore(%arg14 : memref<!tpu.dma_semaphore, #tpu.memory_space<semaphore_mem>>)
    %scan3A = arith.constant 0 : i32
    %scan3A_287 = arith.constant 50 : i32
    %scan3A_288 = arith.addi %scan3A, %scan3A_287 : i32
    %scan3A_289 = arith.constant 1 : i32
    scf.for %scan3A_328 = %scan3A to %scan3A_288 step %scan3A_289  : i32 {
      %mul3A_329 = arith.constant 1 : i32
      %mul3A_330 = arith.muli %scan3A_328, %mul3A_329 : i32
      %add3A_331 = arith.constant 0 : i32
      %add3A_332 = arith.addi %add3A_331, %mul3A_330 : i32
      %mul3A_333 = arith.constant 4 : i32
      %mul3A_334 = arith.muli %add3A_332, %mul3A_333 : i32
      %add3A_335 = arith.constant 0 : i32
      %add3A_336 = arith.addi %mul3A_334, %add3A_335 : i32
      %add3A_337 = arith.constant 3 : i32
      %add3A_338 = arith.addi %add3A_336, %add3A_337 : i32
      %lt3A = arith.constant 200 : i32
      %lt3A_339 = arith.cmpi slt, %add3A_338, %lt3A : i32
      %convert_element_type3A = arith.extui %lt3A_339 : i1 to i32
      %cond3A = arith.constant 0 : i32
      %cond3A_340 = arith.cmpi ne, %convert_element_type3A, %cond3A : i32
      scf.if %cond3A_340 {
        %add3A_764 = arith.constant 3 : i32
        %add3A_765 = arith.addi %add3A_336, %add3A_764 : i32
        %get3A_766 = arith.index_cast %add3A_765 : i32 to index
        %get3A_767 = arith.constant 0 : index
        %get3A_768 = tpu.vector_load %arg5[%get3A_766, %get3A_767] {strides = array<i32>} : memref<200x128xi32, #tpu.memory_space<vmem>>, vector<16xi32>,
        %dma_start3A_769 = arith.constant 0 : i32
        %dma_start3A_770 = arith.constant 0 : i32
        %dma_start3A_771 = tpu.memref_slice %arg9[%dma_start3A_769, %dma_start3A_770] : memref<128x128xf32, #tpu.memory_space<vmem>> -> memref<16x128xf32, #tpu.memory_space<vmem>>
        %dma_start3A_772 = arith.constant 0 : i32
        %dma_start3A_773 = arith.constant 0 : i32
        %dma_start3A_774 = tpu.memref_slice %arg2[%dma_start3A_772, %dma_start3A_773] : memref<1000000x128xf32, #tpu.memory_space<hbm>> -> memref<1000000x128xf32, #tpu.memory_space<hbm>>
        tpu.enqueue_indirect_dma source(%dma_start3A_774 : memref<1000000x128xf32, #tpu.memory_space<hbm>>) target(%dma_start3A_771 : memref<16x128xf32, #tpu.memory_space<vmem>>) offsets(%get3A_768 : vector<16xi32>) semaphore(%arg15 : memref<!tpu.dma_semaphore, #tpu.memory_space<semaphore_mem>>)
        %get3A_775 = arith.index_cast %add3A_765 : i32 to index
        %get3A_776 = arith.constant 16 : index
        %get3A_777 = tpu.vector_load %arg5[%get3A_775, %get3A_776] {strides = array<i32>} : memref<200x128xi32, #tpu.memory_space<vmem>>, vector<16xi32>,
        %dma_start3A_778 = arith.constant 16 : i32
        %dma_start3A_779 = arith.constant 0 : i32
        %dma_start3A_780 = tpu.memref_slice %arg9[%dma_start3A_778, %dma_start3A_779] : memref<128x128xf32, #tpu.memory_space<vmem>> -> memref<16x128xf32, #tpu.memory_space<vmem>>
        %dma_start3A_781 = arith.constant 0 : i32
        %dma_start3A_782 = arith.constant 0 : i32
        %dma_start3A_783 = tpu.memref_slice %arg2[%dma_start3A_781, %dma_start3A_782] : memref<1000000x128xf32, #tpu.memory_space<hbm>> -> memref<1000000x128xf32, #tpu.memory_space<hbm>>
        tpu.enqueue_indirect_dma source(%dma_start3A_783 : memref<1000000x128xf32, #tpu.memory_space<hbm>>) target(%dma_start3A_780 : memref<16x128xf32, #tpu.memory_space<vmem>>) offsets(%get3A_777 : vector<16xi32>) semaphore(%arg15 : memref<!tpu.dma_semaphore, #tpu.memory_space<semaphore_mem>>)
        %get3A_784 = arith.index_cast %add3A_765 : i32 to index
        %get3A_785 = arith.constant 32 : index
        %get3A_786 = tpu.vector_load %arg5[%get3A_784, %get3A_785] {strides = array<i32>} : memref<200x128xi32, #tpu.memory_space<vmem>>, vector<16xi32>,
        %dma_start3A_787 = arith.constant 32 : i32
        %dma_start3A_788 = arith.constant 0 : i32
        %dma_start3A_789 = tpu.memref_slice %arg9[%dma_start3A_787, %dma_start3A_788] : memref<128x128xf32, #tpu.memory_space<vmem>> -> memref<16x128xf32, #tpu.memory_space<vmem>>
        %dma_start3A_790 = arith.constant 0 : i32
        %dma_start3A_791 = arith.constant 0 : i32
        %dma_start3A_792 = tpu.memref_slice %arg2[%dma_start3A_790, %dma_start3A_791] : memref<1000000x128xf32, #tpu.memory_space<hbm>> -> memref<1000000x128xf32, #tpu.memory_space<hbm>>
        tpu.enqueue_indirect_dma source(%dma_start3A_792 : memref<1000000x128xf32, #tpu.memory_space<hbm>>) target(%dma_start3A_789 : memref<16x128xf32, #tpu.memory_space<vmem>>) offsets(%get3A_786 : vector<16xi32>) semaphore(%arg15 : memref<!tpu.dma_semaphore, #tpu.memory_space<semaphore_mem>>)
        %get3A_793 = arith.index_cast %add3A_765 : i32 to index
        %get3A_794 = arith.constant 48 : index
        %get3A_795 = tpu.vector_load %arg5[%get3A_793, %get3A_794] {strides = array<i32>} : memref<200x128xi32, #tpu.memory_space<vmem>>, vector<16xi32>,
        %dma_start3A_796 = arith.constant 48 : i32
        %dma_start3A_797 = arith.constant 0 : i32
        %dma_start3A_798 = tpu.memref_slice %arg9[%dma_start3A_796, %dma_start3A_797] : memref<128x128xf32, #tpu.memory_space<vmem>> -> memref<16x128xf32, #tpu.memory_space<vmem>>
        %dma_start3A_799 = arith.constant 0 : i32
        %dma_start3A_800 = arith.constant 0 : i32
        %dma_start3A_801 = tpu.memref_slice %arg2[%dma_start3A_799, %dma_start3A_800] : memref<1000000x128xf32, #tpu.memory_space<hbm>> -> memref<1000000x128xf32, #tpu.memory_space<hbm>>
        tpu.enqueue_indirect_dma source(%dma_start3A_801 : memref<1000000x128xf32, #tpu.memory_space<hbm>>) target(%dma_start3A_798 : memref<16x128xf32, #tpu.memory_space<vmem>>) offsets(%get3A_795 : vector<16xi32>) semaphore(%arg15 : memref<!tpu.dma_semaphore, #tpu.memory_space<semaphore_mem>>)
        %get3A_802 = arith.index_cast %add3A_765 : i32 to index
        %get3A_803 = arith.constant 64 : index
        %get3A_804 = tpu.vector_load %arg5[%get3A_802, %get3A_803] {strides = array<i32>} : memref<200x128xi32, #tpu.memory_space<vmem>>, vector<16xi32>,
        %dma_start3A_805 = arith.constant 64 : i32
        %dma_start3A_806 = arith.constant 0 : i32
        %dma_start3A_807 = tpu.memref_slice %arg9[%dma_start3A_805, %dma_start3A_806] : memref<128x128xf32, #tpu.memory_space<vmem>> -> memref<16x128xf32, #tpu.memory_space<vmem>>
        %dma_start3A_808 = arith.constant 0 : i32
        %dma_start3A_809 = arith.constant 0 : i32
        %dma_start3A_810 = tpu.memref_slice %arg2[%dma_start3A_808, %dma_start3A_809] : memref<1000000x128xf32, #tpu.memory_space<hbm>> -> memref<1000000x128xf32, #tpu.memory_space<hbm>>
        tpu.enqueue_indirect_dma source(%dma_start3A_810 : memref<1000000x128xf32, #tpu.memory_space<hbm>>) target(%dma_start3A_807 : memref<16x128xf32, #tpu.memory_space<vmem>>) offsets(%get3A_804 : vector<16xi32>) semaphore(%arg15 : memref<!tpu.dma_semaphore, #tpu.memory_space<semaphore_mem>>)
        %get3A_811 = arith.index_cast %add3A_765 : i32 to index
        %get3A_812 = arith.constant 80 : index
        %get3A_813 = tpu.vector_load %arg5[%get3A_811, %get3A_812] {strides = array<i32>} : memref<200x128xi32, #tpu.memory_space<vmem>>, vector<16xi32>,
        %dma_start3A_814 = arith.constant 80 : i32
        %dma_start3A_815 = arith.constant 0 : i32
        %dma_start3A_816 = tpu.memref_slice %arg9[%dma_start3A_814, %dma_start3A_815] : memref<128x128xf32, #tpu.memory_space<vmem>> -> memref<16x128xf32, #tpu.memory_space<vmem>>
        %dma_start3A_817 = arith.constant 0 : i32
        %dma_start3A_818 = arith.constant 0 : i32
        %dma_start3A_819 = tpu.memref_slice %arg2[%dma_start3A_817, %dma_start3A_818] : memref<1000000x128xf32, #tpu.memory_space<hbm>> -> memref<1000000x128xf32, #tpu.memory_space<hbm>>
        tpu.enqueue_indirect_dma source(%dma_start3A_819 : memref<1000000x128xf32, #tpu.memory_space<hbm>>) target(%dma_start3A_816 : memref<16x128xf32, #tpu.memory_space<vmem>>) offsets(%get3A_813 : vector<16xi32>) semaphore(%arg15 : memref<!tpu.dma_semaphore, #tpu.memory_space<semaphore_mem>>)
        %get3A_820 = arith.index_cast %add3A_765 : i32 to index
        %get3A_821 = arith.constant 96 : index
        %get3A_822 = tpu.vector_load %arg5[%get3A_820, %get3A_821] {strides = array<i32>} : memref<200x128xi32, #tpu.memory_space<vmem>>, vector<16xi32>,
        %dma_start3A_823 = arith.constant 96 : i32
        %dma_start3A_824 = arith.constant 0 : i32
        %dma_start3A_825 = tpu.memref_slice %arg9[%dma_start3A_823, %dma_start3A_824] : memref<128x128xf32, #tpu.memory_space<vmem>> -> memref<16x128xf32, #tpu.memory_space<vmem>>
        %dma_start3A_826 = arith.constant 0 : i32
        %dma_start3A_827 = arith.constant 0 : i32
        %dma_start3A_828 = tpu.memref_slice %arg2[%dma_start3A_826, %dma_start3A_827] : memref<1000000x128xf32, #tpu.memory_space<hbm>> -> memref<1000000x128xf32, #tpu.memory_space<hbm>>
        tpu.enqueue_indirect_dma source(%dma_start3A_828 : memref<1000000x128xf32, #tpu.memory_space<hbm>>) target(%dma_start3A_825 : memref<16x128xf32, #tpu.memory_space<vmem>>) offsets(%get3A_822 : vector<16xi32>) semaphore(%arg15 : memref<!tpu.dma_semaphore, #tpu.memory_space<semaphore_mem>>)
        %get3A_829 = arith.index_cast %add3A_765 : i32 to index
        %get3A_830 = arith.constant 112 : index
        %get3A_831 = tpu.vector_load %arg5[%get3A_829, %get3A_830] {strides = array<i32>} : memref<200x128xi32, #tpu.memory_space<vmem>>, vector<16xi32>,
        %dma_start3A_832 = arith.constant 112 : i32
        %dma_start3A_833 = arith.constant 0 : i32
        %dma_start3A_834 = tpu.memref_slice %arg9[%dma_start3A_832, %dma_start3A_833] : memref<128x128xf32, #tpu.memory_space<vmem>> -> memref<16x128xf32, #tpu.memory_space<vmem>>
        %dma_start3A_835 = arith.constant 0 : i32
        %dma_start3A_836 = arith.constant 0 : i32
        %dma_start3A_837 = tpu.memref_slice %arg2[%dma_start3A_835, %dma_start3A_836] : memref<1000000x128xf32, #tpu.memory_space<hbm>> -> memref<1000000x128xf32, #tpu.memory_space<hbm>>
        tpu.enqueue_indirect_dma source(%dma_start3A_837 : memref<1000000x128xf32, #tpu.memory_space<hbm>>) target(%dma_start3A_834 : memref<16x128xf32, #tpu.memory_space<vmem>>) offsets(%get3A_831 : vector<16xi32>) semaphore(%arg15 : memref<!tpu.dma_semaphore, #tpu.memory_space<semaphore_mem>>)
      } else {
      }
      %get3A_341 = arith.index_cast %add3A_336 : i32 to index
      %get3A_342 = arith.constant 0 : index
      %get3A_343 = tpu.vector_load %arg5[%get3A_341, %get3A_342] {strides = array<i32>} : memref<200x128xi32, #tpu.memory_space<vmem>>, vector<16xi32>,
      %dma_wait3A_344 = arith.constant 0 : i32
      %dma_wait3A_345 = arith.constant 0 : i32
      %dma_wait3A_346 = tpu.memref_slice %arg6[%dma_wait3A_344, %dma_wait3A_345] : memref<128x128xf32, #tpu.memory_space<vmem>> -> memref<16x128xf32, #tpu.memory_space<vmem>>
      %dma_wait3A_347 = arith.constant 0 : i32
      %dma_wait3A_348 = arith.constant 0 : i32
      %dma_wait3A_349 = tpu.memref_slice %arg2[%dma_wait3A_347, %dma_wait3A_348] : memref<1000000x128xf32, #tpu.memory_space<hbm>> -> memref<1000000x128xf32, #tpu.memory_space<hbm>>
      tpu.wait_indirect_dma semaphore(%arg12 : memref<!tpu.dma_semaphore, #tpu.memory_space<semaphore_mem>>) src(%dma_wait3A_349 : memref<1000000x128xf32, #tpu.memory_space<hbm>>) dst(%dma_wait3A_346 : memref<16x128xf32, #tpu.memory_space<vmem>>)
      %get3A_350 = arith.index_cast %add3A_336 : i32 to index
      %get3A_351 = arith.constant 16 : index
      %get3A_352 = tpu.vector_load %arg5[%get3A_350, %get3A_351] {strides = array<i32>} : memref<200x128xi32, #tpu.memory_space<vmem>>, vector<16xi32>,
      %dma_wait3A_353 = arith.constant 16 : i32
      %dma_wait3A_354 = arith.constant 0 : i32
      %dma_wait3A_355 = tpu.memref_slice %arg6[%dma_wait3A_353, %dma_wait3A_354] : memref<128x128xf32, #tpu.memory_space<vmem>> -> memref<16x128xf32, #tpu.memory_space<vmem>>
      %dma_wait3A_356 = arith.constant 0 : i32
      %dma_wait3A_357 = arith.constant 0 : i32
      %dma_wait3A_358 = tpu.memref_slice %arg2[%dma_wait3A_356, %dma_wait3A_357] : memref<1000000x128xf32, #tpu.memory_space<hbm>> -> memref<1000000x128xf32, #tpu.memory_space<hbm>>
      tpu.wait_indirect_dma semaphore(%arg12 : memref<!tpu.dma_semaphore, #tpu.memory_space<semaphore_mem>>) src(%dma_wait3A_358 : memref<1000000x128xf32, #tpu.memory_space<hbm>>) dst(%dma_wait3A_355 : memref<16x128xf32, #tpu.memory_space<vmem>>)
      %get3A_359 = arith.index_cast %add3A_336 : i32 to index
      %get3A_360 = arith.constant 32 : index
      %get3A_361 = tpu.vector_load %arg5[%get3A_359, %get3A_360] {strides = array<i32>} : memref<200x128xi32, #tpu.memory_space<vmem>>, vector<16xi32>,
      %dma_wait3A_362 = arith.constant 32 : i32
      %dma_wait3A_363 = arith.constant 0 : i32
      %dma_wait3A_364 = tpu.memref_slice %arg6[%dma_wait3A_362, %dma_wait3A_363] : memref<128x128xf32, #tpu.memory_space<vmem>> -> memref<16x128xf32, #tpu.memory_space<vmem>>
      %dma_wait3A_365 = arith.constant 0 : i32
      %dma_wait3A_366 = arith.constant 0 : i32
      %dma_wait3A_367 = tpu.memref_slice %arg2[%dma_wait3A_365, %dma_wait3A_366] : memref<1000000x128xf32, #tpu.memory_space<hbm>> -> memref<1000000x128xf32, #tpu.memory_space<hbm>>
      tpu.wait_indirect_dma semaphore(%arg12 : memref<!tpu.dma_semaphore, #tpu.memory_space<semaphore_mem>>) src(%dma_wait3A_367 : memref<1000000x128xf32, #tpu.memory_space<hbm>>) dst(%dma_wait3A_364 : memref<16x128xf32, #tpu.memory_space<vmem>>)
      %get3A_368 = arith.index_cast %add3A_336 : i32 to index
      %get3A_369 = arith.constant 48 : index
      %get3A_370 = tpu.vector_load %arg5[%get3A_368, %get3A_369] {strides = array<i32>} : memref<200x128xi32, #tpu.memory_space<vmem>>, vector<16xi32>,
      %dma_wait3A_371 = arith.constant 48 : i32
      %dma_wait3A_372 = arith.constant 0 : i32
      %dma_wait3A_373 = tpu.memref_slice %arg6[%dma_wait3A_371, %dma_wait3A_372] : memref<128x128xf32, #tpu.memory_space<vmem>> -> memref<16x128xf32, #tpu.memory_space<vmem>>
      %dma_wait3A_374 = arith.constant 0 : i32
      %dma_wait3A_375 = arith.constant 0 : i32
      %dma_wait3A_376 = tpu.memref_slice %arg2[%dma_wait3A_374, %dma_wait3A_375] : memref<1000000x128xf32, #tpu.memory_space<hbm>> -> memref<1000000x128xf32, #tpu.memory_space<hbm>>
      tpu.wait_indirect_dma semaphore(%arg12 : memref<!tpu.dma_semaphore, #tpu.memory_space<semaphore_mem>>) src(%dma_wait3A_376 : memref<1000000x128xf32, #tpu.memory_space<hbm>>) dst(%dma_wait3A_373 : memref<16x128xf32, #tpu.memory_space<vmem>>)
      %get3A_377 = arith.index_cast %add3A_336 : i32 to index
      %get3A_378 = arith.constant 64 : index
      %get3A_379 = tpu.vector_load %arg5[%get3A_377, %get3A_378] {strides = array<i32>} : memref<200x128xi32, #tpu.memory_space<vmem>>, vector<16xi32>,
      %dma_wait3A_380 = arith.constant 64 : i32
      %dma_wait3A_381 = arith.constant 0 : i32
      %dma_wait3A_382 = tpu.memref_slice %arg6[%dma_wait3A_380, %dma_wait3A_381] : memref<128x128xf32, #tpu.memory_space<vmem>> -> memref<16x128xf32, #tpu.memory_space<vmem>>
      %dma_wait3A_383 = arith.constant 0 : i32
      %dma_wait3A_384 = arith.constant 0 : i32
      %dma_wait3A_385 = tpu.memref_slice %arg2[%dma_wait3A_383, %dma_wait3A_384] : memref<1000000x128xf32, #tpu.memory_space<hbm>> -> memref<1000000x128xf32, #tpu.memory_space<hbm>>
      tpu.wait_indirect_dma semaphore(%arg12 : memref<!tpu.dma_semaphore, #tpu.memory_space<semaphore_mem>>) src(%dma_wait3A_385 : memref<1000000x128xf32, #tpu.memory_space<hbm>>) dst(%dma_wait3A_382 : memref<16x128xf32, #tpu.memory_space<vmem>>)
      %get3A_386 = arith.index_cast %add3A_336 : i32 to index
      %get3A_387 = arith.constant 80 : index
      %get3A_388 = tpu.vector_load %arg5[%get3A_386, %get3A_387] {strides = array<i32>} : memref<200x128xi32, #tpu.memory_space<vmem>>, vector<16xi32>,
      %dma_wait3A_389 = arith.constant 80 : i32
      %dma_wait3A_390 = arith.constant 0 : i32
      %dma_wait3A_391 = tpu.memref_slice %arg6[%dma_wait3A_389, %dma_wait3A_390] : memref<128x128xf32, #tpu.memory_space<vmem>> -> memref<16x128xf32, #tpu.memory_space<vmem>>
      %dma_wait3A_392 = arith.constant 0 : i32
      %dma_wait3A_393 = arith.constant 0 : i32
      %dma_wait3A_394 = tpu.memref_slice %arg2[%dma_wait3A_392, %dma_wait3A_393] : memref<1000000x128xf32, #tpu.memory_space<hbm>> -> memref<1000000x128xf32, #tpu.memory_space<hbm>>
      tpu.wait_indirect_dma semaphore(%arg12 : memref<!tpu.dma_semaphore, #tpu.memory_space<semaphore_mem>>) src(%dma_wait3A_394 : memref<1000000x128xf32, #tpu.memory_space<hbm>>) dst(%dma_wait3A_391 : memref<16x128xf32, #tpu.memory_space<vmem>>)
      %get3A_395 = arith.index_cast %add3A_336 : i32 to index
      %get3A_396 = arith.constant 96 : index
      %get3A_397 = tpu.vector_load %arg5[%get3A_395, %get3A_396] {strides = array<i32>} : memref<200x128xi32, #tpu.memory_space<vmem>>, vector<16xi32>,
      %dma_wait3A_398 = arith.constant 96 : i32
      %dma_wait3A_399 = arith.constant 0 : i32
      %dma_wait3A_400 = tpu.memref_slice %arg6[%dma_wait3A_398, %dma_wait3A_399] : memref<128x128xf32, #tpu.memory_space<vmem>> -> memref<16x128xf32, #tpu.memory_space<vmem>>
      %dma_wait3A_401 = arith.constant 0 : i32
      %dma_wait3A_402 = arith.constant 0 : i32
      %dma_wait3A_403 = tpu.memref_slice %arg2[%dma_wait3A_401, %dma_wait3A_402] : memref<1000000x128xf32, #tpu.memory_space<hbm>> -> memref<1000000x128xf32, #tpu.memory_space<hbm>>
      tpu.wait_indirect_dma semaphore(%arg12 : memref<!tpu.dma_semaphore, #tpu.memory_space<semaphore_mem>>) src(%dma_wait3A_403 : memref<1000000x128xf32, #tpu.memory_space<hbm>>) dst(%dma_wait3A_400 : memref<16x128xf32, #tpu.memory_space<vmem>>)
      %get3A_404 = arith.index_cast %add3A_336 : i32 to index
      %get3A_405 = arith.constant 112 : index
      %get3A_406 = tpu.vector_load %arg5[%get3A_404, %get3A_405] {strides = array<i32>} : memref<200x128xi32, #tpu.memory_space<vmem>>, vector<16xi32>,
      %dma_wait3A_407 = arith.constant 112 : i32
      %dma_wait3A_408 = arith.constant 0 : i32
      %dma_wait3A_409 = tpu.memref_slice %arg6[%dma_wait3A_407, %dma_wait3A_408] : memref<128x128xf32, #tpu.memory_space<vmem>> -> memref<16x128xf32, #tpu.memory_space<vmem>>
      %dma_wait3A_410 = arith.constant 0 : i32
      %dma_wait3A_411 = arith.constant 0 : i32
      %dma_wait3A_412 = tpu.memref_slice %arg2[%dma_wait3A_410, %dma_wait3A_411] : memref<1000000x128xf32, #tpu.memory_space<hbm>> -> memref<1000000x128xf32, #tpu.memory_space<hbm>>
      tpu.wait_indirect_dma semaphore(%arg12 : memref<!tpu.dma_semaphore, #tpu.memory_space<semaphore_mem>>) src(%dma_wait3A_412 : memref<1000000x128xf32, #tpu.memory_space<hbm>>) dst(%dma_wait3A_409 : memref<16x128xf32, #tpu.memory_space<vmem>>)
      %ge3A = arith.constant 2 : i32
      %ge3A_413 = arith.cmpi sge, %add3A_336, %ge3A : i32
      %convert_element_type3A_414 = arith.extui %ge3A_413 : i1 to i32
      %cond3A_415 = arith.constant 0 : i32
      %cond3A_416 = arith.cmpi ne, %convert_element_type3A_414, %cond3A_415 : i32
      scf.if %cond3A_416 {
        %dma_wait3A_764 = arith.constant 0 : i32
        %dma_wait3A_765 = arith.constant 0 : i32
        %dma_wait3A_766 = arith.constant 0 : i32
        %dma_wait3A_767 = tpu.memref_slice %arg10[%dma_wait3A_764, %dma_wait3A_765, %dma_wait3A_766] : memref<8x8x129xf32, #tpu.memory_space<vmem>> -> memref<8x8x128xf32, #tpu.memory_space<vmem>>
        %dma_wait3A_768 = arith.constant 0 : i32
        %dma_wait3A_769 = arith.constant 0 : i32
        %dma_wait3A_770 = arith.constant 0 : i32
        %dma_wait3A_771 = tpu.memref_slice %arg4[%add3A_336, %dma_wait3A_768, %add3A, %dma_wait3A_769, %dma_wait3A_770] : memref<200x8x32x8x128xf32, #tpu.memory_space<hbm>> -> memref<1x8x1x8x128xf32, #tpu.memory_space<hbm>>
        %dma_wait3A_772 = tpu.memref_squeeze %dma_wait3A_771 : memref<1x8x1x8x128xf32, #tpu.memory_space<hbm>> -> memref<8x8x128xf32, #tpu.memory_space<hbm>>
        %dma_wait3A_773 = arith.constant 0 : i32
        %dma_wait3A_774 = arith.constant 0 : i32
        %dma_wait3A_775 = arith.constant 0 : i32
        %dma_wait3A_776 = tpu.memref_slice %arg4[%add3A_336, %dma_wait3A_773, %add3A, %dma_wait3A_774, %dma_wait3A_775] : memref<200x8x32x8x128xf32, #tpu.memory_space<hbm>> -> memref<1x8x1x8x128xf32, #tpu.memory_space<hbm>>
        %dma_wait3A_777 = tpu.memref_squeeze %dma_wait3A_776 : memref<1x8x1x8x128xf32, #tpu.memory_space<hbm>> -> memref<8x8x128xf32, #tpu.memory_space<hbm>>
        %dma_wait3A_778 = arith.constant 0 : i32
        %dma_wait3A_779 = arith.constant 0 : i32
        %dma_wait3A_780 = arith.constant 0 : i32
        %dma_wait3A_781 = tpu.memref_slice %arg10[%dma_wait3A_778, %dma_wait3A_779, %dma_wait3A_780] : memref<8x8x129xf32, #tpu.memory_space<vmem>> -> memref<8x8x128xf32, #tpu.memory_space<vmem>>
        tpu.wait_dma2 semaphore(%arg16 : memref<!tpu.dma_semaphore, #tpu.memory_space<semaphore_mem>>) src(%dma_wait3A_781 : memref<8x8x128xf32, #tpu.memory_space<vmem>>) dst(%dma_wait3A_777 : memref<8x8x128xf32, #tpu.memory_space<hbm>>)
      } else {
      }
      %parallel_loop3A = arith.constant 0 : i32
      %parallel_loop3A_417 = arith.constant 128 : i32
      %parallel_loop3A_418 = arith.constant 1 : i32
      scf.for %parallel_loop3A_764 = %parallel_loop3A to %parallel_loop3A_417 step %parallel_loop3A_418  : i32 {
        %parallel_loop3A_765 = vector.broadcast %parallel_loop3A_764 : i32 to vector<16xi32>
        %parallel_loop3A_766 = arith.index_cast %parallel_loop3A_764 : i32 to index
        %parallel_loop3A_767 = arith.constant 0 : index
        %parallel_loop3A_768 = tpu.vector_load %arg6[%parallel_loop3A_766, %parallel_loop3A_767] {strides = array<i32>} : memref<128x128xf32, #tpu.memory_space<vmem>>, vector<16xf32>,
        %parallel_loop3A_769 = arith.constant 8.000000e+00 : f32
        %parallel_loop3A_770 = vector.broadcast %parallel_loop3A_769 : f32 to vector<16xf32>
        %parallel_loop3A_771 = arith.mulf %parallel_loop3A_768, %parallel_loop3A_770 : vector<16xf32>
        tpu.vector_store_idx %arg10[%shift_right_arithmetic3A_7, %and3A_30, %parallel_loop3A_765], %parallel_loop3A_771 : memref<8x8x129xf32, #tpu.memory_space<vmem>>[vector<16xi32>, vector<16xi32>, vector<16xi32>], vector<16xf32>,
        %parallel_loop3A_772 = arith.index_cast %parallel_loop3A_764 : i32 to index
        %parallel_loop3A_773 = arith.constant 16 : index
        %parallel_loop3A_774 = tpu.vector_load %arg6[%parallel_loop3A_772, %parallel_loop3A_773] {strides = array<i32>} : memref<128x128xf32, #tpu.memory_space<vmem>>, vector<16xf32>,
        %parallel_loop3A_775 = arith.constant 8.000000e+00 : f32
        %parallel_loop3A_776 = vector.broadcast %parallel_loop3A_775 : f32 to vector<16xf32>
        %parallel_loop3A_777 = arith.mulf %parallel_loop3A_774, %parallel_loop3A_776 : vector<16xf32>
        tpu.vector_store_idx %arg10[%shift_right_arithmetic3A_13, %and3A_36, %parallel_loop3A_765], %parallel_loop3A_777 : memref<8x8x129xf32, #tpu.memory_space<vmem>>[vector<16xi32>, vector<16xi32>, vector<16xi32>], vector<16xf32>,
        %parallel_loop3A_778 = arith.index_cast %parallel_loop3A_764 : i32 to index
        %parallel_loop3A_779 = arith.constant 32 : index
        %parallel_loop3A_780 = tpu.vector_load %arg6[%parallel_loop3A_778, %parallel_loop3A_779] {strides = array<i32>} : memref<128x128xf32, #tpu.memory_space<vmem>>, vector<16xf32>,
        %parallel_loop3A_781 = arith.constant 8.000000e+00 : f32
        %parallel_loop3A_782 = vector.broadcast %parallel_loop3A_781 : f32 to vector<16xf32>
        %parallel_loop3A_783 = arith.mulf %parallel_loop3A_780, %parallel_loop3A_782 : vector<16xf32>
        tpu.vector_store_idx %arg10[%shift_right_arithmetic3A_19, %and3A_42, %parallel_loop3A_765], %parallel_loop3A_783 : memref<8x8x129xf32, #tpu.memory_space<vmem>>[vector<16xi32>, vector<16xi32>, vector<16xi32>], vector<16xf32>,
        %parallel_loop3A_784 = arith.index_cast %parallel_loop3A_764 : i32 to index
        %parallel_loop3A_785 = arith.constant 48 : index
        %parallel_loop3A_786 = tpu.vector_load %arg6[%parallel_loop3A_784, %parallel_loop3A_785] {strides = array<i32>} : memref<128x128xf32, #tpu.memory_space<vmem>>, vector<16xf32>,
        %parallel_loop3A_787 = arith.constant 8.000000e+00 : f32
        %parallel_loop3A_788 = vector.broadcast %parallel_loop3A_787 : f32 to vector<16xf32>
        %parallel_loop3A_789 = arith.mulf %parallel_loop3A_786, %parallel_loop3A_788 : vector<16xf32>
        tpu.vector_store_idx %arg10[%shift_right_arithmetic3A_25, %and3A_48, %parallel_loop3A_765], %parallel_loop3A_789 : memref<8x8x129xf32, #tpu.memory_space<vmem>>[vector<16xi32>, vector<16xi32>, vector<16xi32>], vector<16xf32>,
      } {sc.loop_unroll_factor = 4 : i64, sc.parallel_access}
      %dma_start3A_419 = arith.constant 0 : i32
      %dma_start3A_420 = arith.constant 0 : i32
      %dma_start3A_421 = arith.constant 0 : i32
      %dma_start3A_422 = tpu.memref_slice %arg10[%dma_start3A_419, %dma_start3A_420, %dma_start3A_421] : memref<8x8x129xf32, #tpu.memory_space<vmem>> -> memref<8x8x128xf32, #tpu.memory_space<vmem>>
      %dma_start3A_423 = arith.constant 0 : i32
      %dma_start3A_424 = arith.constant 0 : i32
      %dma_start3A_425 = arith.constant 0 : i32
      %dma_start3A_426 = tpu.memref_slice %arg4[%add3A_336, %dma_start3A_423, %add3A, %dma_start3A_424, %dma_start3A_425] : memref<200x8x32x8x128xf32, #tpu.memory_space<hbm>> -> memref<1x8x1x8x128xf32, #tpu.memory_space<hbm>>
      %dma_start3A_427 = tpu.memref_squeeze %dma_start3A_426 : memref<1x8x1x8x128xf32, #tpu.memory_space<hbm>> -> memref<8x8x128xf32, #tpu.memory_space<hbm>>
      %dma_start3A_428 = arith.constant 0 : i32
      %dma_start3A_429 = arith.constant 0 : i32
      %dma_start3A_430 = arith.constant 0 : i32
      %dma_start3A_431 = tpu.memref_slice %arg4[%add3A_336, %dma_start3A_428, %add3A, %dma_start3A_429, %dma_start3A_430] : memref<200x8x32x8x128xf32, #tpu.memory_space<hbm>> -> memref<1x8x1x8x128xf32, #tpu.memory_space<hbm>>
      %dma_start3A_432 = tpu.memref_squeeze %dma_start3A_431 : memref<1x8x1x8x128xf32, #tpu.memory_space<hbm>> -> memref<8x8x128xf32, #tpu.memory_space<hbm>>
      %dma_start3A_433 = arith.constant 0 : i32
      %dma_start3A_434 = arith.constant 0 : i32
      %dma_start3A_435 = arith.constant 0 : i32
      %dma_start3A_436 = tpu.memref_slice %arg10[%dma_start3A_433, %dma_start3A_434, %dma_start3A_435] : memref<8x8x129xf32, #tpu.memory_space<vmem>> -> memref<8x8x128xf32, #tpu.memory_space<vmem>>
      tpu.enqueue_dma source(%dma_start3A_436 : memref<8x8x128xf32, #tpu.memory_space<vmem>>) target(%dma_start3A_432 : memref<8x8x128xf32, #tpu.memory_space<hbm>>) target_semaphore(%arg16 : memref<!tpu.dma_semaphore, #tpu.memory_space<semaphore_mem>>)
      %mul3A_437 = arith.constant 4 : i32
      %mul3A_438 = arith.muli %add3A_332, %mul3A_437 : i32
      %add3A_439 = arith.constant 1 : i32
      %add3A_440 = arith.addi %mul3A_438, %add3A_439 : i32
      %add3A_441 = arith.constant 3 : i32
      %add3A_442 = arith.addi %add3A_440, %add3A_441 : i32
      %lt3A_443 = arith.constant 200 : i32
      %lt3A_444 = arith.cmpi slt, %add3A_442, %lt3A_443 : i32
      %convert_element_type3A_445 = arith.extui %lt3A_444 : i1 to i32
      %cond3A_446 = arith.constant 0 : i32
      %cond3A_447 = arith.cmpi ne, %convert_element_type3A_445, %cond3A_446 : i32
      scf.if %cond3A_447 {
        %add3A_764 = arith.constant 3 : i32
        %add3A_765 = arith.addi %add3A_440, %add3A_764 : i32
        %get3A_766 = arith.index_cast %add3A_765 : i32 to index
        %get3A_767 = arith.constant 0 : index
        %get3A_768 = tpu.vector_load %arg5[%get3A_766, %get3A_767] {strides = array<i32>} : memref<200x128xi32, #tpu.memory_space<vmem>>, vector<16xi32>,
        %dma_start3A_769 = arith.constant 0 : i32
        %dma_start3A_770 = arith.constant 0 : i32
        %dma_start3A_771 = tpu.memref_slice %arg6[%dma_start3A_769, %dma_start3A_770] : memref<128x128xf32, #tpu.memory_space<vmem>> -> memref<16x128xf32, #tpu.memory_space<vmem>>
        %dma_start3A_772 = arith.constant 0 : i32
        %dma_start3A_773 = arith.constant 0 : i32
        %dma_start3A_774 = tpu.memref_slice %arg2[%dma_start3A_772, %dma_start3A_773] : memref<1000000x128xf32, #tpu.memory_space<hbm>> -> memref<1000000x128xf32, #tpu.memory_space<hbm>>
        tpu.enqueue_indirect_dma source(%dma_start3A_774 : memref<1000000x128xf32, #tpu.memory_space<hbm>>) target(%dma_start3A_771 : memref<16x128xf32, #tpu.memory_space<vmem>>) offsets(%get3A_768 : vector<16xi32>) semaphore(%arg12 : memref<!tpu.dma_semaphore, #tpu.memory_space<semaphore_mem>>)
        %get3A_775 = arith.index_cast %add3A_765 : i32 to index
        %get3A_776 = arith.constant 16 : index
        %get3A_777 = tpu.vector_load %arg5[%get3A_775, %get3A_776] {strides = array<i32>} : memref<200x128xi32, #tpu.memory_space<vmem>>, vector<16xi32>,
        %dma_start3A_778 = arith.constant 16 : i32
        %dma_start3A_779 = arith.constant 0 : i32
        %dma_start3A_780 = tpu.memref_slice %arg6[%dma_start3A_778, %dma_start3A_779] : memref<128x128xf32, #tpu.memory_space<vmem>> -> memref<16x128xf32, #tpu.memory_space<vmem>>
        %dma_start3A_781 = arith.constant 0 : i32
        %dma_start3A_782 = arith.constant 0 : i32
        %dma_start3A_783 = tpu.memref_slice %arg2[%dma_start3A_781, %dma_start3A_782] : memref<1000000x128xf32, #tpu.memory_space<hbm>> -> memref<1000000x128xf32, #tpu.memory_space<hbm>>
        tpu.enqueue_indirect_dma source(%dma_start3A_783 : memref<1000000x128xf32, #tpu.memory_space<hbm>>) target(%dma_start3A_780 : memref<16x128xf32, #tpu.memory_space<vmem>>) offsets(%get3A_777 : vector<16xi32>) semaphore(%arg12 : memref<!tpu.dma_semaphore, #tpu.memory_space<semaphore_mem>>)
        %get3A_784 = arith.index_cast %add3A_765 : i32 to index
        %get3A_785 = arith.constant 32 : index
        %get3A_786 = tpu.vector_load %arg5[%get3A_784, %get3A_785] {strides = array<i32>} : memref<200x128xi32, #tpu.memory_space<vmem>>, vector<16xi32>,
        %dma_start3A_787 = arith.constant 32 : i32
        %dma_start3A_788 = arith.constant 0 : i32
        %dma_start3A_789 = tpu.memref_slice %arg6[%dma_start3A_787, %dma_start3A_788] : memref<128x128xf32, #tpu.memory_space<vmem>> -> memref<16x128xf32, #tpu.memory_space<vmem>>
        %dma_start3A_790 = arith.constant 0 : i32
        %dma_start3A_791 = arith.constant 0 : i32
        %dma_start3A_792 = tpu.memref_slice %arg2[%dma_start3A_790, %dma_start3A_791] : memref<1000000x128xf32, #tpu.memory_space<hbm>> -> memref<1000000x128xf32, #tpu.memory_space<hbm>>
        tpu.enqueue_indirect_dma source(%dma_start3A_792 : memref<1000000x128xf32, #tpu.memory_space<hbm>>) target(%dma_start3A_789 : memref<16x128xf32, #tpu.memory_space<vmem>>) offsets(%get3A_786 : vector<16xi32>) semaphore(%arg12 : memref<!tpu.dma_semaphore, #tpu.memory_space<semaphore_mem>>)
        %get3A_793 = arith.index_cast %add3A_765 : i32 to index
        %get3A_794 = arith.constant 48 : index
        %get3A_795 = tpu.vector_load %arg5[%get3A_793, %get3A_794] {strides = array<i32>} : memref<200x128xi32, #tpu.memory_space<vmem>>, vector<16xi32>,
        %dma_start3A_796 = arith.constant 48 : i32
        %dma_start3A_797 = arith.constant 0 : i32
        %dma_start3A_798 = tpu.memref_slice %arg6[%dma_start3A_796, %dma_start3A_797] : memref<128x128xf32, #tpu.memory_space<vmem>> -> memref<16x128xf32, #tpu.memory_space<vmem>>
        %dma_start3A_799 = arith.constant 0 : i32
        %dma_start3A_800 = arith.constant 0 : i32
        %dma_start3A_801 = tpu.memref_slice %arg2[%dma_start3A_799, %dma_start3A_800] : memref<1000000x128xf32, #tpu.memory_space<hbm>> -> memref<1000000x128xf32, #tpu.memory_space<hbm>>
        tpu.enqueue_indirect_dma source(%dma_start3A_801 : memref<1000000x128xf32, #tpu.memory_space<hbm>>) target(%dma_start3A_798 : memref<16x128xf32, #tpu.memory_space<vmem>>) offsets(%get3A_795 : vector<16xi32>) semaphore(%arg12 : memref<!tpu.dma_semaphore, #tpu.memory_space<semaphore_mem>>)
        %get3A_802 = arith.index_cast %add3A_765 : i32 to index
        %get3A_803 = arith.constant 64 : index
        %get3A_804 = tpu.vector_load %arg5[%get3A_802, %get3A_803] {strides = array<i32>} : memref<200x128xi32, #tpu.memory_space<vmem>>, vector<16xi32>,
        %dma_start3A_805 = arith.constant 64 : i32
        %dma_start3A_806 = arith.constant 0 : i32
        %dma_start3A_807 = tpu.memref_slice %arg6[%dma_start3A_805, %dma_start3A_806] : memref<128x128xf32, #tpu.memory_space<vmem>> -> memref<16x128xf32, #tpu.memory_space<vmem>>
        %dma_start3A_808 = arith.constant 0 : i32
        %dma_start3A_809 = arith.constant 0 : i32
        %dma_start3A_810 = tpu.memref_slice %arg2[%dma_start3A_808, %dma_start3A_809] : memref<1000000x128xf32, #tpu.memory_space<hbm>> -> memref<1000000x128xf32, #tpu.memory_space<hbm>>
        tpu.enqueue_indirect_dma source(%dma_start3A_810 : memref<1000000x128xf32, #tpu.memory_space<hbm>>) target(%dma_start3A_807 : memref<16x128xf32, #tpu.memory_space<vmem>>) offsets(%get3A_804 : vector<16xi32>) semaphore(%arg12 : memref<!tpu.dma_semaphore, #tpu.memory_space<semaphore_mem>>)
        %get3A_811 = arith.index_cast %add3A_765 : i32 to index
        %get3A_812 = arith.constant 80 : index
        %get3A_813 = tpu.vector_load %arg5[%get3A_811, %get3A_812] {strides = array<i32>} : memref<200x128xi32, #tpu.memory_space<vmem>>, vector<16xi32>,
        %dma_start3A_814 = arith.constant 80 : i32
        %dma_start3A_815 = arith.constant 0 : i32
        %dma_start3A_816 = tpu.memref_slice %arg6[%dma_start3A_814, %dma_start3A_815] : memref<128x128xf32, #tpu.memory_space<vmem>> -> memref<16x128xf32, #tpu.memory_space<vmem>>
        %dma_start3A_817 = arith.constant 0 : i32
        %dma_start3A_818 = arith.constant 0 : i32
        %dma_start3A_819 = tpu.memref_slice %arg2[%dma_start3A_817, %dma_start3A_818] : memref<1000000x128xf32, #tpu.memory_space<hbm>> -> memref<1000000x128xf32, #tpu.memory_space<hbm>>
        tpu.enqueue_indirect_dma source(%dma_start3A_819 : memref<1000000x128xf32, #tpu.memory_space<hbm>>) target(%dma_start3A_816 : memref<16x128xf32, #tpu.memory_space<vmem>>) offsets(%get3A_813 : vector<16xi32>) semaphore(%arg12 : memref<!tpu.dma_semaphore, #tpu.memory_space<semaphore_mem>>)
        %get3A_820 = arith.index_cast %add3A_765 : i32 to index
        %get3A_821 = arith.constant 96 : index
        %get3A_822 = tpu.vector_load %arg5[%get3A_820, %get3A_821] {strides = array<i32>} : memref<200x128xi32, #tpu.memory_space<vmem>>, vector<16xi32>,
        %dma_start3A_823 = arith.constant 96 : i32
        %dma_start3A_824 = arith.constant 0 : i32
        %dma_start3A_825 = tpu.memref_slice %arg6[%dma_start3A_823, %dma_start3A_824] : memref<128x128xf32, #tpu.memory_space<vmem>> -> memref<16x128xf32, #tpu.memory_space<vmem>>
        %dma_start3A_826 = arith.constant 0 : i32
        %dma_start3A_827 = arith.constant 0 : i32
        %dma_start3A_828 = tpu.memref_slice %arg2[%dma_start3A_826, %dma_start3A_827] : memref<1000000x128xf32, #tpu.memory_space<hbm>> -> memref<1000000x128xf32, #tpu.memory_space<hbm>>
        tpu.enqueue_indirect_dma source(%dma_start3A_828 : memref<1000000x128xf32, #tpu.memory_space<hbm>>) target(%dma_start3A_825 : memref<16x128xf32, #tpu.memory_space<vmem>>) offsets(%get3A_822 : vector<16xi32>) semaphore(%arg12 : memref<!tpu.dma_semaphore, #tpu.memory_space<semaphore_mem>>)
        %get3A_829 = arith.index_cast %add3A_765 : i32 to index
        %get3A_830 = arith.constant 112 : index
        %get3A_831 = tpu.vector_load %arg5[%get3A_829, %get3A_830] {strides = array<i32>} : memref<200x128xi32, #tpu.memory_space<vmem>>, vector<16xi32>,
        %dma_start3A_832 = arith.constant 112 : i32
        %dma_start3A_833 = arith.constant 0 : i32
        %dma_start3A_834 = tpu.memref_slice %arg6[%dma_start3A_832, %dma_start3A_833] : memref<128x128xf32, #tpu.memory_space<vmem>> -> memref<16x128xf32, #tpu.memory_space<vmem>>
        %dma_start3A_835 = arith.constant 0 : i32
        %dma_start3A_836 = arith.constant 0 : i32
        %dma_start3A_837 = tpu.memref_slice %arg2[%dma_start3A_835, %dma_start3A_836] : memref<1000000x128xf32, #tpu.memory_space<hbm>> -> memref<1000000x128xf32, #tpu.memory_space<hbm>>
        tpu.enqueue_indirect_dma source(%dma_start3A_837 : memref<1000000x128xf32, #tpu.memory_space<hbm>>) target(%dma_start3A_834 : memref<16x128xf32, #tpu.memory_space<vmem>>) offsets(%get3A_831 : vector<16xi32>) semaphore(%arg12 : memref<!tpu.dma_semaphore, #tpu.memory_space<semaphore_mem>>)
      } else {
      }
      %get3A_448 = arith.index_cast %add3A_440 : i32 to index
      %get3A_449 = arith.constant 0 : index
      %get3A_450 = tpu.vector_load %arg5[%get3A_448, %get3A_449] {strides = array<i32>} : memref<200x128xi32, #tpu.memory_space<vmem>>, vector<16xi32>,
      %dma_wait3A_451 = arith.constant 0 : i32
      %dma_wait3A_452 = arith.constant 0 : i32
      %dma_wait3A_453 = tpu.memref_slice %arg7[%dma_wait3A_451, %dma_wait3A_452] : memref<128x128xf32, #tpu.memory_space<vmem>> -> memref<16x128xf32, #tpu.memory_space<vmem>>
      %dma_wait3A_454 = arith.constant 0 : i32
      %dma_wait3A_455 = arith.constant 0 : i32
      %dma_wait3A_456 = tpu.memref_slice %arg2[%dma_wait3A_454, %dma_wait3A_455] : memref<1000000x128xf32, #tpu.memory_space<hbm>> -> memref<1000000x128xf32, #tpu.memory_space<hbm>>
      tpu.wait_indirect_dma semaphore(%arg13 : memref<!tpu.dma_semaphore, #tpu.memory_space<semaphore_mem>>) src(%dma_wait3A_456 : memref<1000000x128xf32, #tpu.memory_space<hbm>>) dst(%dma_wait3A_453 : memref<16x128xf32, #tpu.memory_space<vmem>>)
      %get3A_457 = arith.index_cast %add3A_440 : i32 to index
      %get3A_458 = arith.constant 16 : index
      %get3A_459 = tpu.vector_load %arg5[%get3A_457, %get3A_458] {strides = array<i32>} : memref<200x128xi32, #tpu.memory_space<vmem>>, vector<16xi32>,
      %dma_wait3A_460 = arith.constant 16 : i32
      %dma_wait3A_461 = arith.constant 0 : i32
      %dma_wait3A_462 = tpu.memref_slice %arg7[%dma_wait3A_460, %dma_wait3A_461] : memref<128x128xf32, #tpu.memory_space<vmem>> -> memref<16x128xf32, #tpu.memory_space<vmem>>
      %dma_wait3A_463 = arith.constant 0 : i32
      %dma_wait3A_464 = arith.constant 0 : i32
      %dma_wait3A_465 = tpu.memref_slice %arg2[%dma_wait3A_463, %dma_wait3A_464] : memref<1000000x128xf32, #tpu.memory_space<hbm>> -> memref<1000000x128xf32, #tpu.memory_space<hbm>>
      tpu.wait_indirect_dma semaphore(%arg13 : memref<!tpu.dma_semaphore, #tpu.memory_space<semaphore_mem>>) src(%dma_wait3A_465 : memref<1000000x128xf32, #tpu.memory_space<hbm>>) dst(%dma_wait3A_462 : memref<16x128xf32, #tpu.memory_space<vmem>>)
      %get3A_466 = arith.index_cast %add3A_440 : i32 to index
      %get3A_467 = arith.constant 32 : index
      %get3A_468 = tpu.vector_load %arg5[%get3A_466, %get3A_467] {strides = array<i32>} : memref<200x128xi32, #tpu.memory_space<vmem>>, vector<16xi32>,
      %dma_wait3A_469 = arith.constant 32 : i32
      %dma_wait3A_470 = arith.constant 0 : i32
      %dma_wait3A_471 = tpu.memref_slice %arg7[%dma_wait3A_469, %dma_wait3A_470] : memref<128x128xf32, #tpu.memory_space<vmem>> -> memref<16x128xf32, #tpu.memory_space<vmem>>
      %dma_wait3A_472 = arith.constant 0 : i32
      %dma_wait3A_473 = arith.constant 0 : i32
      %dma_wait3A_474 = tpu.memref_slice %arg2[%dma_wait3A_472, %dma_wait3A_473] : memref<1000000x128xf32, #tpu.memory_space<hbm>> -> memref<1000000x128xf32, #tpu.memory_space<hbm>>
      tpu.wait_indirect_dma semaphore(%arg13 : memref<!tpu.dma_semaphore, #tpu.memory_space<semaphore_mem>>) src(%dma_wait3A_474 : memref<1000000x128xf32, #tpu.memory_space<hbm>>) dst(%dma_wait3A_471 : memref<16x128xf32, #tpu.memory_space<vmem>>)
      %get3A_475 = arith.index_cast %add3A_440 : i32 to index
      %get3A_476 = arith.constant 48 : index
      %get3A_477 = tpu.vector_load %arg5[%get3A_475, %get3A_476] {strides = array<i32>} : memref<200x128xi32, #tpu.memory_space<vmem>>, vector<16xi32>,
      %dma_wait3A_478 = arith.constant 48 : i32
      %dma_wait3A_479 = arith.constant 0 : i32
      %dma_wait3A_480 = tpu.memref_slice %arg7[%dma_wait3A_478, %dma_wait3A_479] : memref<128x128xf32, #tpu.memory_space<vmem>> -> memref<16x128xf32, #tpu.memory_space<vmem>>
      %dma_wait3A_481 = arith.constant 0 : i32
      %dma_wait3A_482 = arith.constant 0 : i32
      %dma_wait3A_483 = tpu.memref_slice %arg2[%dma_wait3A_481, %dma_wait3A_482] : memref<1000000x128xf32, #tpu.memory_space<hbm>> -> memref<1000000x128xf32, #tpu.memory_space<hbm>>
      tpu.wait_indirect_dma semaphore(%arg13 : memref<!tpu.dma_semaphore, #tpu.memory_space<semaphore_mem>>) src(%dma_wait3A_483 : memref<1000000x128xf32, #tpu.memory_space<hbm>>) dst(%dma_wait3A_480 : memref<16x128xf32, #tpu.memory_space<vmem>>)
      %get3A_484 = arith.index_cast %add3A_440 : i32 to index
      %get3A_485 = arith.constant 64 : index
      %get3A_486 = tpu.vector_load %arg5[%get3A_484, %get3A_485] {strides = array<i32>} : memref<200x128xi32, #tpu.memory_space<vmem>>, vector<16xi32>,
      %dma_wait3A_487 = arith.constant 64 : i32
      %dma_wait3A_488 = arith.constant 0 : i32
      %dma_wait3A_489 = tpu.memref_slice %arg7[%dma_wait3A_487, %dma_wait3A_488] : memref<128x128xf32, #tpu.memory_space<vmem>> -> memref<16x128xf32, #tpu.memory_space<vmem>>
      %dma_wait3A_490 = arith.constant 0 : i32
      %dma_wait3A_491 = arith.constant 0 : i32
      %dma_wait3A_492 = tpu.memref_slice %arg2[%dma_wait3A_490, %dma_wait3A_491] : memref<1000000x128xf32, #tpu.memory_space<hbm>> -> memref<1000000x128xf32, #tpu.memory_space<hbm>>
      tpu.wait_indirect_dma semaphore(%arg13 : memref<!tpu.dma_semaphore, #tpu.memory_space<semaphore_mem>>) src(%dma_wait3A_492 : memref<1000000x128xf32, #tpu.memory_space<hbm>>) dst(%dma_wait3A_489 : memref<16x128xf32, #tpu.memory_space<vmem>>)
      %get3A_493 = arith.index_cast %add3A_440 : i32 to index
      %get3A_494 = arith.constant 80 : index
      %get3A_495 = tpu.vector_load %arg5[%get3A_493, %get3A_494] {strides = array<i32>} : memref<200x128xi32, #tpu.memory_space<vmem>>, vector<16xi32>,
      %dma_wait3A_496 = arith.constant 80 : i32
      %dma_wait3A_497 = arith.constant 0 : i32
      %dma_wait3A_498 = tpu.memref_slice %arg7[%dma_wait3A_496, %dma_wait3A_497] : memref<128x128xf32, #tpu.memory_space<vmem>> -> memref<16x128xf32, #tpu.memory_space<vmem>>
      %dma_wait3A_499 = arith.constant 0 : i32
      %dma_wait3A_500 = arith.constant 0 : i32
      %dma_wait3A_501 = tpu.memref_slice %arg2[%dma_wait3A_499, %dma_wait3A_500] : memref<1000000x128xf32, #tpu.memory_space<hbm>> -> memref<1000000x128xf32, #tpu.memory_space<hbm>>
      tpu.wait_indirect_dma semaphore(%arg13 : memref<!tpu.dma_semaphore, #tpu.memory_space<semaphore_mem>>) src(%dma_wait3A_501 : memref<1000000x128xf32, #tpu.memory_space<hbm>>) dst(%dma_wait3A_498 : memref<16x128xf32, #tpu.memory_space<vmem>>)
      %get3A_502 = arith.index_cast %add3A_440 : i32 to index
      %get3A_503 = arith.constant 96 : index
      %get3A_504 = tpu.vector_load %arg5[%get3A_502, %get3A_503] {strides = array<i32>} : memref<200x128xi32, #tpu.memory_space<vmem>>, vector<16xi32>,
      %dma_wait3A_505 = arith.constant 96 : i32
      %dma_wait3A_506 = arith.constant 0 : i32
      %dma_wait3A_507 = tpu.memref_slice %arg7[%dma_wait3A_505, %dma_wait3A_506] : memref<128x128xf32, #tpu.memory_space<vmem>> -> memref<16x128xf32, #tpu.memory_space<vmem>>
      %dma_wait3A_508 = arith.constant 0 : i32
      %dma_wait3A_509 = arith.constant 0 : i32
      %dma_wait3A_510 = tpu.memref_slice %arg2[%dma_wait3A_508, %dma_wait3A_509] : memref<1000000x128xf32, #tpu.memory_space<hbm>> -> memref<1000000x128xf32, #tpu.memory_space<hbm>>
      tpu.wait_indirect_dma semaphore(%arg13 : memref<!tpu.dma_semaphore, #tpu.memory_space<semaphore_mem>>) src(%dma_wait3A_510 : memref<1000000x128xf32, #tpu.memory_space<hbm>>) dst(%dma_wait3A_507 : memref<16x128xf32, #tpu.memory_space<vmem>>)
      %get3A_511 = arith.index_cast %add3A_440 : i32 to index
      %get3A_512 = arith.constant 112 : index
      %get3A_513 = tpu.vector_load %arg5[%get3A_511, %get3A_512] {strides = array<i32>} : memref<200x128xi32, #tpu.memory_space<vmem>>, vector<16xi32>,
      %dma_wait3A_514 = arith.constant 112 : i32
      %dma_wait3A_515 = arith.constant 0 : i32
      %dma_wait3A_516 = tpu.memref_slice %arg7[%dma_wait3A_514, %dma_wait3A_515] : memref<128x128xf32, #tpu.memory_space<vmem>> -> memref<16x128xf32, #tpu.memory_space<vmem>>
      %dma_wait3A_517 = arith.constant 0 : i32
      %dma_wait3A_518 = arith.constant 0 : i32
      %dma_wait3A_519 = tpu.memref_slice %arg2[%dma_wait3A_517, %dma_wait3A_518] : memref<1000000x128xf32, #tpu.memory_space<hbm>> -> memref<1000000x128xf32, #tpu.memory_space<hbm>>
      tpu.wait_indirect_dma semaphore(%arg13 : memref<!tpu.dma_semaphore, #tpu.memory_space<semaphore_mem>>) src(%dma_wait3A_519 : memref<1000000x128xf32, #tpu.memory_space<hbm>>) dst(%dma_wait3A_516 : memref<16x128xf32, #tpu.memory_space<vmem>>)
      %ge3A_520 = arith.constant 2 : i32
      %ge3A_521 = arith.cmpi sge, %add3A_440, %ge3A_520 : i32
      %convert_element_type3A_522 = arith.extui %ge3A_521 : i1 to i32
      %cond3A_523 = arith.constant 0 : i32
      %cond3A_524 = arith.cmpi ne, %convert_element_type3A_522, %cond3A_523 : i32
      scf.if %cond3A_524 {
        %dma_wait3A_764 = arith.constant 0 : i32
        %dma_wait3A_765 = arith.constant 0 : i32
        %dma_wait3A_766 = arith.constant 0 : i32
        %dma_wait3A_767 = tpu.memref_slice %arg11[%dma_wait3A_764, %dma_wait3A_765, %dma_wait3A_766] : memref<8x8x129xf32, #tpu.memory_space<vmem>> -> memref<8x8x128xf32, #tpu.memory_space<vmem>>
        %dma_wait3A_768 = arith.constant 0 : i32
        %dma_wait3A_769 = arith.constant 0 : i32
        %dma_wait3A_770 = arith.constant 0 : i32
        %dma_wait3A_771 = tpu.memref_slice %arg4[%add3A_440, %dma_wait3A_768, %add3A, %dma_wait3A_769, %dma_wait3A_770] : memref<200x8x32x8x128xf32, #tpu.memory_space<hbm>> -> memref<1x8x1x8x128xf32, #tpu.memory_space<hbm>>
        %dma_wait3A_772 = tpu.memref_squeeze %dma_wait3A_771 : memref<1x8x1x8x128xf32, #tpu.memory_space<hbm>> -> memref<8x8x128xf32, #tpu.memory_space<hbm>>
        %dma_wait3A_773 = arith.constant 0 : i32
        %dma_wait3A_774 = arith.constant 0 : i32
        %dma_wait3A_775 = arith.constant 0 : i32
        %dma_wait3A_776 = tpu.memref_slice %arg4[%add3A_440, %dma_wait3A_773, %add3A, %dma_wait3A_774, %dma_wait3A_775] : memref<200x8x32x8x128xf32, #tpu.memory_space<hbm>> -> memref<1x8x1x8x128xf32, #tpu.memory_space<hbm>>
        %dma_wait3A_777 = tpu.memref_squeeze %dma_wait3A_776 : memref<1x8x1x8x128xf32, #tpu.memory_space<hbm>> -> memref<8x8x128xf32, #tpu.memory_space<hbm>>
        %dma_wait3A_778 = arith.constant 0 : i32
        %dma_wait3A_779 = arith.constant 0 : i32
        %dma_wait3A_780 = arith.constant 0 : i32
        %dma_wait3A_781 = tpu.memref_slice %arg11[%dma_wait3A_778, %dma_wait3A_779, %dma_wait3A_780] : memref<8x8x129xf32, #tpu.memory_space<vmem>> -> memref<8x8x128xf32, #tpu.memory_space<vmem>>
        tpu.wait_dma2 semaphore(%arg17 : memref<!tpu.dma_semaphore, #tpu.memory_space<semaphore_mem>>) src(%dma_wait3A_781 : memref<8x8x128xf32, #tpu.memory_space<vmem>>) dst(%dma_wait3A_777 : memref<8x8x128xf32, #tpu.memory_space<hbm>>)
      } else {
      }
      %parallel_loop3A_525 = arith.constant 0 : i32
      %parallel_loop3A_526 = arith.constant 128 : i32
      %parallel_loop3A_527 = arith.constant 1 : i32
      scf.for %parallel_loop3A_764 = %parallel_loop3A_525 to %parallel_loop3A_526 step %parallel_loop3A_527  : i32 {
        %parallel_loop3A_765 = vector.broadcast %parallel_loop3A_764 : i32 to vector<16xi32>
        %parallel_loop3A_766 = arith.index_cast %parallel_loop3A_764 : i32 to index
        %parallel_loop3A_767 = arith.constant 0 : index
        %parallel_loop3A_768 = tpu.vector_load %arg7[%parallel_loop3A_766, %parallel_loop3A_767] {strides = array<i32>} : memref<128x128xf32, #tpu.memory_space<vmem>>, vector<16xf32>,
        %parallel_loop3A_769 = arith.constant 8.000000e+00 : f32
        %parallel_loop3A_770 = vector.broadcast %parallel_loop3A_769 : f32 to vector<16xf32>
        %parallel_loop3A_771 = arith.mulf %parallel_loop3A_768, %parallel_loop3A_770 : vector<16xf32>
        tpu.vector_store_idx %arg11[%shift_right_arithmetic3A_7, %and3A_30, %parallel_loop3A_765], %parallel_loop3A_771 : memref<8x8x129xf32, #tpu.memory_space<vmem>>[vector<16xi32>, vector<16xi32>, vector<16xi32>], vector<16xf32>,
        %parallel_loop3A_772 = arith.index_cast %parallel_loop3A_764 : i32 to index
        %parallel_loop3A_773 = arith.constant 16 : index
        %parallel_loop3A_774 = tpu.vector_load %arg7[%parallel_loop3A_772, %parallel_loop3A_773] {strides = array<i32>} : memref<128x128xf32, #tpu.memory_space<vmem>>, vector<16xf32>,
        %parallel_loop3A_775 = arith.constant 8.000000e+00 : f32
        %parallel_loop3A_776 = vector.broadcast %parallel_loop3A_775 : f32 to vector<16xf32>
        %parallel_loop3A_777 = arith.mulf %parallel_loop3A_774, %parallel_loop3A_776 : vector<16xf32>
        tpu.vector_store_idx %arg11[%shift_right_arithmetic3A_13, %and3A_36, %parallel_loop3A_765], %parallel_loop3A_777 : memref<8x8x129xf32, #tpu.memory_space<vmem>>[vector<16xi32>, vector<16xi32>, vector<16xi32>], vector<16xf32>,
        %parallel_loop3A_778 = arith.index_cast %parallel_loop3A_764 : i32 to index
        %parallel_loop3A_779 = arith.constant 32 : index
        %parallel_loop3A_780 = tpu.vector_load %arg7[%parallel_loop3A_778, %parallel_loop3A_779] {strides = array<i32>} : memref<128x128xf32, #tpu.memory_space<vmem>>, vector<16xf32>,
        %parallel_loop3A_781 = arith.constant 8.000000e+00 : f32
        %parallel_loop3A_782 = vector.broadcast %parallel_loop3A_781 : f32 to vector<16xf32>
        %parallel_loop3A_783 = arith.mulf %parallel_loop3A_780, %parallel_loop3A_782 : vector<16xf32>
        tpu.vector_store_idx %arg11[%shift_right_arithmetic3A_19, %and3A_42, %parallel_loop3A_765], %parallel_loop3A_783 : memref<8x8x129xf32, #tpu.memory_space<vmem>>[vector<16xi32>, vector<16xi32>, vector<16xi32>], vector<16xf32>,
        %parallel_loop3A_784 = arith.index_cast %parallel_loop3A_764 : i32 to index
        %parallel_loop3A_785 = arith.constant 48 : index
        %parallel_loop3A_786 = tpu.vector_load %arg7[%parallel_loop3A_784, %parallel_loop3A_785] {strides = array<i32>} : memref<128x128xf32, #tpu.memory_space<vmem>>, vector<16xf32>,
        %parallel_loop3A_787 = arith.constant 8.000000e+00 : f32
        %parallel_loop3A_788 = vector.broadcast %parallel_loop3A_787 : f32 to vector<16xf32>
        %parallel_loop3A_789 = arith.mulf %parallel_loop3A_786, %parallel_loop3A_788 : vector<16xf32>
        tpu.vector_store_idx %arg11[%shift_right_arithmetic3A_25, %and3A_48, %parallel_loop3A_765], %parallel_loop3A_789 : memref<8x8x129xf32, #tpu.memory_space<vmem>>[vector<16xi32>, vector<16xi32>, vector<16xi32>], vector<16xf32>,
      } {sc.loop_unroll_factor = 4 : i64, sc.parallel_access}
      %dma_start3A_528 = arith.constant 0 : i32
      %dma_start3A_529 = arith.constant 0 : i32
      %dma_start3A_530 = arith.constant 0 : i32
      %dma_start3A_531 = tpu.memref_slice %arg11[%dma_start3A_528, %dma_start3A_529, %dma_start3A_530] : memref<8x8x129xf32, #tpu.memory_space<vmem>> -> memref<8x8x128xf32, #tpu.memory_space<vmem>>
      %dma_start3A_532 = arith.constant 0 : i32
      %dma_start3A_533 = arith.constant 0 : i32
      %dma_start3A_534 = arith.constant 0 : i32
      %dma_start3A_535 = tpu.memref_slice %arg4[%add3A_440, %dma_start3A_532, %add3A, %dma_start3A_533, %dma_start3A_534] : memref<200x8x32x8x128xf32, #tpu.memory_space<hbm>> -> memref<1x8x1x8x128xf32, #tpu.memory_space<hbm>>
      %dma_start3A_536 = tpu.memref_squeeze %dma_start3A_535 : memref<1x8x1x8x128xf32, #tpu.memory_space<hbm>> -> memref<8x8x128xf32, #tpu.memory_space<hbm>>
      %dma_start3A_537 = arith.constant 0 : i32
      %dma_start3A_538 = arith.constant 0 : i32
      %dma_start3A_539 = arith.constant 0 : i32
      %dma_start3A_540 = tpu.memref_slice %arg4[%add3A_440, %dma_start3A_537, %add3A, %dma_start3A_538, %dma_start3A_539] : memref<200x8x32x8x128xf32, #tpu.memory_space<hbm>> -> memref<1x8x1x8x128xf32, #tpu.memory_space<hbm>>
      %dma_start3A_541 = tpu.memref_squeeze %dma_start3A_540 : memref<1x8x1x8x128xf32, #tpu.memory_space<hbm>> -> memref<8x8x128xf32, #tpu.memory_space<hbm>>
      %dma_start3A_542 = arith.constant 0 : i32
      %dma_start3A_543 = arith.constant 0 : i32
      %dma_start3A_544 = arith.constant 0 : i32
      %dma_start3A_545 = tpu.memref_slice %arg11[%dma_start3A_542, %dma_start3A_543, %dma_start3A_544] : memref<8x8x129xf32, #tpu.memory_space<vmem>> -> memref<8x8x128xf32, #tpu.memory_space<vmem>>
      tpu.enqueue_dma source(%dma_start3A_545 : memref<8x8x128xf32, #tpu.memory_space<vmem>>) target(%dma_start3A_541 : memref<8x8x128xf32, #tpu.memory_space<hbm>>) target_semaphore(%arg17 : memref<!tpu.dma_semaphore, #tpu.memory_space<semaphore_mem>>)
      %mul3A_546 = arith.constant 4 : i32
      %mul3A_547 = arith.muli %add3A_332, %mul3A_546 : i32
      %add3A_548 = arith.constant 2 : i32
      %add3A_549 = arith.addi %mul3A_547, %add3A_548 : i32
      %add3A_550 = arith.constant 3 : i32
      %add3A_551 = arith.addi %add3A_549, %add3A_550 : i32
      %lt3A_552 = arith.constant 200 : i32
      %lt3A_553 = arith.cmpi slt, %add3A_551, %lt3A_552 : i32
      %convert_element_type3A_554 = arith.extui %lt3A_553 : i1 to i32
      %cond3A_555 = arith.constant 0 : i32
      %cond3A_556 = arith.cmpi ne, %convert_element_type3A_554, %cond3A_555 : i32
      scf.if %cond3A_556 {
        %add3A_764 = arith.constant 3 : i32
        %add3A_765 = arith.addi %add3A_549, %add3A_764 : i32
        %get3A_766 = arith.index_cast %add3A_765 : i32 to index
        %get3A_767 = arith.constant 0 : index
        %get3A_768 = tpu.vector_load %arg5[%get3A_766, %get3A_767] {strides = array<i32>} : memref<200x128xi32, #tpu.memory_space<vmem>>, vector<16xi32>,
        %dma_start3A_769 = arith.constant 0 : i32
        %dma_start3A_770 = arith.constant 0 : i32
        %dma_start3A_771 = tpu.memref_slice %arg7[%dma_start3A_769, %dma_start3A_770] : memref<128x128xf32, #tpu.memory_space<vmem>> -> memref<16x128xf32, #tpu.memory_space<vmem>>
        %dma_start3A_772 = arith.constant 0 : i32
        %dma_start3A_773 = arith.constant 0 : i32
        %dma_start3A_774 = tpu.memref_slice %arg2[%dma_start3A_772, %dma_start3A_773] : memref<1000000x128xf32, #tpu.memory_space<hbm>> -> memref<1000000x128xf32, #tpu.memory_space<hbm>>
        tpu.enqueue_indirect_dma source(%dma_start3A_774 : memref<1000000x128xf32, #tpu.memory_space<hbm>>) target(%dma_start3A_771 : memref<16x128xf32, #tpu.memory_space<vmem>>) offsets(%get3A_768 : vector<16xi32>) semaphore(%arg13 : memref<!tpu.dma_semaphore, #tpu.memory_space<semaphore_mem>>)
        %get3A_775 = arith.index_cast %add3A_765 : i32 to index
        %get3A_776 = arith.constant 16 : index
        %get3A_777 = tpu.vector_load %arg5[%get3A_775, %get3A_776] {strides = array<i32>} : memref<200x128xi32, #tpu.memory_space<vmem>>, vector<16xi32>,
        %dma_start3A_778 = arith.constant 16 : i32
        %dma_start3A_779 = arith.constant 0 : i32
        %dma_start3A_780 = tpu.memref_slice %arg7[%dma_start3A_778, %dma_start3A_779] : memref<128x128xf32, #tpu.memory_space<vmem>> -> memref<16x128xf32, #tpu.memory_space<vmem>>
        %dma_start3A_781 = arith.constant 0 : i32
        %dma_start3A_782 = arith.constant 0 : i32
        %dma_start3A_783 = tpu.memref_slice %arg2[%dma_start3A_781, %dma_start3A_782] : memref<1000000x128xf32, #tpu.memory_space<hbm>> -> memref<1000000x128xf32, #tpu.memory_space<hbm>>
        tpu.enqueue_indirect_dma source(%dma_start3A_783 : memref<1000000x128xf32, #tpu.memory_space<hbm>>) target(%dma_start3A_780 : memref<16x128xf32, #tpu.memory_space<vmem>>) offsets(%get3A_777 : vector<16xi32>) semaphore(%arg13 : memref<!tpu.dma_semaphore, #tpu.memory_space<semaphore_mem>>)
        %get3A_784 = arith.index_cast %add3A_765 : i32 to index
        %get3A_785 = arith.constant 32 : index
        %get3A_786 = tpu.vector_load %arg5[%get3A_784, %get3A_785] {strides = array<i32>} : memref<200x128xi32, #tpu.memory_space<vmem>>, vector<16xi32>,
        %dma_start3A_787 = arith.constant 32 : i32
        %dma_start3A_788 = arith.constant 0 : i32
        %dma_start3A_789 = tpu.memref_slice %arg7[%dma_start3A_787, %dma_start3A_788] : memref<128x128xf32, #tpu.memory_space<vmem>> -> memref<16x128xf32, #tpu.memory_space<vmem>>
        %dma_start3A_790 = arith.constant 0 : i32
        %dma_start3A_791 = arith.constant 0 : i32
        %dma_start3A_792 = tpu.memref_slice %arg2[%dma_start3A_790, %dma_start3A_791] : memref<1000000x128xf32, #tpu.memory_space<hbm>> -> memref<1000000x128xf32, #tpu.memory_space<hbm>>
        tpu.enqueue_indirect_dma source(%dma_start3A_792 : memref<1000000x128xf32, #tpu.memory_space<hbm>>) target(%dma_start3A_789 : memref<16x128xf32, #tpu.memory_space<vmem>>) offsets(%get3A_786 : vector<16xi32>) semaphore(%arg13 : memref<!tpu.dma_semaphore, #tpu.memory_space<semaphore_mem>>)
        %get3A_793 = arith.index_cast %add3A_765 : i32 to index
        %get3A_794 = arith.constant 48 : index
        %get3A_795 = tpu.vector_load %arg5[%get3A_793, %get3A_794] {strides = array<i32>} : memref<200x128xi32, #tpu.memory_space<vmem>>, vector<16xi32>,
        %dma_start3A_796 = arith.constant 48 : i32
        %dma_start3A_797 = arith.constant 0 : i32
        %dma_start3A_798 = tpu.memref_slice %arg7[%dma_start3A_796, %dma_start3A_797] : memref<128x128xf32, #tpu.memory_space<vmem>> -> memref<16x128xf32, #tpu.memory_space<vmem>>
        %dma_start3A_799 = arith.constant 0 : i32
        %dma_start3A_800 = arith.constant 0 : i32
        %dma_start3A_801 = tpu.memref_slice %arg2[%dma_start3A_799, %dma_start3A_800] : memref<1000000x128xf32, #tpu.memory_space<hbm>> -> memref<1000000x128xf32, #tpu.memory_space<hbm>>
        tpu.enqueue_indirect_dma source(%dma_start3A_801 : memref<1000000x128xf32, #tpu.memory_space<hbm>>) target(%dma_start3A_798 : memref<16x128xf32, #tpu.memory_space<vmem>>) offsets(%get3A_795 : vector<16xi32>) semaphore(%arg13 : memref<!tpu.dma_semaphore, #tpu.memory_space<semaphore_mem>>)
        %get3A_802 = arith.index_cast %add3A_765 : i32 to index
        %get3A_803 = arith.constant 64 : index
        %get3A_804 = tpu.vector_load %arg5[%get3A_802, %get3A_803] {strides = array<i32>} : memref<200x128xi32, #tpu.memory_space<vmem>>, vector<16xi32>,
        %dma_start3A_805 = arith.constant 64 : i32
        %dma_start3A_806 = arith.constant 0 : i32
        %dma_start3A_807 = tpu.memref_slice %arg7[%dma_start3A_805, %dma_start3A_806] : memref<128x128xf32, #tpu.memory_space<vmem>> -> memref<16x128xf32, #tpu.memory_space<vmem>>
        %dma_start3A_808 = arith.constant 0 : i32
        %dma_start3A_809 = arith.constant 0 : i32
        %dma_start3A_810 = tpu.memref_slice %arg2[%dma_start3A_808, %dma_start3A_809] : memref<1000000x128xf32, #tpu.memory_space<hbm>> -> memref<1000000x128xf32, #tpu.memory_space<hbm>>
        tpu.enqueue_indirect_dma source(%dma_start3A_810 : memref<1000000x128xf32, #tpu.memory_space<hbm>>) target(%dma_start3A_807 : memref<16x128xf32, #tpu.memory_space<vmem>>) offsets(%get3A_804 : vector<16xi32>) semaphore(%arg13 : memref<!tpu.dma_semaphore, #tpu.memory_space<semaphore_mem>>)
        %get3A_811 = arith.index_cast %add3A_765 : i32 to index
        %get3A_812 = arith.constant 80 : index
        %get3A_813 = tpu.vector_load %arg5[%get3A_811, %get3A_812] {strides = array<i32>} : memref<200x128xi32, #tpu.memory_space<vmem>>, vector<16xi32>,
        %dma_start3A_814 = arith.constant 80 : i32
        %dma_start3A_815 = arith.constant 0 : i32
        %dma_start3A_816 = tpu.memref_slice %arg7[%dma_start3A_814, %dma_start3A_815] : memref<128x128xf32, #tpu.memory_space<vmem>> -> memref<16x128xf32, #tpu.memory_space<vmem>>
        %dma_start3A_817 = arith.constant 0 : i32
        %dma_start3A_818 = arith.constant 0 : i32
        %dma_start3A_819 = tpu.memref_slice %arg2[%dma_start3A_817, %dma_start3A_818] : memref<1000000x128xf32, #tpu.memory_space<hbm>> -> memref<1000000x128xf32, #tpu.memory_space<hbm>>
        tpu.enqueue_indirect_dma source(%dma_start3A_819 : memref<1000000x128xf32, #tpu.memory_space<hbm>>) target(%dma_start3A_816 : memref<16x128xf32, #tpu.memory_space<vmem>>) offsets(%get3A_813 : vector<16xi32>) semaphore(%arg13 : memref<!tpu.dma_semaphore, #tpu.memory_space<semaphore_mem>>)
        %get3A_820 = arith.index_cast %add3A_765 : i32 to index
        %get3A_821 = arith.constant 96 : index
        %get3A_822 = tpu.vector_load %arg5[%get3A_820, %get3A_821] {strides = array<i32>} : memref<200x128xi32, #tpu.memory_space<vmem>>, vector<16xi32>,
        %dma_start3A_823 = arith.constant 96 : i32
        %dma_start3A_824 = arith.constant 0 : i32
        %dma_start3A_825 = tpu.memref_slice %arg7[%dma_start3A_823, %dma_start3A_824] : memref<128x128xf32, #tpu.memory_space<vmem>> -> memref<16x128xf32, #tpu.memory_space<vmem>>
        %dma_start3A_826 = arith.constant 0 : i32
        %dma_start3A_827 = arith.constant 0 : i32
        %dma_start3A_828 = tpu.memref_slice %arg2[%dma_start3A_826, %dma_start3A_827] : memref<1000000x128xf32, #tpu.memory_space<hbm>> -> memref<1000000x128xf32, #tpu.memory_space<hbm>>
        tpu.enqueue_indirect_dma source(%dma_start3A_828 : memref<1000000x128xf32, #tpu.memory_space<hbm>>) target(%dma_start3A_825 : memref<16x128xf32, #tpu.memory_space<vmem>>) offsets(%get3A_822 : vector<16xi32>) semaphore(%arg13 : memref<!tpu.dma_semaphore, #tpu.memory_space<semaphore_mem>>)
        %get3A_829 = arith.index_cast %add3A_765 : i32 to index
        %get3A_830 = arith.constant 112 : index
        %get3A_831 = tpu.vector_load %arg5[%get3A_829, %get3A_830] {strides = array<i32>} : memref<200x128xi32, #tpu.memory_space<vmem>>, vector<16xi32>,
        %dma_start3A_832 = arith.constant 112 : i32
        %dma_start3A_833 = arith.constant 0 : i32
        %dma_start3A_834 = tpu.memref_slice %arg7[%dma_start3A_832, %dma_start3A_833] : memref<128x128xf32, #tpu.memory_space<vmem>> -> memref<16x128xf32, #tpu.memory_space<vmem>>
        %dma_start3A_835 = arith.constant 0 : i32
        %dma_start3A_836 = arith.constant 0 : i32
        %dma_start3A_837 = tpu.memref_slice %arg2[%dma_start3A_835, %dma_start3A_836] : memref<1000000x128xf32, #tpu.memory_space<hbm>> -> memref<1000000x128xf32, #tpu.memory_space<hbm>>
        tpu.enqueue_indirect_dma source(%dma_start3A_837 : memref<1000000x128xf32, #tpu.memory_space<hbm>>) target(%dma_start3A_834 : memref<16x128xf32, #tpu.memory_space<vmem>>) offsets(%get3A_831 : vector<16xi32>) semaphore(%arg13 : memref<!tpu.dma_semaphore, #tpu.memory_space<semaphore_mem>>)
      } else {
      }
      %get3A_557 = arith.index_cast %add3A_549 : i32 to index
      %get3A_558 = arith.constant 0 : index
      %get3A_559 = tpu.vector_load %arg5[%get3A_557, %get3A_558] {strides = array<i32>} : memref<200x128xi32, #tpu.memory_space<vmem>>, vector<16xi32>,
      %dma_wait3A_560 = arith.constant 0 : i32
      %dma_wait3A_561 = arith.constant 0 : i32
      %dma_wait3A_562 = tpu.memref_slice %arg8[%dma_wait3A_560, %dma_wait3A_561] : memref<128x128xf32, #tpu.memory_space<vmem>> -> memref<16x128xf32, #tpu.memory_space<vmem>>
      %dma_wait3A_563 = arith.constant 0 : i32
      %dma_wait3A_564 = arith.constant 0 : i32
      %dma_wait3A_565 = tpu.memref_slice %arg2[%dma_wait3A_563, %dma_wait3A_564] : memref<1000000x128xf32, #tpu.memory_space<hbm>> -> memref<1000000x128xf32, #tpu.memory_space<hbm>>
      tpu.wait_indirect_dma semaphore(%arg14 : memref<!tpu.dma_semaphore, #tpu.memory_space<semaphore_mem>>) src(%dma_wait3A_565 : memref<1000000x128xf32, #tpu.memory_space<hbm>>) dst(%dma_wait3A_562 : memref<16x128xf32, #tpu.memory_space<vmem>>)
      %get3A_566 = arith.index_cast %add3A_549 : i32 to index
      %get3A_567 = arith.constant 16 : index
      %get3A_568 = tpu.vector_load %arg5[%get3A_566, %get3A_567] {strides = array<i32>} : memref<200x128xi32, #tpu.memory_space<vmem>>, vector<16xi32>,
      %dma_wait3A_569 = arith.constant 16 : i32
      %dma_wait3A_570 = arith.constant 0 : i32
      %dma_wait3A_571 = tpu.memref_slice %arg8[%dma_wait3A_569, %dma_wait3A_570] : memref<128x128xf32, #tpu.memory_space<vmem>> -> memref<16x128xf32, #tpu.memory_space<vmem>>
      %dma_wait3A_572 = arith.constant 0 : i32
      %dma_wait3A_573 = arith.constant 0 : i32
      %dma_wait3A_574 = tpu.memref_slice %arg2[%dma_wait3A_572, %dma_wait3A_573] : memref<1000000x128xf32, #tpu.memory_space<hbm>> -> memref<1000000x128xf32, #tpu.memory_space<hbm>>
      tpu.wait_indirect_dma semaphore(%arg14 : memref<!tpu.dma_semaphore, #tpu.memory_space<semaphore_mem>>) src(%dma_wait3A_574 : memref<1000000x128xf32, #tpu.memory_space<hbm>>) dst(%dma_wait3A_571 : memref<16x128xf32, #tpu.memory_space<vmem>>)
      %get3A_575 = arith.index_cast %add3A_549 : i32 to index
      %get3A_576 = arith.constant 32 : index
      %get3A_577 = tpu.vector_load %arg5[%get3A_575, %get3A_576] {strides = array<i32>} : memref<200x128xi32, #tpu.memory_space<vmem>>, vector<16xi32>,
      %dma_wait3A_578 = arith.constant 32 : i32
      %dma_wait3A_579 = arith.constant 0 : i32
      %dma_wait3A_580 = tpu.memref_slice %arg8[%dma_wait3A_578, %dma_wait3A_579] : memref<128x128xf32, #tpu.memory_space<vmem>> -> memref<16x128xf32, #tpu.memory_space<vmem>>
      %dma_wait3A_581 = arith.constant 0 : i32
      %dma_wait3A_582 = arith.constant 0 : i32
      %dma_wait3A_583 = tpu.memref_slice %arg2[%dma_wait3A_581, %dma_wait3A_582] : memref<1000000x128xf32, #tpu.memory_space<hbm>> -> memref<1000000x128xf32, #tpu.memory_space<hbm>>
      tpu.wait_indirect_dma semaphore(%arg14 : memref<!tpu.dma_semaphore, #tpu.memory_space<semaphore_mem>>) src(%dma_wait3A_583 : memref<1000000x128xf32, #tpu.memory_space<hbm>>) dst(%dma_wait3A_580 : memref<16x128xf32, #tpu.memory_space<vmem>>)
      %get3A_584 = arith.index_cast %add3A_549 : i32 to index
      %get3A_585 = arith.constant 48 : index
      %get3A_586 = tpu.vector_load %arg5[%get3A_584, %get3A_585] {strides = array<i32>} : memref<200x128xi32, #tpu.memory_space<vmem>>, vector<16xi32>,
      %dma_wait3A_587 = arith.constant 48 : i32
      %dma_wait3A_588 = arith.constant 0 : i32
      %dma_wait3A_589 = tpu.memref_slice %arg8[%dma_wait3A_587, %dma_wait3A_588] : memref<128x128xf32, #tpu.memory_space<vmem>> -> memref<16x128xf32, #tpu.memory_space<vmem>>
      %dma_wait3A_590 = arith.constant 0 : i32
      %dma_wait3A_591 = arith.constant 0 : i32
      %dma_wait3A_592 = tpu.memref_slice %arg2[%dma_wait3A_590, %dma_wait3A_591] : memref<1000000x128xf32, #tpu.memory_space<hbm>> -> memref<1000000x128xf32, #tpu.memory_space<hbm>>
      tpu.wait_indirect_dma semaphore(%arg14 : memref<!tpu.dma_semaphore, #tpu.memory_space<semaphore_mem>>) src(%dma_wait3A_592 : memref<1000000x128xf32, #tpu.memory_space<hbm>>) dst(%dma_wait3A_589 : memref<16x128xf32, #tpu.memory_space<vmem>>)
      %get3A_593 = arith.index_cast %add3A_549 : i32 to index
      %get3A_594 = arith.constant 64 : index
      %get3A_595 = tpu.vector_load %arg5[%get3A_593, %get3A_594] {strides = array<i32>} : memref<200x128xi32, #tpu.memory_space<vmem>>, vector<16xi32>,
      %dma_wait3A_596 = arith.constant 64 : i32
      %dma_wait3A_597 = arith.constant 0 : i32
      %dma_wait3A_598 = tpu.memref_slice %arg8[%dma_wait3A_596, %dma_wait3A_597] : memref<128x128xf32, #tpu.memory_space<vmem>> -> memref<16x128xf32, #tpu.memory_space<vmem>>
      %dma_wait3A_599 = arith.constant 0 : i32
      %dma_wait3A_600 = arith.constant 0 : i32
      %dma_wait3A_601 = tpu.memref_slice %arg2[%dma_wait3A_599, %dma_wait3A_600] : memref<1000000x128xf32, #tpu.memory_space<hbm>> -> memref<1000000x128xf32, #tpu.memory_space<hbm>>
      tpu.wait_indirect_dma semaphore(%arg14 : memref<!tpu.dma_semaphore, #tpu.memory_space<semaphore_mem>>) src(%dma_wait3A_601 : memref<1000000x128xf32, #tpu.memory_space<hbm>>) dst(%dma_wait3A_598 : memref<16x128xf32, #tpu.memory_space<vmem>>)
      %get3A_602 = arith.index_cast %add3A_549 : i32 to index
      %get3A_603 = arith.constant 80 : index
      %get3A_604 = tpu.vector_load %arg5[%get3A_602, %get3A_603] {strides = array<i32>} : memref<200x128xi32, #tpu.memory_space<vmem>>, vector<16xi32>,
      %dma_wait3A_605 = arith.constant 80 : i32
      %dma_wait3A_606 = arith.constant 0 : i32
      %dma_wait3A_607 = tpu.memref_slice %arg8[%dma_wait3A_605, %dma_wait3A_606] : memref<128x128xf32, #tpu.memory_space<vmem>> -> memref<16x128xf32, #tpu.memory_space<vmem>>
      %dma_wait3A_608 = arith.constant 0 : i32
      %dma_wait3A_609 = arith.constant 0 : i32
      %dma_wait3A_610 = tpu.memref_slice %arg2[%dma_wait3A_608, %dma_wait3A_609] : memref<1000000x128xf32, #tpu.memory_space<hbm>> -> memref<1000000x128xf32, #tpu.memory_space<hbm>>
      tpu.wait_indirect_dma semaphore(%arg14 : memref<!tpu.dma_semaphore, #tpu.memory_space<semaphore_mem>>) src(%dma_wait3A_610 : memref<1000000x128xf32, #tpu.memory_space<hbm>>) dst(%dma_wait3A_607 : memref<16x128xf32, #tpu.memory_space<vmem>>)
      %get3A_611 = arith.index_cast %add3A_549 : i32 to index
      %get3A_612 = arith.constant 96 : index
      %get3A_613 = tpu.vector_load %arg5[%get3A_611, %get3A_612] {strides = array<i32>} : memref<200x128xi32, #tpu.memory_space<vmem>>, vector<16xi32>,
      %dma_wait3A_614 = arith.constant 96 : i32
      %dma_wait3A_615 = arith.constant 0 : i32
      %dma_wait3A_616 = tpu.memref_slice %arg8[%dma_wait3A_614, %dma_wait3A_615] : memref<128x128xf32, #tpu.memory_space<vmem>> -> memref<16x128xf32, #tpu.memory_space<vmem>>
      %dma_wait3A_617 = arith.constant 0 : i32
      %dma_wait3A_618 = arith.constant 0 : i32
      %dma_wait3A_619 = tpu.memref_slice %arg2[%dma_wait3A_617, %dma_wait3A_618] : memref<1000000x128xf32, #tpu.memory_space<hbm>> -> memref<1000000x128xf32, #tpu.memory_space<hbm>>
      tpu.wait_indirect_dma semaphore(%arg14 : memref<!tpu.dma_semaphore, #tpu.memory_space<semaphore_mem>>) src(%dma_wait3A_619 : memref<1000000x128xf32, #tpu.memory_space<hbm>>) dst(%dma_wait3A_616 : memref<16x128xf32, #tpu.memory_space<vmem>>)
      %get3A_620 = arith.index_cast %add3A_549 : i32 to index
      %get3A_621 = arith.constant 112 : index
      %get3A_622 = tpu.vector_load %arg5[%get3A_620, %get3A_621] {strides = array<i32>} : memref<200x128xi32, #tpu.memory_space<vmem>>, vector<16xi32>,
      %dma_wait3A_623 = arith.constant 112 : i32
      %dma_wait3A_624 = arith.constant 0 : i32
      %dma_wait3A_625 = tpu.memref_slice %arg8[%dma_wait3A_623, %dma_wait3A_624] : memref<128x128xf32, #tpu.memory_space<vmem>> -> memref<16x128xf32, #tpu.memory_space<vmem>>
      %dma_wait3A_626 = arith.constant 0 : i32
      %dma_wait3A_627 = arith.constant 0 : i32
      %dma_wait3A_628 = tpu.memref_slice %arg2[%dma_wait3A_626, %dma_wait3A_627] : memref<1000000x128xf32, #tpu.memory_space<hbm>> -> memref<1000000x128xf32, #tpu.memory_space<hbm>>
      tpu.wait_indirect_dma semaphore(%arg14 : memref<!tpu.dma_semaphore, #tpu.memory_space<semaphore_mem>>) src(%dma_wait3A_628 : memref<1000000x128xf32, #tpu.memory_space<hbm>>) dst(%dma_wait3A_625 : memref<16x128xf32, #tpu.memory_space<vmem>>)
      %ge3A_629 = arith.constant 2 : i32
      %ge3A_630 = arith.cmpi sge, %add3A_549, %ge3A_629 : i32
      %convert_element_type3A_631 = arith.extui %ge3A_630 : i1 to i32
      %cond3A_632 = arith.constant 0 : i32
      %cond3A_633 = arith.cmpi ne, %convert_element_type3A_631, %cond3A_632 : i32
      scf.if %cond3A_633 {
        %dma_wait3A_764 = arith.constant 0 : i32
        %dma_wait3A_765 = arith.constant 0 : i32
        %dma_wait3A_766 = arith.constant 0 : i32
        %dma_wait3A_767 = tpu.memref_slice %arg10[%dma_wait3A_764, %dma_wait3A_765, %dma_wait3A_766] : memref<8x8x129xf32, #tpu.memory_space<vmem>> -> memref<8x8x128xf32, #tpu.memory_space<vmem>>
        %dma_wait3A_768 = arith.constant 0 : i32
        %dma_wait3A_769 = arith.constant 0 : i32
        %dma_wait3A_770 = arith.constant 0 : i32
        %dma_wait3A_771 = tpu.memref_slice %arg4[%add3A_549, %dma_wait3A_768, %add3A, %dma_wait3A_769, %dma_wait3A_770] : memref<200x8x32x8x128xf32, #tpu.memory_space<hbm>> -> memref<1x8x1x8x128xf32, #tpu.memory_space<hbm>>
        %dma_wait3A_772 = tpu.memref_squeeze %dma_wait3A_771 : memref<1x8x1x8x128xf32, #tpu.memory_space<hbm>> -> memref<8x8x128xf32, #tpu.memory_space<hbm>>
        %dma_wait3A_773 = arith.constant 0 : i32
        %dma_wait3A_774 = arith.constant 0 : i32
        %dma_wait3A_775 = arith.constant 0 : i32
        %dma_wait3A_776 = tpu.memref_slice %arg4[%add3A_549, %dma_wait3A_773, %add3A, %dma_wait3A_774, %dma_wait3A_775] : memref<200x8x32x8x128xf32, #tpu.memory_space<hbm>> -> memref<1x8x1x8x128xf32, #tpu.memory_space<hbm>>
        %dma_wait3A_777 = tpu.memref_squeeze %dma_wait3A_776 : memref<1x8x1x8x128xf32, #tpu.memory_space<hbm>> -> memref<8x8x128xf32, #tpu.memory_space<hbm>>
        %dma_wait3A_778 = arith.constant 0 : i32
        %dma_wait3A_779 = arith.constant 0 : i32
        %dma_wait3A_780 = arith.constant 0 : i32
        %dma_wait3A_781 = tpu.memref_slice %arg10[%dma_wait3A_778, %dma_wait3A_779, %dma_wait3A_780] : memref<8x8x129xf32, #tpu.memory_space<vmem>> -> memref<8x8x128xf32, #tpu.memory_space<vmem>>
        tpu.wait_dma2 semaphore(%arg16 : memref<!tpu.dma_semaphore, #tpu.memory_space<semaphore_mem>>) src(%dma_wait3A_781 : memref<8x8x128xf32, #tpu.memory_space<vmem>>) dst(%dma_wait3A_777 : memref<8x8x128xf32, #tpu.memory_space<hbm>>)
      } else {
      }
      %parallel_loop3A_634 = arith.constant 0 : i32
      %parallel_loop3A_635 = arith.constant 128 : i32
      %parallel_loop3A_636 = arith.constant 1 : i32
      scf.for %parallel_loop3A_764 = %parallel_loop3A_634 to %parallel_loop3A_635 step %parallel_loop3A_636  : i32 {
        %parallel_loop3A_765 = vector.broadcast %parallel_loop3A_764 : i32 to vector<16xi32>
        %parallel_loop3A_766 = arith.index_cast %parallel_loop3A_764 : i32 to index
        %parallel_loop3A_767 = arith.constant 0 : index
        %parallel_loop3A_768 = tpu.vector_load %arg8[%parallel_loop3A_766, %parallel_loop3A_767] {strides = array<i32>} : memref<128x128xf32, #tpu.memory_space<vmem>>, vector<16xf32>,
        %parallel_loop3A_769 = arith.constant 8.000000e+00 : f32
        %parallel_loop3A_770 = vector.broadcast %parallel_loop3A_769 : f32 to vector<16xf32>
        %parallel_loop3A_771 = arith.mulf %parallel_loop3A_768, %parallel_loop3A_770 : vector<16xf32>
        tpu.vector_store_idx %arg10[%shift_right_arithmetic3A_7, %and3A_30, %parallel_loop3A_765], %parallel_loop3A_771 : memref<8x8x129xf32, #tpu.memory_space<vmem>>[vector<16xi32>, vector<16xi32>, vector<16xi32>], vector<16xf32>,
        %parallel_loop3A_772 = arith.index_cast %parallel_loop3A_764 : i32 to index
        %parallel_loop3A_773 = arith.constant 16 : index
        %parallel_loop3A_774 = tpu.vector_load %arg8[%parallel_loop3A_772, %parallel_loop3A_773] {strides = array<i32>} : memref<128x128xf32, #tpu.memory_space<vmem>>, vector<16xf32>,
        %parallel_loop3A_775 = arith.constant 8.000000e+00 : f32
        %parallel_loop3A_776 = vector.broadcast %parallel_loop3A_775 : f32 to vector<16xf32>
        %parallel_loop3A_777 = arith.mulf %parallel_loop3A_774, %parallel_loop3A_776 : vector<16xf32>
        tpu.vector_store_idx %arg10[%shift_right_arithmetic3A_13, %and3A_36, %parallel_loop3A_765], %parallel_loop3A_777 : memref<8x8x129xf32, #tpu.memory_space<vmem>>[vector<16xi32>, vector<16xi32>, vector<16xi32>], vector<16xf32>,
        %parallel_loop3A_778 = arith.index_cast %parallel_loop3A_764 : i32 to index
        %parallel_loop3A_779 = arith.constant 32 : index
        %parallel_loop3A_780 = tpu.vector_load %arg8[%parallel_loop3A_778, %parallel_loop3A_779] {strides = array<i32>} : memref<128x128xf32, #tpu.memory_space<vmem>>, vector<16xf32>,
        %parallel_loop3A_781 = arith.constant 8.000000e+00 : f32
        %parallel_loop3A_782 = vector.broadcast %parallel_loop3A_781 : f32 to vector<16xf32>
        %parallel_loop3A_783 = arith.mulf %parallel_loop3A_780, %parallel_loop3A_782 : vector<16xf32>
        tpu.vector_store_idx %arg10[%shift_right_arithmetic3A_19, %and3A_42, %parallel_loop3A_765], %parallel_loop3A_783 : memref<8x8x129xf32, #tpu.memory_space<vmem>>[vector<16xi32>, vector<16xi32>, vector<16xi32>], vector<16xf32>,
        %parallel_loop3A_784 = arith.index_cast %parallel_loop3A_764 : i32 to index
        %parallel_loop3A_785 = arith.constant 48 : index
        %parallel_loop3A_786 = tpu.vector_load %arg8[%parallel_loop3A_784, %parallel_loop3A_785] {strides = array<i32>} : memref<128x128xf32, #tpu.memory_space<vmem>>, vector<16xf32>,
        %parallel_loop3A_787 = arith.constant 8.000000e+00 : f32
        %parallel_loop3A_788 = vector.broadcast %parallel_loop3A_787 : f32 to vector<16xf32>
        %parallel_loop3A_789 = arith.mulf %parallel_loop3A_786, %parallel_loop3A_788 : vector<16xf32>
        tpu.vector_store_idx %arg10[%shift_right_arithmetic3A_25, %and3A_48, %parallel_loop3A_765], %parallel_loop3A_789 : memref<8x8x129xf32, #tpu.memory_space<vmem>>[vector<16xi32>, vector<16xi32>, vector<16xi32>], vector<16xf32>,
      } {sc.loop_unroll_factor = 4 : i64, sc.parallel_access}
      %dma_start3A_637 = arith.constant 0 : i32
      %dma_start3A_638 = arith.constant 0 : i32
      %dma_start3A_639 = arith.constant 0 : i32
      %dma_start3A_640 = tpu.memref_slice %arg10[%dma_start3A_637, %dma_start3A_638, %dma_start3A_639] : memref<8x8x129xf32, #tpu.memory_space<vmem>> -> memref<8x8x128xf32, #tpu.memory_space<vmem>>
      %dma_start3A_641 = arith.constant 0 : i32
      %dma_start3A_642 = arith.constant 0 : i32
      %dma_start3A_643 = arith.constant 0 : i32
      %dma_start3A_644 = tpu.memref_slice %arg4[%add3A_549, %dma_start3A_641, %add3A, %dma_start3A_642, %dma_start3A_643] : memref<200x8x32x8x128xf32, #tpu.memory_space<hbm>> -> memref<1x8x1x8x128xf32, #tpu.memory_space<hbm>>
      %dma_start3A_645 = tpu.memref_squeeze %dma_start3A_644 : memref<1x8x1x8x128xf32, #tpu.memory_space<hbm>> -> memref<8x8x128xf32, #tpu.memory_space<hbm>>
      %dma_start3A_646 = arith.constant 0 : i32
      %dma_start3A_647 = arith.constant 0 : i32
      %dma_start3A_648 = arith.constant 0 : i32
      %dma_start3A_649 = tpu.memref_slice %arg4[%add3A_549, %dma_start3A_646, %add3A, %dma_start3A_647, %dma_start3A_648] : memref<200x8x32x8x128xf32, #tpu.memory_space<hbm>> -> memref<1x8x1x8x128xf32, #tpu.memory_space<hbm>>
      %dma_start3A_650 = tpu.memref_squeeze %dma_start3A_649 : memref<1x8x1x8x128xf32, #tpu.memory_space<hbm>> -> memref<8x8x128xf32, #tpu.memory_space<hbm>>
      %dma_start3A_651 = arith.constant 0 : i32
      %dma_start3A_652 = arith.constant 0 : i32
      %dma_start3A_653 = arith.constant 0 : i32
      %dma_start3A_654 = tpu.memref_slice %arg10[%dma_start3A_651, %dma_start3A_652, %dma_start3A_653] : memref<8x8x129xf32, #tpu.memory_space<vmem>> -> memref<8x8x128xf32, #tpu.memory_space<vmem>>
      tpu.enqueue_dma source(%dma_start3A_654 : memref<8x8x128xf32, #tpu.memory_space<vmem>>) target(%dma_start3A_650 : memref<8x8x128xf32, #tpu.memory_space<hbm>>) target_semaphore(%arg16 : memref<!tpu.dma_semaphore, #tpu.memory_space<semaphore_mem>>)
      %mul3A_655 = arith.constant 4 : i32
      %mul3A_656 = arith.muli %add3A_332, %mul3A_655 : i32
      %add3A_657 = arith.constant 3 : i32
      %add3A_658 = arith.addi %mul3A_656, %add3A_657 : i32
      %add3A_659 = arith.constant 3 : i32
      %add3A_660 = arith.addi %add3A_658, %add3A_659 : i32
      %lt3A_661 = arith.constant 200 : i32
      %lt3A_662 = arith.cmpi slt, %add3A_660, %lt3A_661 : i32
      %convert_element_type3A_663 = arith.extui %lt3A_662 : i1 to i32
      %cond3A_664 = arith.constant 0 : i32
      %cond3A_665 = arith.cmpi ne, %convert_element_type3A_663, %cond3A_664 : i32
      scf.if %cond3A_665 {
        %add3A_764 = arith.constant 3 : i32
        %add3A_765 = arith.addi %add3A_658, %add3A_764 : i32
        %get3A_766 = arith.index_cast %add3A_765 : i32 to index
        %get3A_767 = arith.constant 0 : index
        %get3A_768 = tpu.vector_load %arg5[%get3A_766, %get3A_767] {strides = array<i32>} : memref<200x128xi32, #tpu.memory_space<vmem>>, vector<16xi32>,
        %dma_start3A_769 = arith.constant 0 : i32
        %dma_start3A_770 = arith.constant 0 : i32
        %dma_start3A_771 = tpu.memref_slice %arg8[%dma_start3A_769, %dma_start3A_770] : memref<128x128xf32, #tpu.memory_space<vmem>> -> memref<16x128xf32, #tpu.memory_space<vmem>>
        %dma_start3A_772 = arith.constant 0 : i32
        %dma_start3A_773 = arith.constant 0 : i32
        %dma_start3A_774 = tpu.memref_slice %arg2[%dma_start3A_772, %dma_start3A_773] : memref<1000000x128xf32, #tpu.memory_space<hbm>> -> memref<1000000x128xf32, #tpu.memory_space<hbm>>
        tpu.enqueue_indirect_dma source(%dma_start3A_774 : memref<1000000x128xf32, #tpu.memory_space<hbm>>) target(%dma_start3A_771 : memref<16x128xf32, #tpu.memory_space<vmem>>) offsets(%get3A_768 : vector<16xi32>) semaphore(%arg14 : memref<!tpu.dma_semaphore, #tpu.memory_space<semaphore_mem>>)
        %get3A_775 = arith.index_cast %add3A_765 : i32 to index
        %get3A_776 = arith.constant 16 : index
        %get3A_777 = tpu.vector_load %arg5[%get3A_775, %get3A_776] {strides = array<i32>} : memref<200x128xi32, #tpu.memory_space<vmem>>, vector<16xi32>,
        %dma_start3A_778 = arith.constant 16 : i32
        %dma_start3A_779 = arith.constant 0 : i32
        %dma_start3A_780 = tpu.memref_slice %arg8[%dma_start3A_778, %dma_start3A_779] : memref<128x128xf32, #tpu.memory_space<vmem>> -> memref<16x128xf32, #tpu.memory_space<vmem>>
        %dma_start3A_781 = arith.constant 0 : i32
        %dma_start3A_782 = arith.constant 0 : i32
        %dma_start3A_783 = tpu.memref_slice %arg2[%dma_start3A_781, %dma_start3A_782] : memref<1000000x128xf32, #tpu.memory_space<hbm>> -> memref<1000000x128xf32, #tpu.memory_space<hbm>>
        tpu.enqueue_indirect_dma source(%dma_start3A_783 : memref<1000000x128xf32, #tpu.memory_space<hbm>>) target(%dma_start3A_780 : memref<16x128xf32, #tpu.memory_space<vmem>>) offsets(%get3A_777 : vector<16xi32>) semaphore(%arg14 : memref<!tpu.dma_semaphore, #tpu.memory_space<semaphore_mem>>)
        %get3A_784 = arith.index_cast %add3A_765 : i32 to index
        %get3A_785 = arith.constant 32 : index
        %get3A_786 = tpu.vector_load %arg5[%get3A_784, %get3A_785] {strides = array<i32>} : memref<200x128xi32, #tpu.memory_space<vmem>>, vector<16xi32>,
        %dma_start3A_787 = arith.constant 32 : i32
        %dma_start3A_788 = arith.constant 0 : i32
        %dma_start3A_789 = tpu.memref_slice %arg8[%dma_start3A_787, %dma_start3A_788] : memref<128x128xf32, #tpu.memory_space<vmem>> -> memref<16x128xf32, #tpu.memory_space<vmem>>
        %dma_start3A_790 = arith.constant 0 : i32
        %dma_start3A_791 = arith.constant 0 : i32
        %dma_start3A_792 = tpu.memref_slice %arg2[%dma_start3A_790, %dma_start3A_791] : memref<1000000x128xf32, #tpu.memory_space<hbm>> -> memref<1000000x128xf32, #tpu.memory_space<hbm>>
        tpu.enqueue_indirect_dma source(%dma_start3A_792 : memref<1000000x128xf32, #tpu.memory_space<hbm>>) target(%dma_start3A_789 : memref<16x128xf32, #tpu.memory_space<vmem>>) offsets(%get3A_786 : vector<16xi32>) semaphore(%arg14 : memref<!tpu.dma_semaphore, #tpu.memory_space<semaphore_mem>>)
        %get3A_793 = arith.index_cast %add3A_765 : i32 to index
        %get3A_794 = arith.constant 48 : index
        %get3A_795 = tpu.vector_load %arg5[%get3A_793, %get3A_794] {strides = array<i32>} : memref<200x128xi32, #tpu.memory_space<vmem>>, vector<16xi32>,
        %dma_start3A_796 = arith.constant 48 : i32
        %dma_start3A_797 = arith.constant 0 : i32
        %dma_start3A_798 = tpu.memref_slice %arg8[%dma_start3A_796, %dma_start3A_797] : memref<128x128xf32, #tpu.memory_space<vmem>> -> memref<16x128xf32, #tpu.memory_space<vmem>>
        %dma_start3A_799 = arith.constant 0 : i32
        %dma_start3A_800 = arith.constant 0 : i32
        %dma_start3A_801 = tpu.memref_slice %arg2[%dma_start3A_799, %dma_start3A_800] : memref<1000000x128xf32, #tpu.memory_space<hbm>> -> memref<1000000x128xf32, #tpu.memory_space<hbm>>
        tpu.enqueue_indirect_dma source(%dma_start3A_801 : memref<1000000x128xf32, #tpu.memory_space<hbm>>) target(%dma_start3A_798 : memref<16x128xf32, #tpu.memory_space<vmem>>) offsets(%get3A_795 : vector<16xi32>) semaphore(%arg14 : memref<!tpu.dma_semaphore, #tpu.memory_space<semaphore_mem>>)
        %get3A_802 = arith.index_cast %add3A_765 : i32 to index
        %get3A_803 = arith.constant 64 : index
        %get3A_804 = tpu.vector_load %arg5[%get3A_802, %get3A_803] {strides = array<i32>} : memref<200x128xi32, #tpu.memory_space<vmem>>, vector<16xi32>,
        %dma_start3A_805 = arith.constant 64 : i32
        %dma_start3A_806 = arith.constant 0 : i32
        %dma_start3A_807 = tpu.memref_slice %arg8[%dma_start3A_805, %dma_start3A_806] : memref<128x128xf32, #tpu.memory_space<vmem>> -> memref<16x128xf32, #tpu.memory_space<vmem>>
        %dma_start3A_808 = arith.constant 0 : i32
        %dma_start3A_809 = arith.constant 0 : i32
        %dma_start3A_810 = tpu.memref_slice %arg2[%dma_start3A_808, %dma_start3A_809] : memref<1000000x128xf32, #tpu.memory_space<hbm>> -> memref<1000000x128xf32, #tpu.memory_space<hbm>>
        tpu.enqueue_indirect_dma source(%dma_start3A_810 : memref<1000000x128xf32, #tpu.memory_space<hbm>>) target(%dma_start3A_807 : memref<16x128xf32, #tpu.memory_space<vmem>>) offsets(%get3A_804 : vector<16xi32>) semaphore(%arg14 : memref<!tpu.dma_semaphore, #tpu.memory_space<semaphore_mem>>)
        %get3A_811 = arith.index_cast %add3A_765 : i32 to index
        %get3A_812 = arith.constant 80 : index
        %get3A_813 = tpu.vector_load %arg5[%get3A_811, %get3A_812] {strides = array<i32>} : memref<200x128xi32, #tpu.memory_space<vmem>>, vector<16xi32>,
        %dma_start3A_814 = arith.constant 80 : i32
        %dma_start3A_815 = arith.constant 0 : i32
        %dma_start3A_816 = tpu.memref_slice %arg8[%dma_start3A_814, %dma_start3A_815] : memref<128x128xf32, #tpu.memory_space<vmem>> -> memref<16x128xf32, #tpu.memory_space<vmem>>
        %dma_start3A_817 = arith.constant 0 : i32
        %dma_start3A_818 = arith.constant 0 : i32
        %dma_start3A_819 = tpu.memref_slice %arg2[%dma_start3A_817, %dma_start3A_818] : memref<1000000x128xf32, #tpu.memory_space<hbm>> -> memref<1000000x128xf32, #tpu.memory_space<hbm>>
        tpu.enqueue_indirect_dma source(%dma_start3A_819 : memref<1000000x128xf32, #tpu.memory_space<hbm>>) target(%dma_start3A_816 : memref<16x128xf32, #tpu.memory_space<vmem>>) offsets(%get3A_813 : vector<16xi32>) semaphore(%arg14 : memref<!tpu.dma_semaphore, #tpu.memory_space<semaphore_mem>>)
        %get3A_820 = arith.index_cast %add3A_765 : i32 to index
        %get3A_821 = arith.constant 96 : index
        %get3A_822 = tpu.vector_load %arg5[%get3A_820, %get3A_821] {strides = array<i32>} : memref<200x128xi32, #tpu.memory_space<vmem>>, vector<16xi32>,
        %dma_start3A_823 = arith.constant 96 : i32
        %dma_start3A_824 = arith.constant 0 : i32
        %dma_start3A_825 = tpu.memref_slice %arg8[%dma_start3A_823, %dma_start3A_824] : memref<128x128xf32, #tpu.memory_space<vmem>> -> memref<16x128xf32, #tpu.memory_space<vmem>>
        %dma_start3A_826 = arith.constant 0 : i32
        %dma_start3A_827 = arith.constant 0 : i32
        %dma_start3A_828 = tpu.memref_slice %arg2[%dma_start3A_826, %dma_start3A_827] : memref<1000000x128xf32, #tpu.memory_space<hbm>> -> memref<1000000x128xf32, #tpu.memory_space<hbm>>
        tpu.enqueue_indirect_dma source(%dma_start3A_828 : memref<1000000x128xf32, #tpu.memory_space<hbm>>) target(%dma_start3A_825 : memref<16x128xf32, #tpu.memory_space<vmem>>) offsets(%get3A_822 : vector<16xi32>) semaphore(%arg14 : memref<!tpu.dma_semaphore, #tpu.memory_space<semaphore_mem>>)
        %get3A_829 = arith.index_cast %add3A_765 : i32 to index
        %get3A_830 = arith.constant 112 : index
        %get3A_831 = tpu.vector_load %arg5[%get3A_829, %get3A_830] {strides = array<i32>} : memref<200x128xi32, #tpu.memory_space<vmem>>, vector<16xi32>,
        %dma_start3A_832 = arith.constant 112 : i32
        %dma_start3A_833 = arith.constant 0 : i32
        %dma_start3A_834 = tpu.memref_slice %arg8[%dma_start3A_832, %dma_start3A_833] : memref<128x128xf32, #tpu.memory_space<vmem>> -> memref<16x128xf32, #tpu.memory_space<vmem>>
        %dma_start3A_835 = arith.constant 0 : i32
        %dma_start3A_836 = arith.constant 0 : i32
        %dma_start3A_837 = tpu.memref_slice %arg2[%dma_start3A_835, %dma_start3A_836] : memref<1000000x128xf32, #tpu.memory_space<hbm>> -> memref<1000000x128xf32, #tpu.memory_space<hbm>>
        tpu.enqueue_indirect_dma source(%dma_start3A_837 : memref<1000000x128xf32, #tpu.memory_space<hbm>>) target(%dma_start3A_834 : memref<16x128xf32, #tpu.memory_space<vmem>>) offsets(%get3A_831 : vector<16xi32>) semaphore(%arg14 : memref<!tpu.dma_semaphore, #tpu.memory_space<semaphore_mem>>)
      } else {
      }
      %get3A_666 = arith.index_cast %add3A_658 : i32 to index
      %get3A_667 = arith.constant 0 : index
      %get3A_668 = tpu.vector_load %arg5[%get3A_666, %get3A_667] {strides = array<i32>} : memref<200x128xi32, #tpu.memory_space<vmem>>, vector<16xi32>,
      %dma_wait3A_669 = arith.constant 0 : i32
      %dma_wait3A_670 = arith.constant 0 : i32
      %dma_wait3A_671 = tpu.memref_slice %arg9[%dma_wait3A_669, %dma_wait3A_670] : memref<128x128xf32, #tpu.memory_space<vmem>> -> memref<16x128xf32, #tpu.memory_space<vmem>>
      %dma_wait3A_672 = arith.constant 0 : i32
      %dma_wait3A_673 = arith.constant 0 : i32
      %dma_wait3A_674 = tpu.memref_slice %arg2[%dma_wait3A_672, %dma_wait3A_673] : memref<1000000x128xf32, #tpu.memory_space<hbm>> -> memref<1000000x128xf32, #tpu.memory_space<hbm>>
      tpu.wait_indirect_dma semaphore(%arg15 : memref<!tpu.dma_semaphore, #tpu.memory_space<semaphore_mem>>) src(%dma_wait3A_674 : memref<1000000x128xf32, #tpu.memory_space<hbm>>) dst(%dma_wait3A_671 : memref<16x128xf32, #tpu.memory_space<vmem>>)
      %get3A_675 = arith.index_cast %add3A_658 : i32 to index
      %get3A_676 = arith.constant 16 : index
      %get3A_677 = tpu.vector_load %arg5[%get3A_675, %get3A_676] {strides = array<i32>} : memref<200x128xi32, #tpu.memory_space<vmem>>, vector<16xi32>,
      %dma_wait3A_678 = arith.constant 16 : i32
      %dma_wait3A_679 = arith.constant 0 : i32
      %dma_wait3A_680 = tpu.memref_slice %arg9[%dma_wait3A_678, %dma_wait3A_679] : memref<128x128xf32, #tpu.memory_space<vmem>> -> memref<16x128xf32, #tpu.memory_space<vmem>>
      %dma_wait3A_681 = arith.constant 0 : i32
      %dma_wait3A_682 = arith.constant 0 : i32
      %dma_wait3A_683 = tpu.memref_slice %arg2[%dma_wait3A_681, %dma_wait3A_682] : memref<1000000x128xf32, #tpu.memory_space<hbm>> -> memref<1000000x128xf32, #tpu.memory_space<hbm>>
      tpu.wait_indirect_dma semaphore(%arg15 : memref<!tpu.dma_semaphore, #tpu.memory_space<semaphore_mem>>) src(%dma_wait3A_683 : memref<1000000x128xf32, #tpu.memory_space<hbm>>) dst(%dma_wait3A_680 : memref<16x128xf32, #tpu.memory_space<vmem>>)
      %get3A_684 = arith.index_cast %add3A_658 : i32 to index
      %get3A_685 = arith.constant 32 : index
      %get3A_686 = tpu.vector_load %arg5[%get3A_684, %get3A_685] {strides = array<i32>} : memref<200x128xi32, #tpu.memory_space<vmem>>, vector<16xi32>,
      %dma_wait3A_687 = arith.constant 32 : i32
      %dma_wait3A_688 = arith.constant 0 : i32
      %dma_wait3A_689 = tpu.memref_slice %arg9[%dma_wait3A_687, %dma_wait3A_688] : memref<128x128xf32, #tpu.memory_space<vmem>> -> memref<16x128xf32, #tpu.memory_space<vmem>>
      %dma_wait3A_690 = arith.constant 0 : i32
      %dma_wait3A_691 = arith.constant 0 : i32
      %dma_wait3A_692 = tpu.memref_slice %arg2[%dma_wait3A_690, %dma_wait3A_691] : memref<1000000x128xf32, #tpu.memory_space<hbm>> -> memref<1000000x128xf32, #tpu.memory_space<hbm>>
      tpu.wait_indirect_dma semaphore(%arg15 : memref<!tpu.dma_semaphore, #tpu.memory_space<semaphore_mem>>) src(%dma_wait3A_692 : memref<1000000x128xf32, #tpu.memory_space<hbm>>) dst(%dma_wait3A_689 : memref<16x128xf32, #tpu.memory_space<vmem>>)
      %get3A_693 = arith.index_cast %add3A_658 : i32 to index
      %get3A_694 = arith.constant 48 : index
      %get3A_695 = tpu.vector_load %arg5[%get3A_693, %get3A_694] {strides = array<i32>} : memref<200x128xi32, #tpu.memory_space<vmem>>, vector<16xi32>,
      %dma_wait3A_696 = arith.constant 48 : i32
      %dma_wait3A_697 = arith.constant 0 : i32
      %dma_wait3A_698 = tpu.memref_slice %arg9[%dma_wait3A_696, %dma_wait3A_697] : memref<128x128xf32, #tpu.memory_space<vmem>> -> memref<16x128xf32, #tpu.memory_space<vmem>>
      %dma_wait3A_699 = arith.constant 0 : i32
      %dma_wait3A_700 = arith.constant 0 : i32
      %dma_wait3A_701 = tpu.memref_slice %arg2[%dma_wait3A_699, %dma_wait3A_700] : memref<1000000x128xf32, #tpu.memory_space<hbm>> -> memref<1000000x128xf32, #tpu.memory_space<hbm>>
      tpu.wait_indirect_dma semaphore(%arg15 : memref<!tpu.dma_semaphore, #tpu.memory_space<semaphore_mem>>) src(%dma_wait3A_701 : memref<1000000x128xf32, #tpu.memory_space<hbm>>) dst(%dma_wait3A_698 : memref<16x128xf32, #tpu.memory_space<vmem>>)
      %get3A_702 = arith.index_cast %add3A_658 : i32 to index
      %get3A_703 = arith.constant 64 : index
      %get3A_704 = tpu.vector_load %arg5[%get3A_702, %get3A_703] {strides = array<i32>} : memref<200x128xi32, #tpu.memory_space<vmem>>, vector<16xi32>,
      %dma_wait3A_705 = arith.constant 64 : i32
      %dma_wait3A_706 = arith.constant 0 : i32
      %dma_wait3A_707 = tpu.memref_slice %arg9[%dma_wait3A_705, %dma_wait3A_706] : memref<128x128xf32, #tpu.memory_space<vmem>> -> memref<16x128xf32, #tpu.memory_space<vmem>>
      %dma_wait3A_708 = arith.constant 0 : i32
      %dma_wait3A_709 = arith.constant 0 : i32
      %dma_wait3A_710 = tpu.memref_slice %arg2[%dma_wait3A_708, %dma_wait3A_709] : memref<1000000x128xf32, #tpu.memory_space<hbm>> -> memref<1000000x128xf32, #tpu.memory_space<hbm>>
      tpu.wait_indirect_dma semaphore(%arg15 : memref<!tpu.dma_semaphore, #tpu.memory_space<semaphore_mem>>) src(%dma_wait3A_710 : memref<1000000x128xf32, #tpu.memory_space<hbm>>) dst(%dma_wait3A_707 : memref<16x128xf32, #tpu.memory_space<vmem>>)
      %get3A_711 = arith.index_cast %add3A_658 : i32 to index
      %get3A_712 = arith.constant 80 : index
      %get3A_713 = tpu.vector_load %arg5[%get3A_711, %get3A_712] {strides = array<i32>} : memref<200x128xi32, #tpu.memory_space<vmem>>, vector<16xi32>,
      %dma_wait3A_714 = arith.constant 80 : i32
      %dma_wait3A_715 = arith.constant 0 : i32
      %dma_wait3A_716 = tpu.memref_slice %arg9[%dma_wait3A_714, %dma_wait3A_715] : memref<128x128xf32, #tpu.memory_space<vmem>> -> memref<16x128xf32, #tpu.memory_space<vmem>>
      %dma_wait3A_717 = arith.constant 0 : i32
      %dma_wait3A_718 = arith.constant 0 : i32
      %dma_wait3A_719 = tpu.memref_slice %arg2[%dma_wait3A_717, %dma_wait3A_718] : memref<1000000x128xf32, #tpu.memory_space<hbm>> -> memref<1000000x128xf32, #tpu.memory_space<hbm>>
      tpu.wait_indirect_dma semaphore(%arg15 : memref<!tpu.dma_semaphore, #tpu.memory_space<semaphore_mem>>) src(%dma_wait3A_719 : memref<1000000x128xf32, #tpu.memory_space<hbm>>) dst(%dma_wait3A_716 : memref<16x128xf32, #tpu.memory_space<vmem>>)
      %get3A_720 = arith.index_cast %add3A_658 : i32 to index
      %get3A_721 = arith.constant 96 : index
      %get3A_722 = tpu.vector_load %arg5[%get3A_720, %get3A_721] {strides = array<i32>} : memref<200x128xi32, #tpu.memory_space<vmem>>, vector<16xi32>,
      %dma_wait3A_723 = arith.constant 96 : i32
      %dma_wait3A_724 = arith.constant 0 : i32
      %dma_wait3A_725 = tpu.memref_slice %arg9[%dma_wait3A_723, %dma_wait3A_724] : memref<128x128xf32, #tpu.memory_space<vmem>> -> memref<16x128xf32, #tpu.memory_space<vmem>>
      %dma_wait3A_726 = arith.constant 0 : i32
      %dma_wait3A_727 = arith.constant 0 : i32
      %dma_wait3A_728 = tpu.memref_slice %arg2[%dma_wait3A_726, %dma_wait3A_727] : memref<1000000x128xf32, #tpu.memory_space<hbm>> -> memref<1000000x128xf32, #tpu.memory_space<hbm>>
      tpu.wait_indirect_dma semaphore(%arg15 : memref<!tpu.dma_semaphore, #tpu.memory_space<semaphore_mem>>) src(%dma_wait3A_728 : memref<1000000x128xf32, #tpu.memory_space<hbm>>) dst(%dma_wait3A_725 : memref<16x128xf32, #tpu.memory_space<vmem>>)
      %get3A_729 = arith.index_cast %add3A_658 : i32 to index
      %get3A_730 = arith.constant 112 : index
      %get3A_731 = tpu.vector_load %arg5[%get3A_729, %get3A_730] {strides = array<i32>} : memref<200x128xi32, #tpu.memory_space<vmem>>, vector<16xi32>,
      %dma_wait3A_732 = arith.constant 112 : i32
      %dma_wait3A_733 = arith.constant 0 : i32
      %dma_wait3A_734 = tpu.memref_slice %arg9[%dma_wait3A_732, %dma_wait3A_733] : memref<128x128xf32, #tpu.memory_space<vmem>> -> memref<16x128xf32, #tpu.memory_space<vmem>>
      %dma_wait3A_735 = arith.constant 0 : i32
      %dma_wait3A_736 = arith.constant 0 : i32
      %dma_wait3A_737 = tpu.memref_slice %arg2[%dma_wait3A_735, %dma_wait3A_736] : memref<1000000x128xf32, #tpu.memory_space<hbm>> -> memref<1000000x128xf32, #tpu.memory_space<hbm>>
      tpu.wait_indirect_dma semaphore(%arg15 : memref<!tpu.dma_semaphore, #tpu.memory_space<semaphore_mem>>) src(%dma_wait3A_737 : memref<1000000x128xf32, #tpu.memory_space<hbm>>) dst(%dma_wait3A_734 : memref<16x128xf32, #tpu.memory_space<vmem>>)
      %ge3A_738 = arith.constant 2 : i32
      %ge3A_739 = arith.cmpi sge, %add3A_658, %ge3A_738 : i32
      %convert_element_type3A_740 = arith.extui %ge3A_739 : i1 to i32
      %cond3A_741 = arith.constant 0 : i32
      %cond3A_742 = arith.cmpi ne, %convert_element_type3A_740, %cond3A_741 : i32
      scf.if %cond3A_742 {
        %dma_wait3A_764 = arith.constant 0 : i32
        %dma_wait3A_765 = arith.constant 0 : i32
        %dma_wait3A_766 = arith.constant 0 : i32
        %dma_wait3A_767 = tpu.memref_slice %arg11[%dma_wait3A_764, %dma_wait3A_765, %dma_wait3A_766] : memref<8x8x129xf32, #tpu.memory_space<vmem>> -> memref<8x8x128xf32, #tpu.memory_space<vmem>>
        %dma_wait3A_768 = arith.constant 0 : i32
        %dma_wait3A_769 = arith.constant 0 : i32
        %dma_wait3A_770 = arith.constant 0 : i32
        %dma_wait3A_771 = tpu.memref_slice %arg4[%add3A_658, %dma_wait3A_768, %add3A, %dma_wait3A_769, %dma_wait3A_770] : memref<200x8x32x8x128xf32, #tpu.memory_space<hbm>> -> memref<1x8x1x8x128xf32, #tpu.memory_space<hbm>>
        %dma_wait3A_772 = tpu.memref_squeeze %dma_wait3A_771 : memref<1x8x1x8x128xf32, #tpu.memory_space<hbm>> -> memref<8x8x128xf32, #tpu.memory_space<hbm>>
        %dma_wait3A_773 = arith.constant 0 : i32
        %dma_wait3A_774 = arith.constant 0 : i32
        %dma_wait3A_775 = arith.constant 0 : i32
        %dma_wait3A_776 = tpu.memref_slice %arg4[%add3A_658, %dma_wait3A_773, %add3A, %dma_wait3A_774, %dma_wait3A_775] : memref<200x8x32x8x128xf32, #tpu.memory_space<hbm>> -> memref<1x8x1x8x128xf32, #tpu.memory_space<hbm>>
        %dma_wait3A_777 = tpu.memref_squeeze %dma_wait3A_776 : memref<1x8x1x8x128xf32, #tpu.memory_space<hbm>> -> memref<8x8x128xf32, #tpu.memory_space<hbm>>
        %dma_wait3A_778 = arith.constant 0 : i32
        %dma_wait3A_779 = arith.constant 0 : i32
        %dma_wait3A_780 = arith.constant 0 : i32
        %dma_wait3A_781 = tpu.memref_slice %arg11[%dma_wait3A_778, %dma_wait3A_779, %dma_wait3A_780] : memref<8x8x129xf32, #tpu.memory_space<vmem>> -> memref<8x8x128xf32, #tpu.memory_space<vmem>>
        tpu.wait_dma2 semaphore(%arg17 : memref<!tpu.dma_semaphore, #tpu.memory_space<semaphore_mem>>) src(%dma_wait3A_781 : memref<8x8x128xf32, #tpu.memory_space<vmem>>) dst(%dma_wait3A_777 : memref<8x8x128xf32, #tpu.memory_space<hbm>>)
      } else {
      }
      %parallel_loop3A_743 = arith.constant 0 : i32
      %parallel_loop3A_744 = arith.constant 128 : i32
      %parallel_loop3A_745 = arith.constant 1 : i32
      scf.for %parallel_loop3A_764 = %parallel_loop3A_743 to %parallel_loop3A_744 step %parallel_loop3A_745  : i32 {
        %parallel_loop3A_765 = vector.broadcast %parallel_loop3A_764 : i32 to vector<16xi32>
        %parallel_loop3A_766 = arith.index_cast %parallel_loop3A_764 : i32 to index
        %parallel_loop3A_767 = arith.constant 0 : index
        %parallel_loop3A_768 = tpu.vector_load %arg9[%parallel_loop3A_766, %parallel_loop3A_767] {strides = array<i32>} : memref<128x128xf32, #tpu.memory_space<vmem>>, vector<16xf32>,
        %parallel_loop3A_769 = arith.constant 8.000000e+00 : f32
        %parallel_loop3A_770 = vector.broadcast %parallel_loop3A_769 : f32 to vector<16xf32>
        %parallel_loop3A_771 = arith.mulf %parallel_loop3A_768, %parallel_loop3A_770 : vector<16xf32>
        tpu.vector_store_idx %arg11[%shift_right_arithmetic3A_7, %and3A_30, %parallel_loop3A_765], %parallel_loop3A_771 : memref<8x8x129xf32, #tpu.memory_space<vmem>>[vector<16xi32>, vector<16xi32>, vector<16xi32>], vector<16xf32>,
        %parallel_loop3A_772 = arith.index_cast %parallel_loop3A_764 : i32 to index
        %parallel_loop3A_773 = arith.constant 16 : index
        %parallel_loop3A_774 = tpu.vector_load %arg9[%parallel_loop3A_772, %parallel_loop3A_773] {strides = array<i32>} : memref<128x128xf32, #tpu.memory_space<vmem>>, vector<16xf32>,
        %parallel_loop3A_775 = arith.constant 8.000000e+00 : f32
        %parallel_loop3A_776 = vector.broadcast %parallel_loop3A_775 : f32 to vector<16xf32>
        %parallel_loop3A_777 = arith.mulf %parallel_loop3A_774, %parallel_loop3A_776 : vector<16xf32>
        tpu.vector_store_idx %arg11[%shift_right_arithmetic3A_13, %and3A_36, %parallel_loop3A_765], %parallel_loop3A_777 : memref<8x8x129xf32, #tpu.memory_space<vmem>>[vector<16xi32>, vector<16xi32>, vector<16xi32>], vector<16xf32>,
        %parallel_loop3A_778 = arith.index_cast %parallel_loop3A_764 : i32 to index
        %parallel_loop3A_779 = arith.constant 32 : index
        %parallel_loop3A_780 = tpu.vector_load %arg9[%parallel_loop3A_778, %parallel_loop3A_779] {strides = array<i32>} : memref<128x128xf32, #tpu.memory_space<vmem>>, vector<16xf32>,
        %parallel_loop3A_781 = arith.constant 8.000000e+00 : f32
        %parallel_loop3A_782 = vector.broadcast %parallel_loop3A_781 : f32 to vector<16xf32>
        %parallel_loop3A_783 = arith.mulf %parallel_loop3A_780, %parallel_loop3A_782 : vector<16xf32>
        tpu.vector_store_idx %arg11[%shift_right_arithmetic3A_19, %and3A_42, %parallel_loop3A_765], %parallel_loop3A_783 : memref<8x8x129xf32, #tpu.memory_space<vmem>>[vector<16xi32>, vector<16xi32>, vector<16xi32>], vector<16xf32>,
        %parallel_loop3A_784 = arith.index_cast %parallel_loop3A_764 : i32 to index
        %parallel_loop3A_785 = arith.constant 48 : index
        %parallel_loop3A_786 = tpu.vector_load %arg9[%parallel_loop3A_784, %parallel_loop3A_785] {strides = array<i32>} : memref<128x128xf32, #tpu.memory_space<vmem>>, vector<16xf32>,
        %parallel_loop3A_787 = arith.constant 8.000000e+00 : f32
        %parallel_loop3A_788 = vector.broadcast %parallel_loop3A_787 : f32 to vector<16xf32>
        %parallel_loop3A_789 = arith.mulf %parallel_loop3A_786, %parallel_loop3A_788 : vector<16xf32>
        tpu.vector_store_idx %arg11[%shift_right_arithmetic3A_25, %and3A_48, %parallel_loop3A_765], %parallel_loop3A_789 : memref<8x8x129xf32, #tpu.memory_space<vmem>>[vector<16xi32>, vector<16xi32>, vector<16xi32>], vector<16xf32>,
      } {sc.loop_unroll_factor = 4 : i64, sc.parallel_access}
      %dma_start3A_746 = arith.constant 0 : i32
      %dma_start3A_747 = arith.constant 0 : i32
      %dma_start3A_748 = arith.constant 0 : i32
      %dma_start3A_749 = tpu.memref_slice %arg11[%dma_start3A_746, %dma_start3A_747, %dma_start3A_748] : memref<8x8x129xf32, #tpu.memory_space<vmem>> -> memref<8x8x128xf32, #tpu.memory_space<vmem>>
      %dma_start3A_750 = arith.constant 0 : i32
      %dma_start3A_751 = arith.constant 0 : i32
      %dma_start3A_752 = arith.constant 0 : i32
      %dma_start3A_753 = tpu.memref_slice %arg4[%add3A_658, %dma_start3A_750, %add3A, %dma_start3A_751, %dma_start3A_752] : memref<200x8x32x8x128xf32, #tpu.memory_space<hbm>> -> memref<1x8x1x8x128xf32, #tpu.memory_space<hbm>>
      %dma_start3A_754 = tpu.memref_squeeze %dma_start3A_753 : memref<1x8x1x8x128xf32, #tpu.memory_space<hbm>> -> memref<8x8x128xf32, #tpu.memory_space<hbm>>
      %dma_start3A_755 = arith.constant 0 : i32
      %dma_start3A_756 = arith.constant 0 : i32
      %dma_start3A_757 = arith.constant 0 : i32
      %dma_start3A_758 = tpu.memref_slice %arg4[%add3A_658, %dma_start3A_755, %add3A, %dma_start3A_756, %dma_start3A_757] : memref<200x8x32x8x128xf32, #tpu.memory_space<hbm>> -> memref<1x8x1x8x128xf32, #tpu.memory_space<hbm>>
      %dma_start3A_759 = tpu.memref_squeeze %dma_start3A_758 : memref<1x8x1x8x128xf32, #tpu.memory_space<hbm>> -> memref<8x8x128xf32, #tpu.memory_space<hbm>>
      %dma_start3A_760 = arith.constant 0 : i32
      %dma_start3A_761 = arith.constant 0 : i32
      %dma_start3A_762 = arith.constant 0 : i32
      %dma_start3A_763 = tpu.memref_slice %arg11[%dma_start3A_760, %dma_start3A_761, %dma_start3A_762] : memref<8x8x129xf32, #tpu.memory_space<vmem>> -> memref<8x8x128xf32, #tpu.memory_space<vmem>>
      tpu.enqueue_dma source(%dma_start3A_763 : memref<8x8x128xf32, #tpu.memory_space<vmem>>) target(%dma_start3A_759 : memref<8x8x128xf32, #tpu.memory_space<hbm>>) target_semaphore(%arg17 : memref<!tpu.dma_semaphore, #tpu.memory_space<semaphore_mem>>)
    }
    %scan3A_290 = arith.constant 50 : i32
    %dma_wait3A = arith.constant 0 : i32
    %dma_wait3A_291 = arith.constant 0 : i32
    %dma_wait3A_292 = arith.constant 0 : i32
    %dma_wait3A_293 = arith.constant 0 : i32
    %dma_wait3A_294 = tpu.memref_slice %arg10[%dma_wait3A_291, %dma_wait3A_292, %dma_wait3A_293] : memref<8x8x129xf32, #tpu.memory_space<vmem>> -> memref<8x8x128xf32, #tpu.memory_space<vmem>>
    %dma_wait3A_295 = arith.constant 0 : i32
    %dma_wait3A_296 = arith.constant 0 : i32
    %dma_wait3A_297 = arith.constant 0 : i32
    %dma_wait3A_298 = tpu.memref_slice %arg4[%dma_wait3A, %dma_wait3A_295, %add3A, %dma_wait3A_296, %dma_wait3A_297] : memref<200x8x32x8x128xf32, #tpu.memory_space<hbm>> -> memref<1x8x1x8x128xf32, #tpu.memory_space<hbm>>
    %dma_wait3A_299 = tpu.memref_squeeze %dma_wait3A_298 : memref<1x8x1x8x128xf32, #tpu.memory_space<hbm>> -> memref<8x8x128xf32, #tpu.memory_space<hbm>>
    %dma_wait3A_300 = arith.constant 0 : i32
    %dma_wait3A_301 = arith.constant 0 : i32
    %dma_wait3A_302 = arith.constant 0 : i32
    %dma_wait3A_303 = tpu.memref_slice %arg4[%dma_wait3A, %dma_wait3A_300, %add3A, %dma_wait3A_301, %dma_wait3A_302] : memref<200x8x32x8x128xf32, #tpu.memory_space<hbm>> -> memref<1x8x1x8x128xf32, #tpu.memory_space<hbm>>
    %dma_wait3A_304 = tpu.memref_squeeze %dma_wait3A_303 : memref<1x8x1x8x128xf32, #tpu.memory_space<hbm>> -> memref<8x8x128xf32, #tpu.memory_space<hbm>>
    %dma_wait3A_305 = arith.constant 0 : i32
    %dma_wait3A_306 = arith.constant 0 : i32
    %dma_wait3A_307 = arith.constant 0 : i32
    %dma_wait3A_308 = tpu.memref_slice %arg10[%dma_wait3A_305, %dma_wait3A_306, %dma_wait3A_307] : memref<8x8x129xf32, #tpu.memory_space<vmem>> -> memref<8x8x128xf32, #tpu.memory_space<vmem>>
    tpu.wait_dma2 semaphore(%arg16 : memref<!tpu.dma_semaphore, #tpu.memory_space<semaphore_mem>>) src(%dma_wait3A_308 : memref<8x8x128xf32, #tpu.memory_space<vmem>>) dst(%dma_wait3A_304 : memref<8x8x128xf32, #tpu.memory_space<hbm>>)
    %dma_wait3A_309 = arith.constant 0 : i32
    %dma_wait3A_310 = arith.constant 0 : i32
    %dma_wait3A_311 = arith.constant 0 : i32
    %dma_wait3A_312 = arith.constant 0 : i32
    %dma_wait3A_313 = tpu.memref_slice %arg11[%dma_wait3A_310, %dma_wait3A_311, %dma_wait3A_312] : memref<8x8x129xf32, #tpu.memory_space<vmem>> -> memref<8x8x128xf32, #tpu.memory_space<vmem>>
    %dma_wait3A_314 = arith.constant 0 : i32
    %dma_wait3A_315 = arith.constant 0 : i32
    %dma_wait3A_316 = arith.constant 0 : i32
    %dma_wait3A_317 = tpu.memref_slice %arg4[%dma_wait3A_309, %dma_wait3A_314, %add3A, %dma_wait3A_315, %dma_wait3A_316] : memref<200x8x32x8x128xf32, #tpu.memory_space<hbm>> -> memref<1x8x1x8x128xf32, #tpu.memory_space<hbm>>
    %dma_wait3A_318 = tpu.memref_squeeze %dma_wait3A_317 : memref<1x8x1x8x128xf32, #tpu.memory_space<hbm>> -> memref<8x8x128xf32, #tpu.memory_space<hbm>>
    %dma_wait3A_319 = arith.constant 0 : i32
    %dma_wait3A_320 = arith.constant 0 : i32
    %dma_wait3A_321 = arith.constant 0 : i32
    %dma_wait3A_322 = tpu.memref_slice %arg4[%dma_wait3A_309, %dma_wait3A_319, %add3A, %dma_wait3A_320, %dma_wait3A_321] : memref<200x8x32x8x128xf32, #tpu.memory_space<hbm>> -> memref<1x8x1x8x128xf32, #tpu.memory_space<hbm>>
    %dma_wait3A_323 = tpu.memref_squeeze %dma_wait3A_322 : memref<1x8x1x8x128xf32, #tpu.memory_space<hbm>> -> memref<8x8x128xf32, #tpu.memory_space<hbm>>
    %dma_wait3A_324 = arith.constant 0 : i32
    %dma_wait3A_325 = arith.constant 0 : i32
    %dma_wait3A_326 = arith.constant 0 : i32
    %dma_wait3A_327 = tpu.memref_slice %arg11[%dma_wait3A_324, %dma_wait3A_325, %dma_wait3A_326] : memref<8x8x129xf32, #tpu.memory_space<vmem>> -> memref<8x8x128xf32, #tpu.memory_space<vmem>>
    tpu.wait_dma2 semaphore(%arg17 : memref<!tpu.dma_semaphore, #tpu.memory_space<semaphore_mem>>) src(%dma_wait3A_327 : memref<8x8x128xf32, #tpu.memory_space<vmem>>) dst(%dma_wait3A_323 : memref<8x8x128xf32, #tpu.memory_space<hbm>>)
    return
  }
}

</mosaic_0001>

<sc_bundles>
// kernel: _emb_lookup.3.cloned.1.call-start
scs
__scs_entry_jumppad:
0x0: {  	(pc) =	sbr.rel $0x88, $3  }
0x1: {  	(tag) =	ssettag $0x0;
	lr =	simm.s32 $0x1  }
0x2: {  	[smem:$0x3F9F] =	sst lr;
	_ =	strace $0xD0000000  }
0x3: {  	_ = 	snop  }
0x4: {  	_ = 	snop  }
0x5: {  	_ = 	snop  }
0x6: {  	_ = 	snop  }
0x7: {  	_ = 	snop  }
__scs_overlays_trampoline_lowered:
0x8: {  	[smem:$0x3FAE] =	sst s0  }
0x9: {  	[smem:$0x3FAF] =	sst s1  }
0xa: {  	[smem:$0x3FB0] =	sst s2  }
0xb: {  	[smem:$0x3FB1] =	sst s3  }
0xc: {  	[smem:$0x3FB2] =	sst s4  }
0xd: {  	[smem:$0x3FB3] =	sst s5  }
0xe: {  	[smem:$0x3FB4] =	sst s6  }
0xf: {  	[smem:$0x3FB5] =	sst s7  }
0x10: {  	[smem:$0x3FB6] =	sst s8  }
0x11: {  	[smem:$0x3FB7] =	sst s9;
	s0 =	simm.s32 @!p0 $0x0  }
0x12: {  	s1 =	sld [smem:$0x3F9D];
	s0 =	simm.s32 @p0 $0x1  }
0x13: {  	[smem:$0x3FB8] =	sst s0;
	s0 =	simm.s32 @!p1 $0x0  }
0x14: {  	s2 =	sld [smem:$0x3F9C];
	s0 =	simm.s32 @p1 $0x1  }
0x15: {  	[smem:$0x3FB9] =	sst s0;
	s0 =	simm.s32 @!p2 $0x0  }
0x16: {  	s3 =	sld [smem:$0x3FDB];
	s0 =	simm.s32 @p2 $0x1  }
0x17: {  	s4 =	simm.s32 $0x1BF5;
	[smem:$0x3FBB] =	sst s0  }
0x18: {  	s0 =	sld [smem:$0x3F9E];
	_ =	swait.ge [sflag:s4], $0x0  }
0x19: {  	s7 =	sld [smem:$0x3F9F]  }
0x1a: {  	s8 =	sadd.s32 $0xFFFFE003, lr  }
0x1b: {  	s9 =	sadd.s32 $0xFFFFFEF7, lr;
	s5 =	simm.s32 $0xFFFFFFFF;
	p2 =	slt.u32 s8, $0xFFFFF086  }
0x1c: {  	p1 =	slt.u32 s9, $0xF7A;
	s5 =	simm.s32 @!p2 $0x0  }
0x1d: {  	s5 =	simm.s32 @p1 $0x1;
	p0 =	seq.s32 s7, s2  }
0x1e: {  	s7 =	smul.u32 @!p0 $0xF7A, s2;
	p2 =	seq.s32 @!p0 s5, $0x0  }
0x1f: {  	s9 =	smul.u32 $0xF7A, s1;
	s8 =	simm.s32 @!p0 $0x1BF5;
	p2 =	por !p2, p0  }
0x20: {  	[sflag:s8] =	ssyncset.s32 @!p0 $0xFFFFF086;
	s6 =	sadd.s32 @!p0 s3, s7;
	s7 =	simm.s32 @!p0 $0x108  }
0x21: {  	s3 =	sadd.s32 s3, s9;
	s6 =	sadd.s32 @!p0 $0x88, s6;
	s7 =	simm.s32 @p2 $0x1082  }
0x22: {  	[simem:s7], [sflag:s8] =	dma.local @!p0 [hbm:s6], $0xF7A  }
0x23: {  	s9 =	sor.u32 $0xD0000000, s2;
	s6 =	simm.s32 $0x108;
	_ =	swait.ge @!p0 [sflag:s8], $0x0  }
0x24: {  	s3 =	sadd.s32 $0x88, s3;
	s6 =	simm.s32 @!p1 $0x1082;
	[sflag:s4] =	ssyncset.s32 $0xFFFFF086  }
0x25: {  	[simem:s6], [sflag:s4] =	dma.local [hbm:s3], $0xF7A  }
0x26: {  	[smem:$0x3F9F] =	sst s1;
	(tag) =	ssettag s2;
	_ =	strace s9  }
0x27: {  	s1 =	sld [smem:$0x3FAF]  }
0x28: {  	s2 =	sld [smem:$0x3FB0]  }
0x29: {  	s4 =	sld [smem:$0x3FB2]  }
0x2a: {  	p0 =	seq.s32 s5, $0x0;
	s5 =	sld [smem:$0x3FB3]  }
0x2b: {  	s6 =	sld [smem:$0x3FB4]  }
0x2c: {  	s7 =	sld [smem:$0x3FB5]  }
0x2d: {  	s3 =	simm.s32 $0x108;
	s8 =	sld [smem:$0x3FB6]  }
0x2e: {  	s3 =	simm.s32 @!p0 $0x1082;
	s9 =	sld [smem:$0x3FB7]  }
0x2f: {  	lr =	sadd.s32 s0, s3;
	s0 =	sld [smem:$0x3FAE]  }
0x30: {  	s3 =	sld [smem:$0x3FB1]  }
0x31: {  	[smem:$0x3FBA] =	sst s10  }
0x32: {  	s10 =	sld [smem:$0x3FB8];
	_ =	sdelay $0x3  }
0x33: {  	p0 =	seq.s32 s10, $0x1;
	s10 =	sld [smem:$0x3FBA];
	_ =	sdelay $0x3  }
0x34: {  	[smem:$0x3FBA] =	sst s10  }
0x35: {  	s10 =	sld [smem:$0x3FB9];
	_ =	sdelay $0x3  }
0x36: {  	p1 =	seq.s32 s10, $0x1;
	s10 =	sld [smem:$0x3FBA];
	_ =	sdelay $0x3  }
0x37: {  	[smem:$0x3FBA] =	sst s10  }
0x38: {  	s10 =	sld [smem:$0x3FBB]  }
0x39: {  	_ = 	snop;
	(pc) =	sbr.ind lr, $3  }
0x3a: {  	_ = 	snop  }
0x3b: {  	_ = 	snop  }
0x3c: {  	p2 =	seq.s32 s10, $0x1;
	s10 =	sld [smem:$0x3FBA]  }
0x3d: {  	_ =	shalt  }
0x3e: {  	_ =	shalt  }
0x3f: {  	_ =	shalt  }
0x40: {  	_ =	shalt  }
0x41: {  	_ =	shalt  }
0x42: {  	_ =	shalt  }
0x43: {  	_ =	shalt  }
0x44: {  	_ =	shalt  }
0x45: {  	_ =	shalt  }
0x46: {  	_ =	shalt  }
0x47: {  	_ =	shalt  }
0x48: {  	_ =	shalt  }
0x49: {  	_ =	shalt  }
0x4a: {  	_ =	shalt  }
0x4b: {  	_ =	shalt  }
0x4c: {  	_ =	shalt  }
0x4d: {  	_ =	shalt  }
0x4e: {  	_ =	shalt  }
0x4f: {  	_ =	shalt  }
0x50: {  	_ =	shalt  }
0x51: {  	_ =	shalt  }
0x52: {  	_ =	shalt  }
0x53: {  	_ =	shalt  }
0x54: {  	_ =	shalt  }
0x55: {  	_ =	shalt  }
0x56: {  	_ =	shalt  }
0x57: {  	_ =	shalt  }
0x58: {  	_ =	shalt  }
0x59: {  	_ =	shalt  }
0x5a: {  	_ =	shalt  }
0x5b: {  	_ =	shalt  }
0x5c: {  	_ =	shalt  }
0x5d: {  	_ =	shalt  }
0x5e: {  	_ =	shalt  }
0x5f: {  	_ =	shalt  }
0x60: {  	_ =	shalt  }
0x61: {  	_ =	shalt  }
0x62: {  	_ =	shalt  }
0x63: {  	_ =	shalt  }
0x64: {  	_ =	shalt  }
0x65: {  	_ =	shalt  }
0x66: {  	_ =	shalt  }
0x67: {  	_ =	shalt  }
0x68: {  	_ =	shalt  }
0x69: {  	_ =	shalt  }
0x6a: {  	_ =	shalt  }
0x6b: {  	_ =	shalt  }
0x6c: {  	_ =	shalt  }
0x6d: {  	_ =	shalt  }
0x6e: {  	_ =	shalt  }
0x6f: {  	_ =	shalt  }
0x70: {  	_ =	shalt  }
0x71: {  	_ =	shalt  }
0x72: {  	_ =	shalt  }
0x73: {  	_ =	shalt  }
0x74: {  	_ =	shalt  }
0x75: {  	_ =	shalt  }
0x76: {  	_ =	shalt  }
0x77: {  	_ =	shalt  }
0x78: {  	_ =	shalt  }
0x79: {  	_ =	shalt  }
0x7a: {  	_ =	shalt  }
0x7b: {  	_ =	shalt  }
0x7c: {  	_ =	shalt  }
0x7d: {  	_ =	shalt  }
0x7e: {  	_ =	shalt  }
0x7f: {  	_ =	shalt  }
0x80: {  	_ =	shalt  }
0x81: {  	_ =	shalt  }
0x82: {  	_ =	shalt  }
0x83: {  	_ =	shalt  }
0x84: {  	_ =	shalt  }
0x85: {  	_ =	shalt  }
0x86: {  	_ =	shalt  }
0x87: {  	_ =	shalt  }
.Lfunc_end0:
.L_simem_size_0:
called_computation_lowered:
.L_overlay_start_0:
0x88: {  	s2 =	sld [smem:$0x3FD9]  }
0x89: {  	s3 =	sld [smem:$0x3FFE];
	_ =	sdelay $0x1  }
0x8a: {  	s1 =	srdreg.scid  }
0x8b: {  	s0 =	sand.u32 $0x1, s1  }
0x8c: {  	s18 =	sshll.u32 s0, $0xA;
	s2 =	sadd.s32 s3, s2  }
0x8d: {  	s2 =	sadd.s32 s2, s18  }
0x8e: {  	[smem:$0x3FC6] =	sst s2  }
0x8f: {  	_ = 	snop  }
0x90: {  	s2 =	sld [smem:$0x3FC9]  }
0x91: {  	s19 =	sld [smem:$0x3FC8]  }
0x92: {  	s4 =	sld [smem:$0x3FD0];
	(tm) =	ssettm $0x1  }
0x93: {  	s5 =	sld [smem:$0x3FFB];
	_ =	sdelay $0x3  }
0x94: {  	_ =	strace s5  }
0x95: {  	s5 =	sld [smem:$0x3FFC];
	_ =	sdelay $0x3  }
0x96: {  	_ =	strace s5  }
0x97: {  	s5 =	sld [smem:$0x3FFD];
	_ =	sdelay $0x3  }
0x98: {  	_ =	strace s5  }
0x99: {  	_ =	strace $0x8FFFFFFF  }
0x9a: {  	s20 =	sld [smem:$0x3FDB];
	_ =	sdelay $0x1  }
0x9b: {  	s6 =	simm.s32 $_scs_section_size  }
0x9c: {  	s7 =	simm.s32 $_size__tile_overlayer_lowered;
	s8 =	simm.s32 $_tile_overlayer_lowered  }
0x9d: {  	s23 =	simm.s32 $0x1BFF;
	s22 =	sshll.u32 s8, $0x1;
	s5 =	sadd.s32 s6, s20  }
0x9e: {  	s9 =	simm.s32 $0x0;
	s21 =	sshll.u32 s7, $0x1;
	s7 =	sadd.s32 s22, s5  }
0x9f: {  	[timem:s9], [sflag:s23] =	dma.local [hbm:s7], s21  }
0xa0: {  	_ =	swait.ge [sflag:s23], s21  }
0xa1: {  	s6 =	ssub.s32 $0x0, s21;
	[sflag:s23] =	ssyncset.done $0x0  }
0xa2: {  	[sflag:s23] =	ssyncadd.s32 s6;
	_ =	sdelay $0x1  }
0xa3: {  	s24 =	simm.s32 $0x1B8B  }
0xa4: {  	_ =	swait.ge [sflag:s24], $0x1  }
0xa5: {  	[sflag:s24] =	ssyncset.done $0x0  }
0xa6: {  	s25 =	simm.s32 $0x1B8E;
	[sflag:s24] =	ssyncadd.s32 $0xFFFFFFFF  }
0xa7: {  	s26 =	simm.s32 $execute0_lowered;
	[smem:$0x3FD2] =	sst s25  }
0xa8: {  	s6 =	sshll.u32 s26, $0x1;
	_ =	strace $0x80000046;
	[dreg:$0x1] =	wrdreg $0xFFFFFFFF  }
0xa9: {  	s28 =	simm.s32 $_size_execute0_lowered;
	s5 =	sadd.s32 s5, s6;
	[dreg:$0x0] =	wrdreg $0x0  }
0xaa: {  	s6 =	sshll.u32 s28, $0x1;
	[dreg:$0x2] =	wrdreg s5  }
0xab: {  	[dreg:$0x3] =	wrdreg s6  }
0xac: {  	[dreg:$0x4] =	wrdreg $0xC0  }
0xad: {  	_ =	task [dreg:s9], $0x5FFFF  }
0xae: {  	[dreg:$0x1] =	wrdreg $0xFFFFFFFF  }
0xaf: {  	[dreg:$0x0] =	wrdreg $0x60  }
0xb0: {  	[dreg:$0x2] =	wrdreg s2  }
0xb1: {  	[dreg:$0x3] =	wrdreg s19  }
0xb2: {  	[dreg:$0x4] =	wrdreg s4  }
0xb3: {  	[dreg:$0x5] =	wrdreg $0x9  }
0xb4: {  	_ =	task.clear_ibuf [dreg:s9], $0x6FFFF;
	_ =	strace $0x90000046  }
0xb5: {  	s29 =	simm.s32 $0x9;
	_ =	strace $0x80000048  }
0xb6: {  	_ =	swait.ge [sflag:s29], $0x1  }
0xb7: {  	[sflag:s29] =	ssyncadd.s32 $0xFFFFFFFF  }
0xb8: {  	_ =	strace $0x90000048  }
0xb9: {  	_ =	sfence  }
0xba: {  	s30 =	sld [smem:$0x0];
	_ =	sdelay $0x2  }
0xbb: {  	s31 =	sshll.u32 s1, $0xD;
	s1 =	sshrl.u32 s1, $0x2  }
0xbc: {  	s3 =	sand.u32 $0x4000, s31;
	s1 =	sadd.s32 s1, s30  }
0xbd: {  	s0 =	sor.u32 s3, s0;
	s1 =	sshll.u32 s1, $0x11  }
0xbe: {  	s0 =	sor.u32 s1, s0  }
0xbf: {  	s0 =	sadd.s32 $0x8F2B, s0  }
0xc0: {  	[sflag:s0] =	ssyncadd.remote.s32 $0x1  }
0xc1: {  	_ =	sfence.sel $0xFFFF  }
0xc2: {  	[dreg:$0x0] =	wrdreg $0xFFFFFFFF;
	(pc) =	sbr.abs _section_cstart, $3  }
0xc3: {  	[dreg:$0x1] =	wrdreg $0xFFFFFFFF  }
0xc4: {  	_ =	task.clear_ibuf [dreg:s9], $0x2FFFF;
	_ =	strace $0x9FFFFFFF  }
0xc5: {  	(tm) =	ssettm $0x7FFFFFFF  }
tec
execute0_lowered:
.L_overlay_start_1:
0x0: {  	(tag) =	ssettag $0x1  }
0x1: {  	v0 =	vimm.s32 $0xB80;
	vm15 =	vcmask $0x300  }
0x2: {  	vm14 =	vcmask $0x704;
	vm13 =	vcmask $0xB08;
	vm12 =	vcmask $0xF0C  }
0x3: {  	vm11 =	vcmask $0x1310;
	vm10 =	vcmask $0x1714;
	vm9 =	vcmask $0x1B18  }
0x4: {  	vm8 =	vcmask $0x1F1C;
	vm7 =	vcmask $0x2320;
	vm6 =	vcmask $0x2724  }
0x5: {  	vm5 =	vcmask $0x2B28;
	vm4 =	vcmask $0x2F2C;
	vm3 =	vcmask $0x3330  }
0x6: {  	vm2 =	vcmask $0x3734;
	vm1 =	vcmask $0x3B38;
	vm0 =	vmmov $0xffff  }
0x7: {  	v1 =	vimm.s32 $0x1B80;
	v2 =	vimm.s32 $0x2B80;
	v3 =	vimm.s32 $0x3B80  }
0x8: {  	v0 =	vsel vm15, $0x0, v0;
	v1 =	vsel vm15, $0x1000, v1;
	v2 =	vsel vm15, $0x2000, v2  }
0x9: {  	v3 =	vsel vm15, $0x3000, v3;
	v0 =	vsel vm14, $0x80, v0;
	v1 =	vsel vm14, $0x1080, v1  }
0xa: {  	v2 =	vsel vm14, $0x2080, v2;
	v3 =	vsel vm14, $0x3080, v3;
	v0 =	vsel vm13, $0x100, v0  }
0xb: {  	v1 =	vsel vm13, $0x1100, v1;
	v2 =	vsel vm13, $0x2100, v2;
	v3 =	vsel vm13, $0x3100, v3  }
0xc: {  	v0 =	vsel vm12, $0x180, v0;
	v1 =	vsel vm12, $0x1180, v1;
	v2 =	vsel vm12, $0x2180, v2  }
0xd: {  	v3 =	vsel vm12, $0x3180, v3;
	v0 =	vsel vm11, $0x200, v0;
	v1 =	vsel vm11, $0x1200, v1  }
0xe: {  	s0 =	rddreg [dreg:$0x0];
	v2 =	vsel vm11, $0x2200, v2;
	v3 =	vsel vm11, $0x3200, v3;
	v0 =	vsel vm10, $0x280, v0  }
0xf: {  	s1 =	rddreg [dreg:$0x1];
	v1 =	vsel vm10, $0x1280, v1;
	v2 =	vsel vm10, $0x2280, v2;
	v3 =	vsel vm10, $0x3280, v3  }
0x10: {  	s31 =	rddreg [dreg:$0x2];
	s2 =	srdreg.scid;
	v0 =	vsel vm9, $0x300, v0;
	v1 =	vsel vm9, $0x1300, v1;
	v2 =	vsel vm9, $0x2300, v2  }
0x11: {  	s5 =	stileid.u32;
	s4 =	simm.s32 $0x0;
	s23 =	simm.s32 $0x1;
	v3 =	vsel vm9, $0x3300, v3;
	v0 =	vsel vm8, $0x380, v0;
	v1 =	vsel vm8, $0x1380, v1  }
0x12: {  	s24 =	simm.s32 $0x16400;
	s10 =	simm.s32 $0x1A400;
	s9 =	simm.s32 $0x1CC00;
	v2 =	vsel vm8, $0x2380, v2;
	v3 =	vsel vm8, $0x3380, v3;
	v0 =	vsel vm7, $0x800, v0  }
0x13: {  	s12 =	simm.s32 $0x1D400;
	s15 =	simm.s32 $0x1DC00;
	s16 =	simm.s32 $0x3;
	v1 =	vsel vm7, $0x1800, v1;
	v2 =	vsel vm7, $0x2800, v2;
	v3 =	vsel vm7, $0x3800, v3  }
0x14: {  	s17 =	simm.s32 $0x5;
	s18 =	simm.s32 $0x4;
	s19 =	simm.s32 $0x6;
	v0 =	vsel vm6, $0x880, v0;
	v1 =	vsel vm6, $0x1880, v1;
	v2 =	vsel vm6, $0x2880, v2  }
0x15: {  	s2 =	sand.u32 $0x1, s2;
	s5 =	sshll.u32 s5, $0x1;
	[smem:$0x7FF] =	sst s4;
	v3 =	vsel vm6, $0x3880, v3;
	v0 =	vsel vm5, $0x900, v0;
	v1 =	vsel vm5, $0x1900, v1  }
0x16: {  	s28 =	sadd.s32 $0x8000, s31;
	s29 =	sadd.s32 $0x10000, s31;
	s3 =	ssub.s32 $0x2, s2;
	v2 =	vsel vm5, $0x2900, v2;
	v3 =	vsel vm5, $0x3900, v3;
	v0 =	vsel vm4, $0x980, v0  }
0x17: {  	s2 =	sor.u32 s2, s5;
	_ =	strace $0x80000047;
	[dreg:$0x5] =	wrdreg s28;
	v1 =	vsel vm4, $0x1980, v1;
	v2 =	vsel vm4, $0x2980, v2;
	v3 =	vsel vm4, $0x3980, v3  }
0x18: {  	[dreg:$0x6] =	wrdreg s29;
	s6 =	sshrl.u32 s3, $0x1;
	s5 =	sshll.u32 s2, $0x7;
	v0 =	vsel vm3, $0xA00, v0;
	v1 =	vsel vm3, $0x1A00, v1;
	v2 =	vsel vm3, $0x2A00, v2  }
0x19: {  	s3 =	ssub.s32 s3, s6;
	s1 =	sadd.s32 s1, s5;
	s6 =	sshll.u32 s2, $0xA;
	v3 =	vsel vm3, $0x3A00, v3;
	v0 =	vsel vm2, $0xA80, v0;
	v1 =	vsel vm2, $0x1A80, v1  }
0x1a: {  	s5 =	simm.s32 $0x1C400;
	[dreg:$0x4] =	wrdreg s1;
	s30 =	smax.u32 s3, $0x1;
	v2 =	vsel vm2, $0x2A80, v2;
	v3 =	vsel vm2, $0x3A80, v3;
	v0 =	vsel vm1, $0xB00, v0  }
0x1b: {  	s2 =	simm.s32 $0x0;
	s3 =	simm.s32 $0x2;
	[dreg:$0x7] =	wrdreg s30;
	v1 =	vsel vm1, $0x1B00, v1;
	v2 =	vsel vm1, $0x2B00, v2;
	v3 =	vsel vm1, $0x3B00, v3  }
.LBB2_1:
0x1c: {  	[dreg:$0x8] =	wrdreg s2  }
0x1d: {  	s1 =	rddreg [dreg:$0x4]  }
0x1e: {  	s8 =	simm.s32 $0x400;
	s7 =	simm.s32 $0x8000;
	s11 =	simm.s32 $0x7  }
0x1f: {  	[tilespmem:s4], [sflag:$0x7] =	stream.strided.gather [hbm4b:s1+s8], $0x6400, s7, s8, $0x38;
	[tilespmem:$0x1E400] =	vst v63  }
0x20: {  	_ =	swait.ge [sflag:s11], $0x6400  }
0x21: {  	[sflag:s11] =	ssyncset.done $0x0  }
0x22: {  	[sflag:s11] =	ssyncadd.s32 $0xFFFF9C00  }
0x23: {  	v4 =	vld [tilespmem:$0x0];
	_ =	sdelay $0x6  }
0x24: {  	s13 =	simm.s32 $0x6400  }
0x25: {  	[tilespmem:s13], [sflag:$0x1] =	stream.indirect_vreg.gather [hbm4b:s0+s4], $0x80, v4, vm0, $0xb8;
	[tilespmem:$0x1E400] =	vst v63  }
0x26: {  	v4 =	vld [tilespmem:$0x10];
	_ =	sdelay $0x6  }
0x27: {  	s14 =	simm.s32 $0x6C00  }
0x28: {  	[tilespmem:s14], [sflag:$0x1] =	stream.indirect_vreg.gather [hbm4b:s0+s4], $0x80, v4, vm0, $0xb8;
	[tilespmem:$0x1E400] =	vst v63  }
0x29: {  	v4 =	vld [tilespmem:$0x20];
	_ =	sdelay $0x6  }
0x2a: {  	s20 =	simm.s32 $0x7400  }
0x2b: {  	[tilespmem:s20], [sflag:$0x1] =	stream.indirect_vreg.gather [hbm4b:s0+s4], $0x80, v4, vm0, $0xb8;
	[tilespmem:$0x1E400] =	vst v63  }
0x2c: {  	v4 =	vld [tilespmem:$0x30];
	_ =	sdelay $0x6  }
0x2d: {  	s21 =	simm.s32 $0x7C00  }
0x2e: {  	[tilespmem:s21], [sflag:$0x1] =	stream.indirect_vreg.gather [hbm4b:s0+s4], $0x80, v4, vm0, $0xb8;
	[tilespmem:$0x1E400] =	vst v63  }
0x2f: {  	v4 =	vld [tilespmem:$0x40];
	_ =	sdelay $0x6  }
0x30: {  	s22 =	simm.s32 $0x8400  }
0x31: {  	[tilespmem:s22], [sflag:$0x1] =	stream.indirect_vreg.gather [hbm4b:s0+s4], $0x80, v4, vm0, $0xb8;
	[tilespmem:$0x1E400] =	vst v63  }
0x32: {  	v4 =	vld [tilespmem:$0x50];
	_ =	sdelay $0x6  }
0x33: {  	s25 =	simm.s32 $0x8C00  }
0x34: {  	[tilespmem:s25], [sflag:$0x1] =	stream.indirect_vreg.gather [hbm4b:s0+s4], $0x80, v4, vm0, $0xb8;
	[tilespmem:$0x1E400] =	vst v63  }
0x35: {  	v4 =	vld [tilespmem:$0x60];
	_ =	sdelay $0x6  }
0x36: {  	s26 =	simm.s32 $0x9400  }
0x37: {  	[tilespmem:s26], [sflag:$0x1] =	stream.indirect_vreg.gather [hbm4b:s0+s4], $0x80, v4, vm0, $0xb8;
	[tilespmem:$0x1E400] =	vst v63  }
0x38: {  	v4 =	vld [tilespmem:$0x70];
	_ =	sdelay $0x6  }
0x39: {  	s28 =	simm.s32 $0x9C00  }
0x3a: {  	[tilespmem:s28], [sflag:$0x1] =	stream.indirect_vreg.gather [hbm4b:s0+s4], $0x80, v4, vm0, $0xb8;
	[tilespmem:$0x1E400] =	vst v63  }
0x3b: {  	v4 =	vld [tilespmem:$0x80];
	_ =	sdelay $0x6  }
0x3c: {  	s29 =	simm.s32 $0xA400  }
0x3d: {  	[tilespmem:s29], [sflag:$0x2] =	stream.indirect_vreg.gather [hbm4b:s0+s4], $0x80, v4, vm0, $0xb8;
	[tilespmem:$0x1E400] =	vst v63  }
0x3e: {  	v4 =	vld [tilespmem:$0x90];
	_ =	sdelay $0x6  }
0x3f: {  	s30 =	simm.s32 $0xAC00  }
0x40: {  	[tilespmem:s30], [sflag:$0x2] =	stream.indirect_vreg.gather [hbm4b:s0+s4], $0x80, v4, vm0, $0xb8;
	[tilespmem:$0x1E400] =	vst v63  }
0x41: {  	v4 =	vld [tilespmem:$0xA0];
	_ =	sdelay $0x6  }
0x42: {  	s2 =	simm.s32 $0xB400  }
0x43: {  	[tilespmem:s2], [sflag:$0x2] =	stream.indirect_vreg.gather [hbm4b:s0+s4], $0x80, v4, vm0, $0xb8;
	[tilespmem:$0x1E400] =	vst v63  }
0x44: {  	v4 =	vld [tilespmem:$0xB0];
	_ =	sdelay $0x6  }
0x45: {  	s7 =	simm.s32 $0xBC00  }
0x46: {  	[tilespmem:s7], [sflag:$0x2] =	stream.indirect_vreg.gather [hbm4b:s0+s4], $0x80, v4, vm0, $0xb8;
	[tilespmem:$0x1E400] =	vst v63  }
0x47: {  	v4 =	vld [tilespmem:$0xC0];
	_ =	sdelay $0x6  }
0x48: {  	s8 =	simm.s32 $0xC400  }
0x49: {  	[tilespmem:s8], [sflag:$0x2] =	stream.indirect_vreg.gather [hbm4b:s0+s4], $0x80, v4, vm0, $0xb8;
	[tilespmem:$0x1E400] =	vst v63  }
0x4a: {  	v4 =	vld [tilespmem:$0xD0];
	_ =	sdelay $0x6  }
0x4b: {  	s11 =	simm.s32 $0xCC00  }
0x4c: {  	[tilespmem:s11], [sflag:$0x2] =	stream.indirect_vreg.gather [hbm4b:s0+s4], $0x80, v4, vm0, $0xb8;
	[tilespmem:$0x1E400] =	vst v63  }
0x4d: {  	v4 =	vld [tilespmem:$0xE0];
	_ =	sdelay $0x6  }
0x4e: {  	s13 =	simm.s32 $0xD400  }
0x4f: {  	[tilespmem:s13], [sflag:$0x2] =	stream.indirect_vreg.gather [hbm4b:s0+s4], $0x80, v4, vm0, $0xb8;
	[tilespmem:$0x1E400] =	vst v63  }
0x50: {  	v4 =	vld [tilespmem:$0xF0];
	_ =	sdelay $0x6  }
0x51: {  	s14 =	simm.s32 $0xDC00  }
0x52: {  	[tilespmem:s14], [sflag:$0x2] =	stream.indirect_vreg.gather [hbm4b:s0+s4], $0x80, v4, vm0, $0xb8;
	[tilespmem:$0x1E400] =	vst v63  }
0x53: {  	v4 =	vld [tilespmem:$0x100];
	_ =	sdelay $0x6  }
0x54: {  	s20 =	simm.s32 $0xE400  }
0x55: {  	[tilespmem:s20], [sflag:$0x3] =	stream.indirect_vreg.gather [hbm4b:s0+s4], $0x80, v4, vm0, $0xb8;
	[tilespmem:$0x1E400] =	vst v63  }
0x56: {  	v4 =	vld [tilespmem:$0x110];
	_ =	sdelay $0x6  }
0x57: {  	s21 =	simm.s32 $0xEC00  }
0x58: {  	[tilespmem:s21], [sflag:$0x3] =	stream.indirect_vreg.gather [hbm4b:s0+s4], $0x80, v4, vm0, $0xb8;
	[tilespmem:$0x1E400] =	vst v63  }
0x59: {  	v4 =	vld [tilespmem:$0x120];
	_ =	sdelay $0x6  }
0x5a: {  	s22 =	simm.s32 $0xF400  }
0x5b: {  	[tilespmem:s22], [sflag:$0x3] =	stream.indirect_vreg.gather [hbm4b:s0+s4], $0x80, v4, vm0, $0xb8;
	[tilespmem:$0x1E400] =	vst v63  }
0x5c: {  	v4 =	vld [tilespmem:$0x130];
	_ =	sdelay $0x6  }
0x5d: {  	s25 =	simm.s32 $0xFC00  }
0x5e: {  	[tilespmem:s25], [sflag:$0x3] =	stream.indirect_vreg.gather [hbm4b:s0+s4], $0x80, v4, vm0, $0xb8;
	[tilespmem:$0x1E400] =	vst v63  }
0x5f: {  	v4 =	vld [tilespmem:$0x140];
	_ =	sdelay $0x6  }
0x60: {  	s26 =	simm.s32 $0x10400  }
0x61: {  	[tilespmem:s26], [sflag:$0x3] =	stream.indirect_vreg.gather [hbm4b:s0+s4], $0x80, v4, vm0, $0xb8;
	[tilespmem:$0x1E400] =	vst v63  }
0x62: {  	v4 =	vld [tilespmem:$0x150];
	_ =	sdelay $0x6  }
0x63: {  	s28 =	simm.s32 $0x10C00  }
0x64: {  	[tilespmem:s28], [sflag:$0x3] =	stream.indirect_vreg.gather [hbm4b:s0+s4], $0x80, v4, vm0, $0xb8;
	[tilespmem:$0x1E400] =	vst v63  }
0x65: {  	v4 =	vld [tilespmem:$0x160];
	_ =	sdelay $0x6  }
0x66: {  	s29 =	simm.s32 $0x11400  }
0x67: {  	[tilespmem:s29], [sflag:$0x3] =	stream.indirect_vreg.gather [hbm4b:s0+s4], $0x80, v4, vm0, $0xb8;
	[tilespmem:$0x1E400] =	vst v63  }
0x68: {  	v4 =	vld [tilespmem:$0x170];
	_ =	sdelay $0x6  }
0x69: {  	s30 =	simm.s32 $0x11C00;
	s20 =	simm.s32 $0x0  }
0x6a: {  	[tilespmem:s30], [sflag:$0x3] =	stream.indirect_vreg.gather [hbm4b:s0+s4], $0x80, v4, vm0, $0xb8;
	[tilespmem:$0x1E400] =	vst v63  }
.LBB2_2:
0x6b: {  	s21 =	sshllo.u32 s20, $0x2  }
0x6c: {  	s1 =	sshll.u32 s21, $0x7  }
0x6d: {  	s1 =	sand.u32 $0x3FFFFF80, s1  }
0x6e: {  	v4 =	vld [tilespmem:s1+$0x0];
	_ =	sdelay $0x6  }
0x6f: {  	s2 =	simm.s32 $0x12400  }
0x70: {  	[tilespmem:s2], [sflag:$0x4] =	stream.indirect_vreg.gather [hbm4b:s0+s4], $0x80, v4, vm0, $0xb8;
	[tilespmem:$0x1E400] =	vst v63  }
0x71: {  	v4 =	vld [tilespmem:s1+$0x10];
	_ =	sdelay $0x6  }
0x72: {  	s22 =	simm.s32 $0x12C00  }
0x73: {  	[tilespmem:s22], [sflag:$0x4] =	stream.indirect_vreg.gather [hbm4b:s0+s4], $0x80, v4, vm0, $0xb8;
	[tilespmem:$0x1E400] =	vst v63  }
0x74: {  	v4 =	vld [tilespmem:s1+$0x20];
	_ =	sdelay $0x6  }
0x75: {  	s25 =	simm.s32 $0x13400  }
0x76: {  	[tilespmem:s25], [sflag:$0x4] =	stream.indirect_vreg.gather [hbm4b:s0+s4], $0x80, v4, vm0, $0xb8;
	[tilespmem:$0x1E400] =	vst v63  }
0x77: {  	v4 =	vld [tilespmem:s1+$0x30];
	_ =	sdelay $0x6  }
0x78: {  	s26 =	simm.s32 $0x13C00  }
0x79: {  	[tilespmem:s26], [sflag:$0x4] =	stream.indirect_vreg.gather [hbm4b:s0+s4], $0x80, v4, vm0, $0xb8;
	[tilespmem:$0x1E400] =	vst v63  }
0x7a: {  	v4 =	vld [tilespmem:s1+$0x40];
	_ =	sdelay $0x6  }
0x7b: {  	s7 =	simm.s32 $0x14400  }
0x7c: {  	[tilespmem:s7], [sflag:$0x4] =	stream.indirect_vreg.gather [hbm4b:s0+s4], $0x80, v4, vm0, $0xb8;
	[tilespmem:$0x1E400] =	vst v63  }
0x7d: {  	v4 =	vld [tilespmem:s1+$0x50];
	_ =	sdelay $0x6  }
0x7e: {  	s8 =	simm.s32 $0x14C00  }
0x7f: {  	[tilespmem:s8], [sflag:$0x4] =	stream.indirect_vreg.gather [hbm4b:s0+s4], $0x80, v4, vm0, $0xb8;
	[tilespmem:$0x1E400] =	vst v63  }
0x80: {  	v4 =	vld [tilespmem:s1+$0x60];
	_ =	sdelay $0x6  }
0x81: {  	s11 =	simm.s32 $0x15400  }
0x82: {  	[tilespmem:s11], [sflag:$0x4] =	stream.indirect_vreg.gather [hbm4b:s0+s4], $0x80, v4, vm0, $0xb8;
	[tilespmem:$0x1E400] =	vst v63  }
0x83: {  	v4 =	vld [tilespmem:s1+$0x70];
	_ =	sdelay $0x6  }
0x84: {  	s13 =	simm.s32 $0x15C00  }
0x85: {  	[tilespmem:s13], [sflag:$0x4] =	stream.indirect_vreg.gather [hbm4b:s0+s4], $0x80, v4, vm0, $0xb8;
	[tilespmem:$0x1E400] =	vst v63  }
0x86: {  	_ =	swait.ge [sflag:s23], $0x800  }
0x87: {  	[sflag:s23] =	ssyncset.done $0x0  }
0x88: {  	[sflag:s23] =	ssyncadd.s32 $0xFFFFF800  }
0x89: {  	_ =	swait.ge [sflag:s23], $0x800  }
0x8a: {  	[sflag:s23] =	ssyncset.done $0x0  }
0x8b: {  	[sflag:s23] =	ssyncadd.s32 $0xFFFFF800  }
0x8c: {  	_ =	swait.ge [sflag:s23], $0x800  }
0x8d: {  	[sflag:s23] =	ssyncset.done $0x0  }
0x8e: {  	[sflag:s23] =	ssyncadd.s32 $0xFFFFF800  }
0x8f: {  	_ =	swait.ge [sflag:s23], $0x800  }
0x90: {  	[sflag:s23] =	ssyncset.done $0x0  }
0x91: {  	[sflag:s23] =	ssyncadd.s32 $0xFFFFF800  }
0x92: {  	_ =	swait.ge [sflag:s23], $0x800  }
0x93: {  	[sflag:s23] =	ssyncset.done $0x0  }
0x94: {  	[sflag:s23] =	ssyncadd.s32 $0xFFFFF800  }
0x95: {  	_ =	swait.ge [sflag:s23], $0x800  }
0x96: {  	[sflag:s23] =	ssyncset.done $0x0  }
0x97: {  	[sflag:s23] =	ssyncadd.s32 $0xFFFFF800  }
0x98: {  	_ =	swait.ge [sflag:s23], $0x800  }
0x99: {  	[sflag:s23] =	ssyncset.done $0x0  }
0x9a: {  	[sflag:s23] =	ssyncadd.s32 $0xFFFFF800  }
0x9b: {  	_ =	swait.ge [sflag:s23], $0x800  }
0x9c: {  	p1 =	seq.s32 s20, $0x0;
	[sflag:s23] =	ssyncset.done $0x0  }
0x9d: {  	s1 =	simm.s32 @!p1 $0x5;
	[sflag:s23] =	ssyncadd.s32 $0xFFFFF800  }
0x9e: {  	_ =	swait.ge @!p1 [sflag:s1], $0x2000  }
0x9f: {  	[sflag:s1] =	ssyncset.done @!p1 $0x0  }
0xa0: {  	s28 =	simm.s32 $0x6500;
	[sflag:s1] =	ssyncadd.s32 @!p1 $0xFFFFE000  }
0xa1: {  	v4 =	vld [tilespmem:s28+$0x80]  }
0xa2: {  	s13 =	simm.s32 $0x3  }
0xa3: {  	v5 =	vor.u32 s13, v0;
	_ =	sdelay $0x1  }
0xa4: {  	v6 =	vld [tilespmem:s28+$0xFFFFFF00]  }
0xa5: {  	s11 =	simm.s32 $0x0;
	v7 =	vld [tilespmem:s28+$0xFFFFFF80];
	v4 =	vmul.f32 $8.000000000e+00, v4  }
0xa6: {  	s29 =	simm.s32 $0x1;
	v9 =	vor.u32 s11, v0;
	v8 =	vld [tilespmem:s28+$0x0]  }
0xa7: {  	s14 =	simm.s32 $0x2;
	v10 =	vor.u32 s29, v0;
	[tilespmem:v5+s24+$0x0] =	vst.idx.msk $0xffff, v4  }
0xa8: {  	v4 =	vor.u32 s14, v0;
	v5 =	vld [tilespmem:s28+$0x90]  }
0xa9: {  	v6 =	vmul.f32 $8.000000000e+00, v6  }
0xaa: {  	v11 =	vor.u32 s13, v1;
	v7 =	vmul.f32 $8.000000000e+00, v7  }
0xab: {  	v8 =	vmul.f32 $8.000000000e+00, v8;
	[tilespmem:v9+s24+$0x0] =	vst.idx.msk $0xffff, v6  }
0xac: {  	[tilespmem:v10+s24+$0x0] =	vst.idx.msk $0xffff, v7;
	v6 =	vld [tilespmem:s28+$0xFFFFFF10]  }
0xad: {  	v7 =	vld [tilespmem:s28+$0xFFFFFF90];
	[tilespmem:v4+s24+$0x0] =	vst.idx.msk $0xffff, v8;
	v4 =	vmul.f32 $8.000000000e+00, v5  }
0xae: {  	s2 =	simm.s32 $0x6700;
	v8 =	vor.u32 s11, v1;
	v5 =	vld [tilespmem:s28+$0x10]  }
0xaf: {  	v9 =	vor.u32 s29, v1;
	[tilespmem:v11+s24+$0x0] =	vst.idx.msk $0xffff, v4;
	v4 =	vld [tilespmem:s2+$0x80]  }
0xb0: {  	s8 =	simm.s32 $0x7;
	v10 =	vor.u32 s14, v1;
	v11 =	vld [tilespmem:s28+$0xA0]  }
0xb1: {  	v13 =	vor.u32 s8, v0;
	v12 =	vld [tilespmem:s2+$0xFFFFFF80];
	v6 =	vmul.f32 $8.000000000e+00, v6  }
0xb2: {  	s7 =	simm.s32 $0x5;
	v15 =	vor.u32 s13, v2;
	v14 =	vld [tilespmem:s2+$0x0];
	v7 =	vmul.f32 $8.000000000e+00, v7  }
0xb3: {  	s22 =	simm.s32 $0x6;
	[tilespmem:v8+s24+$0x0] =	vst.idx.msk $0xffff, v6;
	v6 =	vld [tilespmem:s2+$0xFFFFFF00];
	v8 =	vor.u32 s7, v0;
	v5 =	vmul.f32 $8.000000000e+00, v5  }
0xb4: {  	s25 =	simm.s32 $0x4;
	[tilespmem:v9+s24+$0x0] =	vst.idx.msk $0xffff, v7;
	v7 =	vor.u32 s22, v0;
	v9 =	vld [tilespmem:s28+$0xFFFFFF20];
	v4 =	vmul.f32 $8.000000000e+00, v4  }
0xb5: {  	[tilespmem:v10+s24+$0x0] =	vst.idx.msk $0xffff, v5;
	v5 =	vor.u32 s25, v0;
	v10 =	vld [tilespmem:s28+$0xFFFFFFA0];
	v11 =	vmul.f32 $8.000000000e+00, v11  }
0xb6: {  	v12 =	vmul.f32 $8.000000000e+00, v12;
	[tilespmem:v13+s24+$0x0] =	vst.idx.msk $0xffff, v4;
	v4 =	vor.u32 s11, v2;
	v13 =	vld [tilespmem:s28+$0x20]  }
0xb7: {  	v17 =	vor.u32 s29, v2;
	v14 =	vmul.f32 $8.000000000e+00, v14;
	v16 =	vld [tilespmem:s2+$0x90];
	[tilespmem:v15+s24+$0x0] =	vst.idx.msk $0xffff, v11  }
0xb8: {  	v6 =	vmul.f32 $8.000000000e+00, v6;
	[tilespmem:v8+s24+$0x0] =	vst.idx.msk $0xffff, v12;
	v8 =	vor.u32 s14, v2;
	v11 =	vld [tilespmem:s28+$0xB0]  }
0xb9: {  	[tilespmem:v7+s24+$0x0] =	vst.idx.msk $0xffff, v14;
	v7 =	vor.u32 s8, v1;
	v15 =	vld [tilespmem:s2+$0xFFFFFF90];
	v9 =	vmul.f32 $8.000000000e+00, v9  }
0xba: {  	v14 =	vld [tilespmem:s2+$0x10];
	[tilespmem:v5+s24+$0x0] =	vst.idx.msk $0xffff, v6;
	v5 =	vmul.f32 $8.000000000e+00, v10;
	v10 =	vor.u32 s13, v3  }
0xbb: {  	v19 =	vor.u32 s7, v1;
	v18 =	vld [tilespmem:s2+$0xFFFFFF10];
	[tilespmem:v4+s24+$0x0] =	vst.idx.msk $0xffff, v9;
	v9 =	vmul.f32 $8.000000000e+00, v13  }
0xbc: {  	v12 =	vor.u32 s22, v1;
	[tilespmem:v17+s24+$0x0] =	vst.idx.msk $0xffff, v5;
	v13 =	vmul.f32 $8.000000000e+00, v16;
	v6 =	vld [tilespmem:s28+$0xFFFFFF30]  }
0xbd: {  	v4 =	vld [tilespmem:s28+$0xFFFFFFB0];
	[tilespmem:v8+s24+$0x0] =	vst.idx.msk $0xffff, v9;
	v11 =	vmul.f32 $8.000000000e+00, v11;
	v9 =	vor.u32 s25, v1  }
0xbe: {  	s26 =	simm.s32 $0x6900;
	v16 =	vmul.f32 $8.000000000e+00, v15;
	v8 =	vor.u32 s11, v3;
	[tilespmem:v7+s24+$0x0] =	vst.idx.msk $0xffff, v13;
	v5 =	vld [tilespmem:s28+$0x30]  }
0xbf: {  	v15 =	vmul.f32 $8.000000000e+00, v14;
	v13 =	vld [tilespmem:s26+$0x80];
	[tilespmem:v10+s24+$0x0] =	vst.idx.msk $0xffff, v11;
	v10 =	vor.u32 s29, v3  }
0xc0: {  	s30 =	simm.s32 $0xC;
	s28 =	simm.s32 $0x8;
	[tilespmem:v19+s24+$0x0] =	vst.idx.msk $0xffff, v16;
	s29 =	simm.s32 $0xB;
	v14 =	vmul.f32 $8.000000000e+00, v18;
	v7 =	vld [tilespmem:s2+$0xA0];
	v11 =	vor.u32 s14, v3  }
.LBB2_3:
0xc1: {  	p0 =	slt.u32 s30, $0x7C;
	v16 =	vld [tilespmem:s26+$0xFFFFFF80];
	v17 =	vor.u32 s29, v0;
	[tilespmem:v12+s24+$0x0] =	vst.idx.msk $0xffff, v15;
	v6 =	vmul.f32 $8.000000000e+00, v6  }
0xc2: {  	s11 =	sadd.s32 $0x1, s28;
	v12 =	vld [tilespmem:s26+$0x0];
	[tilespmem:v9+s24+$0x0] =	vst.idx.msk $0xffff, v14;
	v9 =	vor.u32 s8, v2;
	v4 =	vmul.f32 $8.000000000e+00, v4  }
0xc3: {  	s1 =	sadd.s32 $0x2, s28;
	v15 =	vor.u32 s11, v0;
	v14 =	vld [tilespmem:s26+$0xFFFFFF00];
	[tilespmem:v8+s24+$0x0] =	vst.idx.msk $0xffff, v6;
	v5 =	vmul.f32 $8.000000000e+00, v5  }
0xc4: {  	v6 =	vor.u32 s1, v0;
	v8 =	vmul.f32 $8.000000000e+00, v13;
	v13 =	vld [tilespmem:s2+$0xFFFFFF20];
	[tilespmem:v10+s24+$0x0] =	vst.idx.msk $0xffff, v4  }
0xc5: {  	v4 =	vor.u32 s28, v0;
	v10 =	vld [tilespmem:s2+$0xFFFFFFA0];
	v7 =	vmul.f32 $8.000000000e+00, v7;
	[tilespmem:v11+s24+$0x0] =	vst.idx.msk $0xffff, v5  }
0xc6: {  	v5 =	vmul.f32 $8.000000000e+00, v16;
	[tilespmem:v17+s24+$0x0] =	vst.idx.msk $0xffff, v8;
	v8 =	vor.u32 s25, v2;
	v11 =	vld [tilespmem:s2+$0x20]  }
0xc7: {  	v17 =	vor.u32 s7, v2;
	v12 =	vmul.f32 $8.000000000e+00, v12;
	v16 =	vld [tilespmem:s26+$0x90];
	[tilespmem:v9+s24+$0x0] =	vst.idx.msk $0xffff, v7  }
0xc8: {  	v7 =	vmul.f32 $8.000000000e+00, v14;
	[tilespmem:v15+s24+$0x0] =	vst.idx.msk $0xffff, v5;
	v5 =	vor.u32 s22, v2;
	v14 =	vld [tilespmem:s2+$0xB0]  }
0xc9: {  	v18 =	vor.u32 s29, v1;
	v15 =	vld [tilespmem:s26+$0xFFFFFF90];
	[tilespmem:v6+s24+$0x0] =	vst.idx.msk $0xffff, v12;
	v6 =	vmul.f32 $8.000000000e+00, v13  }
0xca: {  	v19 =	vor.u32 s8, v3;
	s8 =	smov.u32 s29;
	[tilespmem:v4+s24+$0x0] =	vst.idx.msk $0xffff, v7;
	v7 =	vld [tilespmem:s26+$0x10];
	v4 =	vmul.f32 $8.000000000e+00, v10  }
0xcb: {  	v21 =	vor.u32 s11, v1;
	v20 =	vld [tilespmem:s26+$0xFFFFFF10];
	[tilespmem:v8+s24+$0x0] =	vst.idx.msk $0xffff, v6;
	v8 =	vmul.f32 $8.000000000e+00, v11  }
.Ltmp0:
0xcc: {  	v12 =	vor.u32 s1, v1;
	v10 =	vmul.f32 $8.000000000e+00, v16;
	v6 =	vld [tilespmem:s2+$0xFFFFFF30];
	[tilespmem:v17+s24+$0x0] =	vst.idx.msk $0xffff, v4;
	(pc) =	sbr.rel @p0 .LBB2_3-.Ltmp0, $4  }
0xcd: {  	v9 =	vor.u32 s28, v1;
	v4 =	vld [tilespmem:s2+$0xFFFFFFB0];
	[tilespmem:v5+s24+$0x0] =	vst.idx.msk $0xffff, v8;
	v11 =	vmul.f32 $8.000000000e+00, v14  }
0xce: {  	v8 =	vor.u32 s25, v3;
	s25 =	smov.u32 s28;
	v16 =	vmul.f32 $8.000000000e+00, v15;
	[tilespmem:v18+s24+$0x0] =	vst.idx.msk $0xffff, v10;
	v5 =	vld [tilespmem:s2+$0x30];
	s2 =	smov.u32 s26;
	s26 =	sadd.s32 $0x200, s26  }
0xcf: {  	s28 =	smov.u32 s30;
	v10 =	vor.u32 s7, v3;
	s7 =	smov.u32 s11;
	v13 =	vld [tilespmem:s26+$0x80];
	v15 =	vmul.f32 $8.000000000e+00, v7;
	[tilespmem:v19+s24+$0x0] =	vst.idx.msk $0xffff, v11  }
0xd0: {  	s30 =	sadd.s32 $0x4, s30;
	s29 =	sadd.s32 $0x3, s28;
	v11 =	vor.u32 s22, v3;
	s22 =	smov.u32 s1;
	v14 =	vmul.f32 $8.000000000e+00, v20;
	[tilespmem:v21+s24+$0x0] =	vst.idx.msk $0xffff, v16;
	v7 =	vld [tilespmem:s2+$0xA0]  }
0xd1: {  	v16 =	vld [tilespmem:s26+$0xFFFFFF00]  }
0xd2: {  	v17 =	vld [tilespmem:s26+$0xFFFFFF80];
	v18 =	vor.u32 s29, v0  }
0xd3: {  	s1 =	sadd.s32 $0x1, s28;
	v19 =	vld [tilespmem:s26+$0x0];
	v20 =	vor.u32 s28, v0  }
0xd4: {  	s30 =	sadd.s32 $0x2, s28;
	v21 =	vor.u32 s1, v0  }
0xd5: {  	v22 =	vor.u32 s30, v0;
	v13 =	vmul.f32 $8.000000000e+00, v13  }
0xd6: {  	[tilespmem:v12+s24+$0x0] =	vst.idx.msk $0xffff, v15;
	v12 =	vmul.f32 $8.000000000e+00, v16  }
0xd7: {  	[tilespmem:v18+s24+$0x0] =	vst.idx.msk $0xffff, v13;
	v13 =	vmul.f32 $8.000000000e+00, v17  }
0xd8: {  	v15 =	vld [tilespmem:s26+$0x90];
	[tilespmem:v20+s24+$0x0] =	vst.idx.msk $0xffff, v12;
	v12 =	vmul.f32 $8.000000000e+00, v19  }
0xd9: {  	[tilespmem:v21+s24+$0x0] =	vst.idx.msk $0xffff, v13;
	v13 =	vld [tilespmem:s26+$0xFFFFFF10]  }
0xda: {  	v6 =	vmul.f32 $8.000000000e+00, v6;
	v16 =	vld [tilespmem:s26+$0xFFFFFF90];
	[tilespmem:v22+s24+$0x0] =	vst.idx.msk $0xffff, v12;
	v12 =	vor.u32 s29, v1  }
0xdb: {  	[tilespmem:v9+s24+$0x0] =	vst.idx.msk $0xffff, v14;
	v4 =	vmul.f32 $8.000000000e+00, v4;
	v14 =	vor.u32 s28, v1;
	v9 =	vld [tilespmem:s26+$0x10]  }
0xdc: {  	[tilespmem:v8+s24+$0x0] =	vst.idx.msk $0xffff, v6;
	v5 =	vmul.f32 $8.000000000e+00, v5;
	v6 =	vor.u32 s1, v1  }
0xdd: {  	v8 =	vld [tilespmem:s2+$0xFFFFFF20];
	[tilespmem:v10+s24+$0x0] =	vst.idx.msk $0xffff, v4;
	v4 =	vor.u32 s30, v1;
	v10 =	vmul.f32 $8.000000000e+00, v15  }
0xde: {  	[tilespmem:v11+s24+$0x0] =	vst.idx.msk $0xffff, v5;
	v17 =	vld [tilespmem:s2+$0xFFFFFFA0];
	v15 =	vor.u32 s8, v2;
	v5 =	vmul.f32 $8.000000000e+00, v13  }
0xdf: {  	v11 =	vor.u32 s25, v2;
	v13 =	vld [tilespmem:s2+$0x20];
	v16 =	vmul.f32 $8.000000000e+00, v16;
	[tilespmem:v12+s24+$0x0] =	vst.idx.msk $0xffff, v10  }
0xe0: {  	v10 =	vor.u32 s7, v2;
	v9 =	vmul.f32 $8.000000000e+00, v9;
	v12 =	vld [tilespmem:s26+$0xA0];
	[tilespmem:v14+s24+$0x0] =	vst.idx.msk $0xffff, v5  }
0xe1: {  	v5 =	vmul.f32 $8.000000000e+00, v7;
	v7 =	vor.u32 s22, v2;
	[tilespmem:v6+s24+$0x0] =	vst.idx.msk $0xffff, v16;
	v6 =	vld [tilespmem:s26+$0xFFFFFF20]  }
0xe2: {  	v8 =	vmul.f32 $8.000000000e+00, v8;
	[tilespmem:v4+s24+$0x0] =	vst.idx.msk $0xffff, v9;
	v4 =	vor.u32 s29, v2;
	v9 =	vld [tilespmem:s26+$0xFFFFFFA0]  }
0xe3: {  	v14 =	vor.u32 s28, v2;
	[tilespmem:v15+s24+$0x0] =	vst.idx.msk $0xffff, v5;
	v5 =	vmul.f32 $8.000000000e+00, v17;
	v15 =	vld [tilespmem:s26+$0x20]  }
0xe4: {  	[tilespmem:v11+s24+$0x0] =	vst.idx.msk $0xffff, v8;
	v11 =	vor.u32 s1, v2;
	v16 =	vld [tilespmem:s2+$0xB0];
	v8 =	vmul.f32 $8.000000000e+00, v13  }
0xe5: {  	v13 =	vld [tilespmem:s2+$0xFFFFFF30];
	[tilespmem:v10+s24+$0x0] =	vst.idx.msk $0xffff, v5;
	v10 =	vor.u32 s30, v2;
	v5 =	vmul.f32 $8.000000000e+00, v12  }
0xe6: {  	v12 =	vor.u32 s8, v3;
	v17 =	vld [tilespmem:s2+$0xFFFFFFB0];
	[tilespmem:v7+s24+$0x0] =	vst.idx.msk $0xffff, v8;
	v6 =	vmul.f32 $8.000000000e+00, v6  }
0xe7: {  	v7 =	vor.u32 s25, v3;
	v8 =	vld [tilespmem:s2+$0x30];
	[tilespmem:v4+s24+$0x0] =	vst.idx.msk $0xffff, v5;
	v4 =	vmul.f32 $8.000000000e+00, v9  }
0xe8: {  	v5 =	vor.u32 s7, v3;
	v9 =	vld [tilespmem:s26+$0xB0];
	[tilespmem:v14+s24+$0x0] =	vst.idx.msk $0xffff, v6;
	v6 =	vmul.f32 $8.000000000e+00, v15  }
0xe9: {  	v14 =	vmul.f32 $8.000000000e+00, v16;
	v15 =	vor.u32 s22, v3;
	v16 =	vld [tilespmem:s26+$0xFFFFFF30];
	[tilespmem:v11+s24+$0x0] =	vst.idx.msk $0xffff, v4  }
0xea: {  	v4 =	vmul.f32 $8.000000000e+00, v13;
	v11 =	vor.u32 s29, v3;
	v13 =	vld [tilespmem:s26+$0xFFFFFFB0];
	[tilespmem:v10+s24+$0x0] =	vst.idx.msk $0xffff, v6  }
0xeb: {  	[tilespmem:v12+s24+$0x0] =	vst.idx.msk $0xffff, v14;
	v6 =	vmul.f32 $8.000000000e+00, v17;
	v10 =	vor.u32 s28, v3;
	v12 =	vld [tilespmem:s26+$0x30]  }
0xec: {  	[tilespmem:v7+s24+$0x0] =	vst.idx.msk $0xffff, v4;
	v4 =	vmul.f32 $8.000000000e+00, v8;
	v7 =	vor.u32 s1, v3  }
0xed: {  	[tilespmem:v5+s24+$0x0] =	vst.idx.msk $0xffff, v6;
	v6 =	vor.u32 s30, v3;
	v5 =	vmul.f32 $8.000000000e+00, v9  }
0xee: {  	[tilespmem:v15+s24+$0x0] =	vst.idx.msk $0xffff, v4;
	v4 =	vmul.f32 $8.000000000e+00, v16  }
0xef: {  	s22 =	sshll.u32 s20, $0x14;
	[tilespmem:v11+s24+$0x0] =	vst.idx.msk $0xffff, v5;
	v5 =	vmul.f32 $8.000000000e+00, v13  }
0xf0: {  	s1 =	sor.u32 s6, s22;
	[tilespmem:v10+s24+$0x0] =	vst.idx.msk $0xffff, v4;
	v4 =	vmul.f32 $8.000000000e+00, v12  }
0xf1: {  	s2 =	sshrl.u32 s1, $0x3;
	[tilespmem:v7+s24+$0x0] =	vst.idx.msk $0xffff, v5  }
0xf2: {  	s1 =	sadd.s32 s31, s2;
	[tilespmem:v6+s24+$0x0] =	vst.idx.msk $0xffff, v4  }
0xf3: {  	[hbm4b:s1+s4] =	stream.linear.scatter [tilespmem:s24], [sflag:$0x5], $0x400, $0x38;
	[tilespmem:$0x1E400] =	vst v63  }
0xf4: {  	s26 =	simm.s32 $0x16C00;
	s25 =	sadd.s32 $0x1000, s1  }
0xf5: {  	[hbm4b:s25+s4] =	stream.linear.scatter [tilespmem:s26], [sflag:$0x5], $0x400, $0x38;
	[tilespmem:$0x1E400] =	vst v63  }
0xf6: {  	s11 =	simm.s32 $0x17400;
	s8 =	sadd.s32 $0x2000, s1  }
0xf7: {  	[hbm4b:s8+s4] =	stream.linear.scatter [tilespmem:s11], [sflag:$0x5], $0x400, $0x38;
	[tilespmem:$0x1E400] =	vst v63  }
0xf8: {  	s22 =	simm.s32 $0x17C00;
	s13 =	sadd.s32 $0x3000, s1  }
0xf9: {  	[hbm4b:s13+s4] =	stream.linear.scatter [tilespmem:s22], [sflag:$0x5], $0x400, $0x38;
	[tilespmem:$0x1E400] =	vst v63  }
0xfa: {  	s25 =	sadd.s32 $0x4000, s1;
	s26 =	simm.s32 $0x18400  }
0xfb: {  	[hbm4b:s25+s4] =	stream.linear.scatter [tilespmem:s26], [sflag:$0x5], $0x400, $0x38;
	[tilespmem:$0x1E400] =	vst v63  }
0xfc: {  	s11 =	sadd.s32 $0x5000, s1;
	s13 =	simm.s32 $0x18C00  }
0xfd: {  	[hbm4b:s11+s4] =	stream.linear.scatter [tilespmem:s13], [sflag:$0x5], $0x400, $0x38;
	[tilespmem:$0x1E400] =	vst v63  }
0xfe: {  	s22 =	sadd.s32 $0x6000, s1;
	s25 =	simm.s32 $0x19400  }
0xff: {  	[hbm4b:s22+s4] =	stream.linear.scatter [tilespmem:s25], [sflag:$0x5], $0x400, $0x38;
	[tilespmem:$0x1E400] =	vst v63  }
0x100: {  	p0 =	seq.s32 s20, $0x31;
	s1 =	sadd.s32 $0x7000, s1;
	s26 =	simm.s32 $0x19C00  }
0x101: {  	[hbm4b:s1+s4] =	stream.linear.scatter [tilespmem:s26], [sflag:$0x5], $0x400, $0x38;
	[tilespmem:$0x1E400] =	vst v63  }
0x102: {  	s1 =	sshll.u32 @!p0 s20, $0x9  }
0x103: {  	s22 =	sand.u32 @!p0 $0x3FFFFE00, s1  }
0x104: {  	v4 =	vld @!p0 [tilespmem:s22+$0x200];
	_ =	sdelay $0x6  }
0x105: {  	vm1 =	vmmov @!p0 $0xffff;
	s7 =	simm.s32 @!p0 $0x6400;
	s1 =	simm.s32 @!p0 $0x0  }
0x106: {  	[tilespmem:s7], [sflag:$0x1] =	stream.indirect_vreg.gather @!p0 [hbm4b:s0+s1], $0x80, v4, vm1, $0xb8;
	[tilespmem:$0x1E400] =	vst v63  }
0x107: {  	v4 =	vld @!p0 [tilespmem:s22+$0x210];
	_ =	sdelay $0x6  }
0x108: {  	s7 =	simm.s32 @!p0 $0x6C00  }
0x109: {  	[tilespmem:s7], [sflag:$0x1] =	stream.indirect_vreg.gather @!p0 [hbm4b:s0+s1], $0x80, v4, vm1, $0xb8;
	[tilespmem:$0x1E400] =	vst v63  }
0x10a: {  	v4 =	vld @!p0 [tilespmem:s22+$0x220];
	_ =	sdelay $0x6  }
0x10b: {  	s7 =	simm.s32 @!p0 $0x7400  }
0x10c: {  	[tilespmem:s7], [sflag:$0x1] =	stream.indirect_vreg.gather @!p0 [hbm4b:s0+s1], $0x80, v4, vm1, $0xb8;
	[tilespmem:$0x1E400] =	vst v63  }
0x10d: {  	v4 =	vld @!p0 [tilespmem:s22+$0x230];
	_ =	sdelay $0x6  }
0x10e: {  	s7 =	simm.s32 @!p0 $0x7C00  }
0x10f: {  	[tilespmem:s7], [sflag:$0x1] =	stream.indirect_vreg.gather @!p0 [hbm4b:s0+s1], $0x80, v4, vm1, $0xb8;
	[tilespmem:$0x1E400] =	vst v63  }
0x110: {  	v4 =	vld @!p0 [tilespmem:s22+$0x240];
	_ =	sdelay $0x6  }
0x111: {  	s7 =	simm.s32 @!p0 $0x8400  }
0x112: {  	[tilespmem:s7], [sflag:$0x1] =	stream.indirect_vreg.gather @!p0 [hbm4b:s0+s1], $0x80, v4, vm1, $0xb8;
	[tilespmem:$0x1E400] =	vst v63  }
0x113: {  	v4 =	vld @!p0 [tilespmem:s22+$0x250];
	_ =	sdelay $0x6  }
0x114: {  	s7 =	simm.s32 @!p0 $0x8C00  }
0x115: {  	[tilespmem:s7], [sflag:$0x1] =	stream.indirect_vreg.gather @!p0 [hbm4b:s0+s1], $0x80, v4, vm1, $0xb8;
	[tilespmem:$0x1E400] =	vst v63  }
0x116: {  	v4 =	vld @!p0 [tilespmem:s22+$0x260];
	_ =	sdelay $0x6  }
0x117: {  	s7 =	simm.s32 @!p0 $0x9400  }
0x118: {  	[tilespmem:s7], [sflag:$0x1] =	stream.indirect_vreg.gather @!p0 [hbm4b:s0+s1], $0x80, v4, vm1, $0xb8;
	[tilespmem:$0x1E400] =	vst v63  }
0x119: {  	v4 =	vld @!p0 [tilespmem:s22+$0x270];
	_ =	sdelay $0x6  }
0x11a: {  	s7 =	simm.s32 @!p0 $0x9C00  }
0x11b: {  	[tilespmem:s7], [sflag:$0x1] =	stream.indirect_vreg.gather @!p0 [hbm4b:s0+s1], $0x80, v4, vm1, $0xb8;
	[tilespmem:$0x1E400] =	vst v63  }
0x11c: {  	_ =	swait.ge [sflag:s3], $0x800  }
0x11d: {  	[sflag:s3] =	ssyncset.done $0x0  }
0x11e: {  	[sflag:s3] =	ssyncadd.s32 $0xFFFFF800  }
0x11f: {  	_ =	swait.ge [sflag:s3], $0x800  }
0x120: {  	[sflag:s3] =	ssyncset.done $0x0  }
0x121: {  	[sflag:s3] =	ssyncadd.s32 $0xFFFFF800  }
0x122: {  	_ =	swait.ge [sflag:s3], $0x800  }
0x123: {  	[sflag:s3] =	ssyncset.done $0x0  }
0x124: {  	[sflag:s3] =	ssyncadd.s32 $0xFFFFF800  }
0x125: {  	_ =	swait.ge [sflag:s3], $0x800  }
0x126: {  	[sflag:s3] =	ssyncset.done $0x0  }
0x127: {  	[sflag:s3] =	ssyncadd.s32 $0xFFFFF800  }
0x128: {  	_ =	swait.ge [sflag:s3], $0x800  }
0x129: {  	[sflag:s3] =	ssyncset.done $0x0  }
0x12a: {  	[sflag:s3] =	ssyncadd.s32 $0xFFFFF800  }
0x12b: {  	_ =	swait.ge [sflag:s3], $0x800  }
0x12c: {  	[sflag:s3] =	ssyncset.done $0x0  }
0x12d: {  	[sflag:s3] =	ssyncadd.s32 $0xFFFFF800  }
0x12e: {  	_ =	swait.ge [sflag:s3], $0x800  }
0x12f: {  	[sflag:s3] =	ssyncset.done $0x0  }
0x130: {  	[sflag:s3] =	ssyncadd.s32 $0xFFFFF800  }
0x131: {  	_ =	swait.ge [sflag:s3], $0x800  }
0x132: {  	[sflag:s3] =	ssyncset.done $0x0  }
0x133: {  	s1 =	simm.s32 @!p1 $0x6;
	[sflag:s3] =	ssyncadd.s32 $0xFFFFF800  }
0x134: {  	_ =	swait.ge @!p1 [sflag:s1], $0x2000  }
0x135: {  	[sflag:s1] =	ssyncset.done @!p1 $0x0  }
0x136: {  	[sflag:s1] =	ssyncadd.s32 @!p1 $0xFFFFE000;
	s1 =	simm.s32 $0xA500  }
0x137: {  	v4 =	vld [tilespmem:s1+$0x80]  }
0x138: {  	s29 =	simm.s32 $0x3  }
0x139: {  	v5 =	vor.u32 s29, v0  }
0x13a: {  	v6 =	vld [tilespmem:s1+$0xFFFFFF00]  }
0x13b: {  	s11 =	simm.s32 $0x0  }
0x13c: {  	v9 =	vor.u32 s11, v0;
	v7 =	vld [tilespmem:s1+$0xFFFFFF80];
	v4 =	vmul.f32 $8.000000000e+00, v4  }
0x13d: {  	s14 =	smov.u32 s31;
	s31 =	simm.s32 $0x1;
	v8 =	vld [tilespmem:s1+$0x0]  }
0x13e: {  	v10 =	vor.u32 s31, v0;
	s13 =	simm.s32 $0x2;
	[tilespmem:v5+s10+$0x0] =	vst.idx.msk $0xffff, v4  }
0x13f: {  	v6 =	vmul.f32 $8.000000000e+00, v6;
	v4 =	vor.u32 s13, v0;
	v5 =	vld [tilespmem:s1+$0x90];
	_ =	sdelay $0x1  }
0x140: {  	v11 =	vor.u32 s29, v1;
	v7 =	vmul.f32 $8.000000000e+00, v7;
	[tilespmem:v9+s10+$0x0] =	vst.idx.msk $0xffff, v6  }
0x141: {  	v8 =	vmul.f32 $8.000000000e+00, v8;
	v6 =	vld [tilespmem:s1+$0xFFFFFF10]  }
0x142: {  	[tilespmem:v10+s10+$0x0] =	vst.idx.msk $0xffff, v7  }
0x143: {  	v7 =	vld [tilespmem:s1+$0xFFFFFF90];
	[tilespmem:v4+s10+$0x0] =	vst.idx.msk $0xffff, v8;
	v8 =	vor.u32 s11, v1;
	v4 =	vmul.f32 $8.000000000e+00, v5  }
0x144: {  	s7 =	simm.s32 $0xA700;
	v5 =	vld [tilespmem:s1+$0x10]  }
0x145: {  	v9 =	vor.u32 s31, v1;
	[tilespmem:v11+s10+$0x0] =	vst.idx.msk $0xffff, v4;
	v4 =	vld [tilespmem:s7+$0x80]  }
0x146: {  	s25 =	simm.s32 $0x7;
	v12 =	vld [tilespmem:s7+$0xFFFFFF80];
	v10 =	vor.u32 s13, v1;
	v6 =	vmul.f32 $8.000000000e+00, v6  }
0x147: {  	s8 =	simm.s32 $0x5;
	v13 =	vor.u32 s25, v0;
	v11 =	vld [tilespmem:s1+$0xA0]  }
0x148: {  	v14 =	vld [tilespmem:s7+$0x0];
	v7 =	vmul.f32 $8.000000000e+00, v7;
	[tilespmem:v8+s10+$0x0] =	vst.idx.msk $0xffff, v6;
	v8 =	vor.u32 s8, v0  }
0x149: {  	v15 =	vor.u32 s29, v2;
	s26 =	simm.s32 $0x6;
	v6 =	vld [tilespmem:s7+$0xFFFFFF00];
	v5 =	vmul.f32 $8.000000000e+00, v5  }
0x14a: {  	s28 =	simm.s32 $0x4;
	[tilespmem:v9+s10+$0x0] =	vst.idx.msk $0xffff, v7;
	v7 =	vor.u32 s26, v0;
	v9 =	vld [tilespmem:s1+$0xFFFFFF20];
	v4 =	vmul.f32 $8.000000000e+00, v4  }
0x14b: {  	v12 =	vmul.f32 $8.000000000e+00, v12;
	[tilespmem:v10+s10+$0x0] =	vst.idx.msk $0xffff, v5;
	v5 =	vor.u32 s28, v0;
	v10 =	vld [tilespmem:s1+$0xFFFFFFA0]  }
0x14c: {  	v11 =	vmul.f32 $8.000000000e+00, v11;
	[tilespmem:v13+s10+$0x0] =	vst.idx.msk $0xffff, v4;
	v4 =	vor.u32 s11, v2;
	v13 =	vld [tilespmem:s1+$0x20]  }
0x14d: {  	v17 =	vor.u32 s31, v2;
	v14 =	vmul.f32 $8.000000000e+00, v14;
	[tilespmem:v8+s10+$0x0] =	vst.idx.msk $0xffff, v12;
	v16 =	vld [tilespmem:s7+$0x90]  }
0x14e: {  	v6 =	vmul.f32 $8.000000000e+00, v6;
	v8 =	vor.u32 s13, v2;
	[tilespmem:v15+s10+$0x0] =	vst.idx.msk $0xffff, v11;
	v15 =	vld [tilespmem:s7+$0xFFFFFF90]  }
0x14f: {  	[tilespmem:v7+s10+$0x0] =	vst.idx.msk $0xffff, v14;
	v7 =	vor.u32 s25, v1;
	v9 =	vmul.f32 $8.000000000e+00, v9;
	v11 =	vld [tilespmem:s1+$0xB0]  }
0x150: {  	v63 =	vor.u32 s8, v1;
	v61 =	vld [tilespmem:s7+$0x10];
	[tilespmem:v5+s10+$0x0] =	vst.idx.msk $0xffff, v6;
	v5 =	vmul.f32 $8.000000000e+00, v10  }
0x151: {  	v14 =	vor.u32 s29, v3;
	v62 =	vld [tilespmem:s7+$0xFFFFFF10];
	[tilespmem:v4+s10+$0x0] =	vst.idx.msk $0xffff, v9;
	v9 =	vmul.f32 $8.000000000e+00, v13  }
0x152: {  	v12 =	vor.u32 s26, v1;
	[tilespmem:v17+s10+$0x0] =	vst.idx.msk $0xffff, v5;
	v10 =	vmul.f32 $8.000000000e+00, v16;
	v6 =	vld [tilespmem:s1+$0xFFFFFF30]  }
0x153: {  	v4 =	vld [tilespmem:s1+$0xFFFFFFB0];
	v16 =	vmul.f32 $8.000000000e+00, v15;
	[tilespmem:v8+s10+$0x0] =	vst.idx.msk $0xffff, v9;
	v9 =	vor.u32 s28, v1  }
0x154: {  	s29 =	simm.s32 $0xA900;
	v11 =	vmul.f32 $8.000000000e+00, v11;
	v8 =	vor.u32 s11, v3;
	[tilespmem:v7+s10+$0x0] =	vst.idx.msk $0xffff, v10;
	v5 =	vld [tilespmem:s1+$0x30]  }
0x155: {  	v13 =	vld [tilespmem:s29+$0x80];
	v15 =	vmul.f32 $8.000000000e+00, v61;
	v10 =	vor.u32 s31, v3;
	[tilespmem:v63+s10+$0x0] =	vst.idx.msk $0xffff, v16  }
0x156: {  	s30 =	simm.s32 $0x8;
	s31 =	simm.s32 $0xB;
	s1 =	simm.s32 $0xC;
	[tilespmem:v14+s10+$0x0] =	vst.idx.msk $0xffff, v11;
	v11 =	vor.u32 s13, v3;
	v14 =	vmul.f32 $8.000000000e+00, v62;
	v7 =	vld [tilespmem:s7+$0xA0]  }
.LBB2_5:
0x157: {  	p1 =	slt.u32 s1, $0x7C;
	v16 =	vld [tilespmem:s29+$0xFFFFFF80];
	v17 =	vor.u32 s31, v0;
	[tilespmem:v12+s10+$0x0] =	vst.idx.msk $0xffff, v15;
	v6 =	vmul.f32 $8.000000000e+00, v6  }
0x158: {  	s13 =	sadd.s32 $0x1, s30;
	v12 =	vld [tilespmem:s29+$0x0];
	[tilespmem:v9+s10+$0x0] =	vst.idx.msk $0xffff, v14;
	v9 =	vor.u32 s25, v2;
	v4 =	vmul.f32 $8.000000000e+00, v4  }
0x159: {  	s11 =	sadd.s32 $0x2, s30;
	v15 =	vor.u32 s13, v0;
	v14 =	vld [tilespmem:s29+$0xFFFFFF00];
	[tilespmem:v8+s10+$0x0] =	vst.idx.msk $0xffff, v6;
	v5 =	vmul.f32 $8.000000000e+00, v5  }
0x15a: {  	v6 =	vor.u32 s11, v0;
	v8 =	vmul.f32 $8.000000000e+00, v13;
	v13 =	vld [tilespmem:s7+$0xFFFFFF20];
	[tilespmem:v10+s10+$0x0] =	vst.idx.msk $0xffff, v4  }
0x15b: {  	v4 =	vor.u32 s30, v0;
	v10 =	vld [tilespmem:s7+$0xFFFFFFA0];
	v7 =	vmul.f32 $8.000000000e+00, v7;
	[tilespmem:v11+s10+$0x0] =	vst.idx.msk $0xffff, v5  }
0x15c: {  	v5 =	vmul.f32 $8.000000000e+00, v16;
	[tilespmem:v17+s10+$0x0] =	vst.idx.msk $0xffff, v8;
	v8 =	vor.u32 s28, v2;
	v11 =	vld [tilespmem:s7+$0x20]  }
0x15d: {  	v17 =	vor.u32 s8, v2;
	v12 =	vmul.f32 $8.000000000e+00, v12;
	v16 =	vld [tilespmem:s29+$0x90];
	[tilespmem:v9+s10+$0x0] =	vst.idx.msk $0xffff, v7  }
0x15e: {  	v7 =	vmul.f32 $8.000000000e+00, v14;
	[tilespmem:v15+s10+$0x0] =	vst.idx.msk $0xffff, v5;
	v5 =	vor.u32 s26, v2;
	v14 =	vld [tilespmem:s7+$0xB0]  }
0x15f: {  	v18 =	vor.u32 s31, v1;
	v15 =	vld [tilespmem:s29+$0xFFFFFF90];
	[tilespmem:v6+s10+$0x0] =	vst.idx.msk $0xffff, v12;
	v6 =	vmul.f32 $8.000000000e+00, v13  }
0x160: {  	v19 =	vor.u32 s25, v3;
	s25 =	smov.u32 s31;
	[tilespmem:v4+s10+$0x0] =	vst.idx.msk $0xffff, v7;
	v7 =	vld [tilespmem:s29+$0x10];
	v4 =	vmul.f32 $8.000000000e+00, v10  }
0x161: {  	v21 =	vor.u32 s13, v1;
	v20 =	vld [tilespmem:s29+$0xFFFFFF10];
	[tilespmem:v8+s10+$0x0] =	vst.idx.msk $0xffff, v6;
	v8 =	vmul.f32 $8.000000000e+00, v11  }
.Ltmp1:
0x162: {  	v12 =	vor.u32 s11, v1;
	v10 =	vmul.f32 $8.000000000e+00, v16;
	v6 =	vld [tilespmem:s7+$0xFFFFFF30];
	[tilespmem:v17+s10+$0x0] =	vst.idx.msk $0xffff, v4;
	(pc) =	sbr.rel @p1 .LBB2_5-.Ltmp1, $4  }
0x163: {  	v9 =	vor.u32 s30, v1;
	v4 =	vld [tilespmem:s7+$0xFFFFFFB0];
	[tilespmem:v5+s10+$0x0] =	vst.idx.msk $0xffff, v8;
	v11 =	vmul.f32 $8.000000000e+00, v14  }
0x164: {  	v8 =	vor.u32 s28, v3;
	s28 =	smov.u32 s30;
	v16 =	vmul.f32 $8.000000000e+00, v15;
	[tilespmem:v18+s10+$0x0] =	vst.idx.msk $0xffff, v10;
	v5 =	vld [tilespmem:s7+$0x30];
	s7 =	smov.u32 s29;
	s29 =	sadd.s32 $0x200, s29  }
0x165: {  	s30 =	smov.u32 s1;
	v10 =	vor.u32 s8, v3;
	s8 =	smov.u32 s13;
	v13 =	vld [tilespmem:s29+$0x80];
	v15 =	vmul.f32 $8.000000000e+00, v7;
	[tilespmem:v19+s10+$0x0] =	vst.idx.msk $0xffff, v11  }
0x166: {  	s1 =	sadd.s32 $0x4, s1;
	s31 =	sadd.s32 $0x3, s30;
	v11 =	vor.u32 s26, v3;
	s26 =	smov.u32 s11;
	v14 =	vmul.f32 $8.000000000e+00, v20;
	[tilespmem:v21+s10+$0x0] =	vst.idx.msk $0xffff, v16;
	v7 =	vld [tilespmem:s7+$0xA0]  }
0x167: {  	v16 =	vld [tilespmem:s29+$0xFFFFFF00]  }
0x168: {  	v17 =	vld [tilespmem:s29+$0xFFFFFF80];
	v18 =	vor.u32 s31, v0  }
0x169: {  	s1 =	sadd.s32 $0x1, s30;
	v19 =	vld [tilespmem:s29+$0x0];
	v20 =	vor.u32 s30, v0  }
0x16a: {  	s11 =	sadd.s32 $0x2, s30;
	v21 =	vor.u32 s1, v0  }
0x16b: {  	v22 =	vor.u32 s11, v0;
	v13 =	vmul.f32 $8.000000000e+00, v13  }
0x16c: {  	[tilespmem:v12+s10+$0x0] =	vst.idx.msk $0xffff, v15;
	v12 =	vmul.f32 $8.000000000e+00, v16  }
0x16d: {  	[tilespmem:v18+s10+$0x0] =	vst.idx.msk $0xffff, v13;
	v13 =	vmul.f32 $8.000000000e+00, v17  }
0x16e: {  	v15 =	vld [tilespmem:s29+$0x90];
	[tilespmem:v20+s10+$0x0] =	vst.idx.msk $0xffff, v12;
	v12 =	vmul.f32 $8.000000000e+00, v19  }
0x16f: {  	[tilespmem:v21+s10+$0x0] =	vst.idx.msk $0xffff, v13;
	v13 =	vld [tilespmem:s29+$0xFFFFFF10]  }
0x170: {  	v6 =	vmul.f32 $8.000000000e+00, v6;
	v16 =	vld [tilespmem:s29+$0xFFFFFF90];
	[tilespmem:v22+s10+$0x0] =	vst.idx.msk $0xffff, v12;
	v12 =	vor.u32 s31, v1  }
0x171: {  	[tilespmem:v9+s10+$0x0] =	vst.idx.msk $0xffff, v14;
	v4 =	vmul.f32 $8.000000000e+00, v4;
	v14 =	vor.u32 s30, v1;
	v9 =	vld [tilespmem:s29+$0x10]  }
0x172: {  	[tilespmem:v8+s10+$0x0] =	vst.idx.msk $0xffff, v6;
	v5 =	vmul.f32 $8.000000000e+00, v5;
	v6 =	vor.u32 s1, v1  }
0x173: {  	v8 =	vld [tilespmem:s7+$0xFFFFFF20];
	[tilespmem:v10+s10+$0x0] =	vst.idx.msk $0xffff, v4;
	v4 =	vor.u32 s11, v1;
	v10 =	vmul.f32 $8.000000000e+00, v15  }
0x174: {  	[tilespmem:v11+s10+$0x0] =	vst.idx.msk $0xffff, v5;
	v17 =	vld [tilespmem:s7+$0xFFFFFFA0];
	v15 =	vor.u32 s25, v2;
	v5 =	vmul.f32 $8.000000000e+00, v13  }
0x175: {  	v11 =	vor.u32 s28, v2;
	v13 =	vld [tilespmem:s7+$0x20];
	v16 =	vmul.f32 $8.000000000e+00, v16;
	[tilespmem:v12+s10+$0x0] =	vst.idx.msk $0xffff, v10  }
0x176: {  	v10 =	vor.u32 s8, v2;
	v9 =	vmul.f32 $8.000000000e+00, v9;
	v12 =	vld [tilespmem:s29+$0xA0];
	[tilespmem:v14+s10+$0x0] =	vst.idx.msk $0xffff, v5  }
0x177: {  	v5 =	vmul.f32 $8.000000000e+00, v7;
	v7 =	vor.u32 s26, v2;
	[tilespmem:v6+s10+$0x0] =	vst.idx.msk $0xffff, v16;
	v6 =	vld [tilespmem:s29+$0xFFFFFF20]  }
0x178: {  	v8 =	vmul.f32 $8.000000000e+00, v8;
	[tilespmem:v4+s10+$0x0] =	vst.idx.msk $0xffff, v9;
	v4 =	vor.u32 s31, v2;
	v9 =	vld [tilespmem:s29+$0xFFFFFFA0]  }
0x179: {  	v14 =	vor.u32 s30, v2;
	[tilespmem:v15+s10+$0x0] =	vst.idx.msk $0xffff, v5;
	v5 =	vmul.f32 $8.000000000e+00, v17;
	v15 =	vld [tilespmem:s29+$0x20]  }
0x17a: {  	[tilespmem:v11+s10+$0x0] =	vst.idx.msk $0xffff, v8;
	v11 =	vor.u32 s1, v2;
	v16 =	vld [tilespmem:s7+$0xB0];
	v8 =	vmul.f32 $8.000000000e+00, v13  }
0x17b: {  	v13 =	vld [tilespmem:s7+$0xFFFFFF30];
	[tilespmem:v10+s10+$0x0] =	vst.idx.msk $0xffff, v5;
	v10 =	vor.u32 s11, v2;
	v5 =	vmul.f32 $8.000000000e+00, v12  }
0x17c: {  	v12 =	vor.u32 s25, v3;
	v17 =	vld [tilespmem:s7+$0xFFFFFFB0];
	[tilespmem:v7+s10+$0x0] =	vst.idx.msk $0xffff, v8;
	v6 =	vmul.f32 $8.000000000e+00, v6  }
0x17d: {  	v7 =	vor.u32 s28, v3;
	v8 =	vld [tilespmem:s7+$0x30];
	[tilespmem:v4+s10+$0x0] =	vst.idx.msk $0xffff, v5;
	v4 =	vmul.f32 $8.000000000e+00, v9  }
0x17e: {  	v5 =	vor.u32 s8, v3;
	v9 =	vld [tilespmem:s29+$0xB0];
	[tilespmem:v14+s10+$0x0] =	vst.idx.msk $0xffff, v6;
	v6 =	vmul.f32 $8.000000000e+00, v15  }
0x17f: {  	v14 =	vmul.f32 $8.000000000e+00, v16;
	v15 =	vor.u32 s26, v3;
	v16 =	vld [tilespmem:s29+$0xFFFFFF30];
	[tilespmem:v11+s10+$0x0] =	vst.idx.msk $0xffff, v4  }
0x180: {  	v4 =	vmul.f32 $8.000000000e+00, v13;
	v11 =	vor.u32 s31, v3;
	v13 =	vld [tilespmem:s29+$0xFFFFFFB0];
	[tilespmem:v10+s10+$0x0] =	vst.idx.msk $0xffff, v6  }
0x181: {  	[tilespmem:v12+s10+$0x0] =	vst.idx.msk $0xffff, v14;
	v6 =	vmul.f32 $8.000000000e+00, v17;
	v10 =	vor.u32 s30, v3;
	v12 =	vld [tilespmem:s29+$0x30]  }
0x182: {  	[tilespmem:v7+s10+$0x0] =	vst.idx.msk $0xffff, v4;
	v4 =	vmul.f32 $8.000000000e+00, v8;
	v7 =	vor.u32 s1, v3  }
0x183: {  	[tilespmem:v5+s10+$0x0] =	vst.idx.msk $0xffff, v6;
	v6 =	vor.u32 s11, v3;
	v5 =	vmul.f32 $8.000000000e+00, v9  }
0x184: {  	[tilespmem:v15+s10+$0x0] =	vst.idx.msk $0xffff, v4;
	v4 =	vmul.f32 $8.000000000e+00, v16  }
0x185: {  	[tilespmem:v11+s10+$0x0] =	vst.idx.msk $0xffff, v5;
	v5 =	vmul.f32 $8.000000000e+00, v13  }
0x186: {  	[tilespmem:v10+s10+$0x0] =	vst.idx.msk $0xffff, v4;
	v4 =	vmul.f32 $8.000000000e+00, v12  }
0x187: {  	[tilespmem:v7+s10+$0x0] =	vst.idx.msk $0xffff, v5  }
0x188: {  	[tilespmem:v6+s10+$0x0] =	vst.idx.msk $0xffff, v4  }
0x189: {  	s8 =	rddreg [dreg:$0x5]  }
0x18a: {  	s1 =	sadd.s32 s2, s8  }
0x18b: {  	[hbm4b:s1+s4] =	stream.linear.scatter [tilespmem:s10], [sflag:$0x6], $0x400, $0x38;
	[tilespmem:$0x1E400] =	vst v63  }
0x18c: {  	s13 =	simm.s32 $0x1AC00;
	s11 =	sadd.s32 $0x1000, s1  }
0x18d: {  	[hbm4b:s11+s4] =	stream.linear.scatter [tilespmem:s13], [sflag:$0x6], $0x400, $0x38;
	[tilespmem:$0x1E400] =	vst v63  }
0x18e: {  	s26 =	simm.s32 $0x1B400;
	s25 =	sadd.s32 $0x2000, s1  }
0x18f: {  	[hbm4b:s25+s4] =	stream.linear.scatter [tilespmem:s26], [sflag:$0x6], $0x400, $0x38;
	[tilespmem:$0x1E400] =	vst v63  }
0x190: {  	s8 =	sadd.s32 $0x3000, s1;
	s11 =	simm.s32 $0x1BC00  }
0x191: {  	[hbm4b:s8+s4] =	stream.linear.scatter [tilespmem:s11], [sflag:$0x6], $0x400, $0x38;
	[tilespmem:$0x1E400] =	vst v63  }
0x192: {  	s13 =	sadd.s32 $0x4000, s1  }
0x193: {  	[hbm4b:s13+s4] =	stream.linear.scatter [tilespmem:s5], [sflag:$0x6], $0x400, $0x38;
	[tilespmem:$0x1E400] =	vst v63  }
0x194: {  	s25 =	sadd.s32 $0x5000, s1  }
0x195: {  	[hbm4b:s25+s4] =	stream.linear.scatter [tilespmem:s9], [sflag:$0x6], $0x400, $0x38;
	[tilespmem:$0x1E400] =	vst v63  }
0x196: {  	s26 =	sadd.s32 $0x6000, s1  }
0x197: {  	[hbm4b:s26+s4] =	stream.linear.scatter [tilespmem:s12], [sflag:$0x6], $0x400, $0x38;
	[tilespmem:$0x1E400] =	vst v63  }
0x198: {  	s1 =	sadd.s32 $0x7000, s1  }
0x199: {  	[hbm4b:s1+s4] =	stream.linear.scatter [tilespmem:s15], [sflag:$0x6], $0x400, $0x38;
	[tilespmem:$0x1E400] =	vst v63  }
0x19a: {  	v4 =	vld @!p0 [tilespmem:s22+$0x280];
	_ =	sdelay $0x6  }
0x19b: {  	s7 =	simm.s32 @!p0 $0xA400;
	s1 =	simm.s32 @!p0 $0x0  }
0x19c: {  	[tilespmem:s7], [sflag:$0x2] =	stream.indirect_vreg.gather @!p0 [hbm4b:s0+s1], $0x80, v4, vm1, $0xb8;
	[tilespmem:$0x1E400] =	vst v63  }
0x19d: {  	v4 =	vld @!p0 [tilespmem:s22+$0x290];
	_ =	sdelay $0x6  }
0x19e: {  	s7 =	simm.s32 @!p0 $0xAC00  }
0x19f: {  	[tilespmem:s7], [sflag:$0x2] =	stream.indirect_vreg.gather @!p0 [hbm4b:s0+s1], $0x80, v4, vm1, $0xb8;
	[tilespmem:$0x1E400] =	vst v63  }
0x1a0: {  	v4 =	vld @!p0 [tilespmem:s22+$0x2A0];
	_ =	sdelay $0x6  }
0x1a1: {  	s7 =	simm.s32 @!p0 $0xB400  }
0x1a2: {  	[tilespmem:s7], [sflag:$0x2] =	stream.indirect_vreg.gather @!p0 [hbm4b:s0+s1], $0x80, v4, vm1, $0xb8;
	[tilespmem:$0x1E400] =	vst v63  }
0x1a3: {  	v4 =	vld @!p0 [tilespmem:s22+$0x2B0];
	_ =	sdelay $0x6  }
0x1a4: {  	s7 =	simm.s32 @!p0 $0xBC00  }
0x1a5: {  	[tilespmem:s7], [sflag:$0x2] =	stream.indirect_vreg.gather @!p0 [hbm4b:s0+s1], $0x80, v4, vm1, $0xb8;
	[tilespmem:$0x1E400] =	vst v63  }
0x1a6: {  	v4 =	vld @!p0 [tilespmem:s22+$0x2C0];
	_ =	sdelay $0x6  }
0x1a7: {  	s7 =	simm.s32 @!p0 $0xC400  }
0x1a8: {  	[tilespmem:s7], [sflag:$0x2] =	stream.indirect_vreg.gather @!p0 [hbm4b:s0+s1], $0x80, v4, vm1, $0xb8;
	[tilespmem:$0x1E400] =	vst v63  }
0x1a9: {  	v4 =	vld @!p0 [tilespmem:s22+$0x2D0];
	_ =	sdelay $0x6  }
0x1aa: {  	s7 =	simm.s32 @!p0 $0xCC00  }
0x1ab: {  	[tilespmem:s7], [sflag:$0x2] =	stream.indirect_vreg.gather @!p0 [hbm4b:s0+s1], $0x80, v4, vm1, $0xb8;
	[tilespmem:$0x1E400] =	vst v63  }
0x1ac: {  	v4 =	vld @!p0 [tilespmem:s22+$0x2E0];
	_ =	sdelay $0x6  }
0x1ad: {  	s7 =	simm.s32 @!p0 $0xD400  }
0x1ae: {  	[tilespmem:s7], [sflag:$0x2] =	stream.indirect_vreg.gather @!p0 [hbm4b:s0+s1], $0x80, v4, vm1, $0xb8;
	[tilespmem:$0x1E400] =	vst v63  }
0x1af: {  	v4 =	vld @!p0 [tilespmem:s22+$0x2F0];
	_ =	sdelay $0x6  }
0x1b0: {  	s7 =	simm.s32 @!p0 $0xDC00  }
0x1b1: {  	[tilespmem:s7], [sflag:$0x2] =	stream.indirect_vreg.gather @!p0 [hbm4b:s0+s1], $0x80, v4, vm1, $0xb8;
	[tilespmem:$0x1E400] =	vst v63  }
0x1b2: {  	_ =	swait.ge [sflag:s16], $0x800  }
0x1b3: {  	[sflag:s16] =	ssyncset.done $0x0  }
0x1b4: {  	[sflag:s16] =	ssyncadd.s32 $0xFFFFF800  }
0x1b5: {  	_ =	swait.ge [sflag:s16], $0x800  }
0x1b6: {  	[sflag:s16] =	ssyncset.done $0x0  }
0x1b7: {  	[sflag:s16] =	ssyncadd.s32 $0xFFFFF800  }
0x1b8: {  	_ =	swait.ge [sflag:s16], $0x800  }
0x1b9: {  	[sflag:s16] =	ssyncset.done $0x0  }
0x1ba: {  	[sflag:s16] =	ssyncadd.s32 $0xFFFFF800  }
0x1bb: {  	_ =	swait.ge [sflag:s16], $0x800  }
0x1bc: {  	[sflag:s16] =	ssyncset.done $0x0  }
0x1bd: {  	[sflag:s16] =	ssyncadd.s32 $0xFFFFF800  }
0x1be: {  	_ =	swait.ge [sflag:s16], $0x800  }
0x1bf: {  	[sflag:s16] =	ssyncset.done $0x0  }
0x1c0: {  	[sflag:s16] =	ssyncadd.s32 $0xFFFFF800  }
0x1c1: {  	_ =	swait.ge [sflag:s16], $0x800  }
0x1c2: {  	[sflag:s16] =	ssyncset.done $0x0  }
0x1c3: {  	[sflag:s16] =	ssyncadd.s32 $0xFFFFF800  }
0x1c4: {  	_ =	swait.ge [sflag:s16], $0x800  }
0x1c5: {  	[sflag:s16] =	ssyncset.done $0x0  }
0x1c6: {  	[sflag:s16] =	ssyncadd.s32 $0xFFFFF800  }
0x1c7: {  	_ =	swait.ge [sflag:s16], $0x800  }
0x1c8: {  	[sflag:s16] =	ssyncset.done $0x0  }
0x1c9: {  	[sflag:s16] =	ssyncadd.s32 $0xFFFFF800  }
0x1ca: {  	_ =	swait.ge [sflag:s17], $0x2000  }
0x1cb: {  	[sflag:s17] =	ssyncset.done $0x0  }
0x1cc: {  	s1 =	simm.s32 $0xE500;
	[sflag:s17] =	ssyncadd.s32 $0xFFFFE000  }
0x1cd: {  	v4 =	vld [tilespmem:s1+$0x80]  }
0x1ce: {  	s29 =	simm.s32 $0x3  }
0x1cf: {  	v5 =	vor.u32 s29, v0  }
0x1d0: {  	v6 =	vld [tilespmem:s1+$0xFFFFFF00]  }
0x1d1: {  	s11 =	simm.s32 $0x0  }
0x1d2: {  	v9 =	vor.u32 s11, v0;
	v7 =	vld [tilespmem:s1+$0xFFFFFF80];
	v4 =	vmul.f32 $8.000000000e+00, v4  }
0x1d3: {  	s31 =	simm.s32 $0x1;
	v8 =	vld [tilespmem:s1+$0x0]  }
0x1d4: {  	v10 =	vor.u32 s31, v0;
	s13 =	simm.s32 $0x2;
	[tilespmem:v5+s24+$0x0] =	vst.idx.msk $0xffff, v4  }
0x1d5: {  	v6 =	vmul.f32 $8.000000000e+00, v6;
	v4 =	vor.u32 s13, v0;
	v5 =	vld [tilespmem:s1+$0x90];
	_ =	sdelay $0x1  }
0x1d6: {  	v11 =	vor.u32 s29, v1;
	v7 =	vmul.f32 $8.000000000e+00, v7;
	[tilespmem:v9+s24+$0x0] =	vst.idx.msk $0xffff, v6  }
0x1d7: {  	v8 =	vmul.f32 $8.000000000e+00, v8;
	v6 =	vld [tilespmem:s1+$0xFFFFFF10]  }
0x1d8: {  	[tilespmem:v10+s24+$0x0] =	vst.idx.msk $0xffff, v7  }
0x1d9: {  	v7 =	vld [tilespmem:s1+$0xFFFFFF90];
	[tilespmem:v4+s24+$0x0] =	vst.idx.msk $0xffff, v8;
	v8 =	vor.u32 s11, v1;
	v4 =	vmul.f32 $8.000000000e+00, v5  }
0x1da: {  	s7 =	simm.s32 $0xE700;
	v5 =	vld [tilespmem:s1+$0x10]  }
0x1db: {  	v9 =	vor.u32 s31, v1;
	[tilespmem:v11+s24+$0x0] =	vst.idx.msk $0xffff, v4;
	v4 =	vld [tilespmem:s7+$0x80]  }
0x1dc: {  	s25 =	simm.s32 $0x7;
	v12 =	vld [tilespmem:s7+$0xFFFFFF80];
	v10 =	vor.u32 s13, v1;
	v6 =	vmul.f32 $8.000000000e+00, v6  }
0x1dd: {  	s8 =	simm.s32 $0x5;
	v13 =	vor.u32 s25, v0;
	v11 =	vld [tilespmem:s1+$0xA0]  }
0x1de: {  	v14 =	vld [tilespmem:s7+$0x0];
	v7 =	vmul.f32 $8.000000000e+00, v7;
	[tilespmem:v8+s24+$0x0] =	vst.idx.msk $0xffff, v6;
	v8 =	vor.u32 s8, v0  }
0x1df: {  	v15 =	vor.u32 s29, v2;
	s26 =	simm.s32 $0x6;
	v6 =	vld [tilespmem:s7+$0xFFFFFF00];
	v5 =	vmul.f32 $8.000000000e+00, v5  }
0x1e0: {  	s28 =	simm.s32 $0x4;
	[tilespmem:v9+s24+$0x0] =	vst.idx.msk $0xffff, v7;
	v7 =	vor.u32 s26, v0;
	v9 =	vld [tilespmem:s1+$0xFFFFFF20];
	v4 =	vmul.f32 $8.000000000e+00, v4  }
0x1e1: {  	v12 =	vmul.f32 $8.000000000e+00, v12;
	[tilespmem:v10+s24+$0x0] =	vst.idx.msk $0xffff, v5;
	v5 =	vor.u32 s28, v0;
	v10 =	vld [tilespmem:s1+$0xFFFFFFA0]  }
0x1e2: {  	v11 =	vmul.f32 $8.000000000e+00, v11;
	[tilespmem:v13+s24+$0x0] =	vst.idx.msk $0xffff, v4;
	v4 =	vor.u32 s11, v2;
	v13 =	vld [tilespmem:s1+$0x20]  }
0x1e3: {  	v17 =	vor.u32 s31, v2;
	v14 =	vmul.f32 $8.000000000e+00, v14;
	[tilespmem:v8+s24+$0x0] =	vst.idx.msk $0xffff, v12;
	v16 =	vld [tilespmem:s7+$0x90]  }
0x1e4: {  	v6 =	vmul.f32 $8.000000000e+00, v6;
	v8 =	vor.u32 s13, v2;
	[tilespmem:v15+s24+$0x0] =	vst.idx.msk $0xffff, v11;
	v15 =	vld [tilespmem:s7+$0xFFFFFF90]  }
0x1e5: {  	[tilespmem:v7+s24+$0x0] =	vst.idx.msk $0xffff, v14;
	v7 =	vor.u32 s25, v1;
	v9 =	vmul.f32 $8.000000000e+00, v9;
	v11 =	vld [tilespmem:s1+$0xB0]  }
0x1e6: {  	v63 =	vor.u32 s8, v1;
	v61 =	vld [tilespmem:s7+$0x10];
	[tilespmem:v5+s24+$0x0] =	vst.idx.msk $0xffff, v6;
	v5 =	vmul.f32 $8.000000000e+00, v10  }
0x1e7: {  	v14 =	vor.u32 s29, v3;
	v62 =	vld [tilespmem:s7+$0xFFFFFF10];
	[tilespmem:v4+s24+$0x0] =	vst.idx.msk $0xffff, v9;
	v9 =	vmul.f32 $8.000000000e+00, v13  }
0x1e8: {  	v12 =	vor.u32 s26, v1;
	[tilespmem:v17+s24+$0x0] =	vst.idx.msk $0xffff, v5;
	v10 =	vmul.f32 $8.000000000e+00, v16;
	v6 =	vld [tilespmem:s1+$0xFFFFFF30]  }
0x1e9: {  	v4 =	vld [tilespmem:s1+$0xFFFFFFB0];
	v16 =	vmul.f32 $8.000000000e+00, v15;
	[tilespmem:v8+s24+$0x0] =	vst.idx.msk $0xffff, v9;
	v9 =	vor.u32 s28, v1  }
0x1ea: {  	s29 =	simm.s32 $0xE900;
	v11 =	vmul.f32 $8.000000000e+00, v11;
	v8 =	vor.u32 s11, v3;
	[tilespmem:v7+s24+$0x0] =	vst.idx.msk $0xffff, v10;
	v5 =	vld [tilespmem:s1+$0x30]  }
0x1eb: {  	v13 =	vld [tilespmem:s29+$0x80];
	v15 =	vmul.f32 $8.000000000e+00, v61;
	v10 =	vor.u32 s31, v3;
	[tilespmem:v63+s24+$0x0] =	vst.idx.msk $0xffff, v16  }
0x1ec: {  	s30 =	simm.s32 $0x8;
	s31 =	simm.s32 $0xB;
	s1 =	simm.s32 $0xC;
	[tilespmem:v14+s24+$0x0] =	vst.idx.msk $0xffff, v11;
	v11 =	vor.u32 s13, v3;
	v14 =	vmul.f32 $8.000000000e+00, v62;
	v7 =	vld [tilespmem:s7+$0xA0]  }
.LBB2_7:
0x1ed: {  	p1 =	slt.u32 s1, $0x7C;
	v16 =	vld [tilespmem:s29+$0xFFFFFF80];
	v17 =	vor.u32 s31, v0;
	[tilespmem:v12+s24+$0x0] =	vst.idx.msk $0xffff, v15;
	v6 =	vmul.f32 $8.000000000e+00, v6  }
0x1ee: {  	s13 =	sadd.s32 $0x1, s30;
	v12 =	vld [tilespmem:s29+$0x0];
	[tilespmem:v9+s24+$0x0] =	vst.idx.msk $0xffff, v14;
	v9 =	vor.u32 s25, v2;
	v4 =	vmul.f32 $8.000000000e+00, v4  }
0x1ef: {  	s11 =	sadd.s32 $0x2, s30;
	v15 =	vor.u32 s13, v0;
	v14 =	vld [tilespmem:s29+$0xFFFFFF00];
	[tilespmem:v8+s24+$0x0] =	vst.idx.msk $0xffff, v6;
	v5 =	vmul.f32 $8.000000000e+00, v5  }
0x1f0: {  	v6 =	vor.u32 s11, v0;
	v8 =	vmul.f32 $8.000000000e+00, v13;
	v13 =	vld [tilespmem:s7+$0xFFFFFF20];
	[tilespmem:v10+s24+$0x0] =	vst.idx.msk $0xffff, v4  }
0x1f1: {  	v4 =	vor.u32 s30, v0;
	v10 =	vld [tilespmem:s7+$0xFFFFFFA0];
	v7 =	vmul.f32 $8.000000000e+00, v7;
	[tilespmem:v11+s24+$0x0] =	vst.idx.msk $0xffff, v5  }
0x1f2: {  	v5 =	vmul.f32 $8.000000000e+00, v16;
	[tilespmem:v17+s24+$0x0] =	vst.idx.msk $0xffff, v8;
	v8 =	vor.u32 s28, v2;
	v11 =	vld [tilespmem:s7+$0x20]  }
0x1f3: {  	v17 =	vor.u32 s8, v2;
	v12 =	vmul.f32 $8.000000000e+00, v12;
	v16 =	vld [tilespmem:s29+$0x90];
	[tilespmem:v9+s24+$0x0] =	vst.idx.msk $0xffff, v7  }
0x1f4: {  	v7 =	vmul.f32 $8.000000000e+00, v14;
	[tilespmem:v15+s24+$0x0] =	vst.idx.msk $0xffff, v5;
	v5 =	vor.u32 s26, v2;
	v14 =	vld [tilespmem:s7+$0xB0]  }
0x1f5: {  	v18 =	vor.u32 s31, v1;
	v15 =	vld [tilespmem:s29+$0xFFFFFF90];
	[tilespmem:v6+s24+$0x0] =	vst.idx.msk $0xffff, v12;
	v6 =	vmul.f32 $8.000000000e+00, v13  }
0x1f6: {  	v19 =	vor.u32 s25, v3;
	s25 =	smov.u32 s31;
	[tilespmem:v4+s24+$0x0] =	vst.idx.msk $0xffff, v7;
	v7 =	vld [tilespmem:s29+$0x10];
	v4 =	vmul.f32 $8.000000000e+00, v10  }
0x1f7: {  	v21 =	vor.u32 s13, v1;
	v20 =	vld [tilespmem:s29+$0xFFFFFF10];
	[tilespmem:v8+s24+$0x0] =	vst.idx.msk $0xffff, v6;
	v8 =	vmul.f32 $8.000000000e+00, v11  }
.Ltmp2:
0x1f8: {  	v12 =	vor.u32 s11, v1;
	v10 =	vmul.f32 $8.000000000e+00, v16;
	v6 =	vld [tilespmem:s7+$0xFFFFFF30];
	[tilespmem:v17+s24+$0x0] =	vst.idx.msk $0xffff, v4;
	(pc) =	sbr.rel @p1 .LBB2_7-.Ltmp2, $4  }
0x1f9: {  	v9 =	vor.u32 s30, v1;
	v4 =	vld [tilespmem:s7+$0xFFFFFFB0];
	[tilespmem:v5+s24+$0x0] =	vst.idx.msk $0xffff, v8;
	v11 =	vmul.f32 $8.000000000e+00, v14  }
0x1fa: {  	v8 =	vor.u32 s28, v3;
	s28 =	smov.u32 s30;
	v16 =	vmul.f32 $8.000000000e+00, v15;
	[tilespmem:v18+s24+$0x0] =	vst.idx.msk $0xffff, v10;
	v5 =	vld [tilespmem:s7+$0x30];
	s7 =	smov.u32 s29;
	s29 =	sadd.s32 $0x200, s29  }
0x1fb: {  	s30 =	smov.u32 s1;
	v10 =	vor.u32 s8, v3;
	s8 =	smov.u32 s13;
	v13 =	vld [tilespmem:s29+$0x80];
	v15 =	vmul.f32 $8.000000000e+00, v7;
	[tilespmem:v19+s24+$0x0] =	vst.idx.msk $0xffff, v11  }
0x1fc: {  	s1 =	sadd.s32 $0x4, s1;
	s31 =	sadd.s32 $0x3, s30;
	v11 =	vor.u32 s26, v3;
	s26 =	smov.u32 s11;
	v14 =	vmul.f32 $8.000000000e+00, v20;
	[tilespmem:v21+s24+$0x0] =	vst.idx.msk $0xffff, v16;
	v7 =	vld [tilespmem:s7+$0xA0]  }
0x1fd: {  	v16 =	vld [tilespmem:s29+$0xFFFFFF00]  }
0x1fe: {  	v17 =	vld [tilespmem:s29+$0xFFFFFF80];
	v18 =	vor.u32 s31, v0  }
0x1ff: {  	s1 =	sadd.s32 $0x1, s30;
	v19 =	vld [tilespmem:s29+$0x0];
	v20 =	vor.u32 s30, v0  }
0x200: {  	s11 =	sadd.s32 $0x2, s30;
	v21 =	vor.u32 s1, v0  }
0x201: {  	v22 =	vor.u32 s11, v0;
	v13 =	vmul.f32 $8.000000000e+00, v13  }
0x202: {  	[tilespmem:v12+s24+$0x0] =	vst.idx.msk $0xffff, v15;
	v12 =	vmul.f32 $8.000000000e+00, v16  }
0x203: {  	[tilespmem:v18+s24+$0x0] =	vst.idx.msk $0xffff, v13;
	v13 =	vmul.f32 $8.000000000e+00, v17  }
0x204: {  	v15 =	vld [tilespmem:s29+$0x90];
	[tilespmem:v20+s24+$0x0] =	vst.idx.msk $0xffff, v12;
	v12 =	vmul.f32 $8.000000000e+00, v19  }
0x205: {  	[tilespmem:v21+s24+$0x0] =	vst.idx.msk $0xffff, v13;
	v13 =	vld [tilespmem:s29+$0xFFFFFF10]  }
0x206: {  	v6 =	vmul.f32 $8.000000000e+00, v6;
	v16 =	vld [tilespmem:s29+$0xFFFFFF90];
	[tilespmem:v22+s24+$0x0] =	vst.idx.msk $0xffff, v12;
	v12 =	vor.u32 s31, v1  }
0x207: {  	[tilespmem:v9+s24+$0x0] =	vst.idx.msk $0xffff, v14;
	v4 =	vmul.f32 $8.000000000e+00, v4;
	v14 =	vor.u32 s30, v1;
	v9 =	vld [tilespmem:s29+$0x10]  }
0x208: {  	[tilespmem:v8+s24+$0x0] =	vst.idx.msk $0xffff, v6;
	v5 =	vmul.f32 $8.000000000e+00, v5;
	v6 =	vor.u32 s1, v1  }
0x209: {  	v8 =	vld [tilespmem:s7+$0xFFFFFF20];
	[tilespmem:v10+s24+$0x0] =	vst.idx.msk $0xffff, v4;
	v4 =	vor.u32 s11, v1;
	v10 =	vmul.f32 $8.000000000e+00, v15  }
0x20a: {  	[tilespmem:v11+s24+$0x0] =	vst.idx.msk $0xffff, v5;
	v17 =	vld [tilespmem:s7+$0xFFFFFFA0];
	v15 =	vor.u32 s25, v2;
	v5 =	vmul.f32 $8.000000000e+00, v13  }
0x20b: {  	v11 =	vor.u32 s28, v2;
	v13 =	vld [tilespmem:s7+$0x20];
	v16 =	vmul.f32 $8.000000000e+00, v16;
	[tilespmem:v12+s24+$0x0] =	vst.idx.msk $0xffff, v10  }
0x20c: {  	v10 =	vor.u32 s8, v2;
	v9 =	vmul.f32 $8.000000000e+00, v9;
	v12 =	vld [tilespmem:s29+$0xA0];
	[tilespmem:v14+s24+$0x0] =	vst.idx.msk $0xffff, v5  }
0x20d: {  	v5 =	vmul.f32 $8.000000000e+00, v7;
	v7 =	vor.u32 s26, v2;
	[tilespmem:v6+s24+$0x0] =	vst.idx.msk $0xffff, v16;
	v6 =	vld [tilespmem:s29+$0xFFFFFF20]  }
0x20e: {  	v8 =	vmul.f32 $8.000000000e+00, v8;
	[tilespmem:v4+s24+$0x0] =	vst.idx.msk $0xffff, v9;
	v4 =	vor.u32 s31, v2;
	v9 =	vld [tilespmem:s29+$0xFFFFFFA0]  }
0x20f: {  	v14 =	vor.u32 s30, v2;
	[tilespmem:v15+s24+$0x0] =	vst.idx.msk $0xffff, v5;
	v5 =	vmul.f32 $8.000000000e+00, v17;
	v15 =	vld [tilespmem:s29+$0x20]  }
0x210: {  	[tilespmem:v11+s24+$0x0] =	vst.idx.msk $0xffff, v8;
	v11 =	vor.u32 s1, v2;
	v16 =	vld [tilespmem:s7+$0xB0];
	v8 =	vmul.f32 $8.000000000e+00, v13  }
0x211: {  	v13 =	vld [tilespmem:s7+$0xFFFFFF30];
	[tilespmem:v10+s24+$0x0] =	vst.idx.msk $0xffff, v5;
	v10 =	vor.u32 s11, v2;
	v5 =	vmul.f32 $8.000000000e+00, v12  }
0x212: {  	v12 =	vor.u32 s25, v3;
	v17 =	vld [tilespmem:s7+$0xFFFFFFB0];
	[tilespmem:v7+s24+$0x0] =	vst.idx.msk $0xffff, v8;
	v6 =	vmul.f32 $8.000000000e+00, v6  }
0x213: {  	v7 =	vor.u32 s28, v3;
	v8 =	vld [tilespmem:s7+$0x30];
	[tilespmem:v4+s24+$0x0] =	vst.idx.msk $0xffff, v5;
	v4 =	vmul.f32 $8.000000000e+00, v9  }
0x214: {  	v5 =	vor.u32 s8, v3;
	v9 =	vld [tilespmem:s29+$0xB0];
	[tilespmem:v14+s24+$0x0] =	vst.idx.msk $0xffff, v6;
	v6 =	vmul.f32 $8.000000000e+00, v15  }
0x215: {  	v14 =	vmul.f32 $8.000000000e+00, v16;
	v15 =	vor.u32 s26, v3;
	v16 =	vld [tilespmem:s29+$0xFFFFFF30];
	[tilespmem:v11+s24+$0x0] =	vst.idx.msk $0xffff, v4  }
0x216: {  	v4 =	vmul.f32 $8.000000000e+00, v13;
	v11 =	vor.u32 s31, v3;
	v13 =	vld [tilespmem:s29+$0xFFFFFFB0];
	[tilespmem:v10+s24+$0x0] =	vst.idx.msk $0xffff, v6  }
0x217: {  	[tilespmem:v12+s24+$0x0] =	vst.idx.msk $0xffff, v14;
	v6 =	vmul.f32 $8.000000000e+00, v17;
	v10 =	vor.u32 s30, v3;
	v12 =	vld [tilespmem:s29+$0x30]  }
0x218: {  	[tilespmem:v7+s24+$0x0] =	vst.idx.msk $0xffff, v4;
	v4 =	vmul.f32 $8.000000000e+00, v8;
	v7 =	vor.u32 s1, v3  }
0x219: {  	[tilespmem:v5+s24+$0x0] =	vst.idx.msk $0xffff, v6;
	v6 =	vor.u32 s11, v3;
	v5 =	vmul.f32 $8.000000000e+00, v9  }
0x21a: {  	[tilespmem:v15+s24+$0x0] =	vst.idx.msk $0xffff, v4;
	v4 =	vmul.f32 $8.000000000e+00, v16  }
0x21b: {  	[tilespmem:v11+s24+$0x0] =	vst.idx.msk $0xffff, v5;
	v5 =	vmul.f32 $8.000000000e+00, v13  }
0x21c: {  	[tilespmem:v10+s24+$0x0] =	vst.idx.msk $0xffff, v4;
	v4 =	vmul.f32 $8.000000000e+00, v12  }
0x21d: {  	[tilespmem:v7+s24+$0x0] =	vst.idx.msk $0xffff, v5  }
0x21e: {  	[tilespmem:v6+s24+$0x0] =	vst.idx.msk $0xffff, v4  }
0x21f: {  	s8 =	rddreg [dreg:$0x6]  }
0x220: {  	s1 =	sadd.s32 s2, s8  }
0x221: {  	[hbm4b:s1+s4] =	stream.linear.scatter [tilespmem:s24], [sflag:$0x5], $0x400, $0x38;
	[tilespmem:$0x1E400] =	vst v63  }
0x222: {  	s11 =	simm.s32 $0x16C00;
	s2 =	sadd.s32 $0x1000, s1  }
0x223: {  	[hbm4b:s2+s4] =	stream.linear.scatter [tilespmem:s11], [sflag:$0x5], $0x400, $0x38;
	[tilespmem:$0x1E400] =	vst v63  }
0x224: {  	s25 =	simm.s32 $0x17400;
	s13 =	sadd.s32 $0x2000, s1  }
0x225: {  	[hbm4b:s13+s4] =	stream.linear.scatter [tilespmem:s25], [sflag:$0x5], $0x400, $0x38;
	[tilespmem:$0x1E400] =	vst v63  }
0x226: {  	s31 =	simm.s32 $0x17C00;
	s26 =	sadd.s32 $0x3000, s1  }
0x227: {  	[hbm4b:s26+s4] =	stream.linear.scatter [tilespmem:s31], [sflag:$0x5], $0x400, $0x38;
	[tilespmem:$0x1E400] =	vst v63  }
0x228: {  	s8 =	simm.s32 $0x18400;
	s7 =	sadd.s32 $0x4000, s1  }
0x229: {  	[hbm4b:s7+s4] =	stream.linear.scatter [tilespmem:s8], [sflag:$0x5], $0x400, $0x38;
	[tilespmem:$0x1E400] =	vst v63  }
0x22a: {  	s11 =	sadd.s32 $0x5000, s1;
	s13 =	simm.s32 $0x18C00  }
0x22b: {  	[hbm4b:s11+s4] =	stream.linear.scatter [tilespmem:s13], [sflag:$0x5], $0x400, $0x38;
	[tilespmem:$0x1E400] =	vst v63  }
0x22c: {  	s25 =	sadd.s32 $0x6000, s1;
	s26 =	simm.s32 $0x19400  }
0x22d: {  	[hbm4b:s25+s4] =	stream.linear.scatter [tilespmem:s26], [sflag:$0x5], $0x400, $0x38;
	[tilespmem:$0x1E400] =	vst v63  }
0x22e: {  	s1 =	sadd.s32 $0x7000, s1;
	s31 =	simm.s32 $0x19C00  }
0x22f: {  	[hbm4b:s1+s4] =	stream.linear.scatter [tilespmem:s31], [sflag:$0x5], $0x400, $0x38;
	[tilespmem:$0x1E400] =	vst v63  }
0x230: {  	v4 =	vld @!p0 [tilespmem:s22+$0x300];
	_ =	sdelay $0x6  }
0x231: {  	s2 =	simm.s32 @!p0 $0xE400;
	s1 =	simm.s32 @!p0 $0x0  }
0x232: {  	[tilespmem:s2], [sflag:$0x3] =	stream.indirect_vreg.gather @!p0 [hbm4b:s0+s1], $0x80, v4, vm1, $0xb8;
	[tilespmem:$0x1E400] =	vst v63  }
0x233: {  	v4 =	vld @!p0 [tilespmem:s22+$0x310];
	_ =	sdelay $0x6  }
0x234: {  	s2 =	simm.s32 @!p0 $0xEC00  }
0x235: {  	[tilespmem:s2], [sflag:$0x3] =	stream.indirect_vreg.gather @!p0 [hbm4b:s0+s1], $0x80, v4, vm1, $0xb8;
	[tilespmem:$0x1E400] =	vst v63  }
0x236: {  	v4 =	vld @!p0 [tilespmem:s22+$0x320];
	_ =	sdelay $0x6  }
0x237: {  	s2 =	simm.s32 @!p0 $0xF400  }
0x238: {  	[tilespmem:s2], [sflag:$0x3] =	stream.indirect_vreg.gather @!p0 [hbm4b:s0+s1], $0x80, v4, vm1, $0xb8;
	[tilespmem:$0x1E400] =	vst v63  }
0x239: {  	v4 =	vld @!p0 [tilespmem:s22+$0x330];
	_ =	sdelay $0x6  }
0x23a: {  	s2 =	simm.s32 @!p0 $0xFC00  }
0x23b: {  	[tilespmem:s2], [sflag:$0x3] =	stream.indirect_vreg.gather @!p0 [hbm4b:s0+s1], $0x80, v4, vm1, $0xb8;
	[tilespmem:$0x1E400] =	vst v63  }
0x23c: {  	v4 =	vld @!p0 [tilespmem:s22+$0x340];
	_ =	sdelay $0x6  }
0x23d: {  	s2 =	simm.s32 @!p0 $0x10400  }
0x23e: {  	[tilespmem:s2], [sflag:$0x3] =	stream.indirect_vreg.gather @!p0 [hbm4b:s0+s1], $0x80, v4, vm1, $0xb8;
	[tilespmem:$0x1E400] =	vst v63  }
0x23f: {  	v4 =	vld @!p0 [tilespmem:s22+$0x350];
	_ =	sdelay $0x6  }
0x240: {  	s2 =	simm.s32 @!p0 $0x10C00  }
0x241: {  	[tilespmem:s2], [sflag:$0x3] =	stream.indirect_vreg.gather @!p0 [hbm4b:s0+s1], $0x80, v4, vm1, $0xb8;
	[tilespmem:$0x1E400] =	vst v63  }
0x242: {  	v4 =	vld @!p0 [tilespmem:s22+$0x360];
	_ =	sdelay $0x6  }
0x243: {  	s2 =	simm.s32 @!p0 $0x11400  }
0x244: {  	[tilespmem:s2], [sflag:$0x3] =	stream.indirect_vreg.gather @!p0 [hbm4b:s0+s1], $0x80, v4, vm1, $0xb8;
	[tilespmem:$0x1E400] =	vst v63  }
0x245: {  	v4 =	vld @!p0 [tilespmem:s22+$0x370];
	_ =	sdelay $0x6  }
0x246: {  	s2 =	simm.s32 @!p0 $0x11C00  }
0x247: {  	[tilespmem:s2], [sflag:$0x3] =	stream.indirect_vreg.gather @!p0 [hbm4b:s0+s1], $0x80, v4, vm1, $0xb8;
	[tilespmem:$0x1E400] =	vst v63  }
0x248: {  	_ =	swait.ge [sflag:s18], $0x800  }
0x249: {  	[sflag:s18] =	ssyncset.done $0x0  }
0x24a: {  	[sflag:s18] =	ssyncadd.s32 $0xFFFFF800  }
0x24b: {  	_ =	swait.ge [sflag:s18], $0x800  }
0x24c: {  	[sflag:s18] =	ssyncset.done $0x0  }
0x24d: {  	[sflag:s18] =	ssyncadd.s32 $0xFFFFF800  }
0x24e: {  	_ =	swait.ge [sflag:s18], $0x800  }
0x24f: {  	[sflag:s18] =	ssyncset.done $0x0  }
0x250: {  	[sflag:s18] =	ssyncadd.s32 $0xFFFFF800  }
0x251: {  	_ =	swait.ge [sflag:s18], $0x800  }
0x252: {  	[sflag:s18] =	ssyncset.done $0x0  }
0x253: {  	[sflag:s18] =	ssyncadd.s32 $0xFFFFF800  }
0x254: {  	_ =	swait.ge [sflag:s18], $0x800  }
0x255: {  	[sflag:s18] =	ssyncset.done $0x0  }
0x256: {  	[sflag:s18] =	ssyncadd.s32 $0xFFFFF800  }
0x257: {  	_ =	swait.ge [sflag:s18], $0x800  }
0x258: {  	[sflag:s18] =	ssyncset.done $0x0  }
0x259: {  	[sflag:s18] =	ssyncadd.s32 $0xFFFFF800  }
0x25a: {  	_ =	swait.ge [sflag:s18], $0x800  }
0x25b: {  	[sflag:s18] =	ssyncset.done $0x0  }
0x25c: {  	[sflag:s18] =	ssyncadd.s32 $0xFFFFF800  }
0x25d: {  	_ =	swait.ge [sflag:s18], $0x800  }
0x25e: {  	[sflag:s18] =	ssyncset.done $0x0  }
0x25f: {  	[sflag:s18] =	ssyncadd.s32 $0xFFFFF800  }
0x260: {  	_ =	swait.ge [sflag:s19], $0x2000  }
0x261: {  	[sflag:s19] =	ssyncset.done $0x0  }
0x262: {  	s28 =	simm.s32 $0x12500;
	[sflag:s19] =	ssyncadd.s32 $0xFFFFE000  }
0x263: {  	v4 =	vld [tilespmem:s28+$0x80]  }
0x264: {  	s13 =	simm.s32 $0x3  }
0x265: {  	v5 =	vor.u32 s13, v0;
	_ =	sdelay $0x1  }
0x266: {  	v6 =	vld [tilespmem:s28+$0xFFFFFF00]  }
0x267: {  	s1 =	simm.s32 $0x0;
	v7 =	vld [tilespmem:s28+$0xFFFFFF80];
	v4 =	vmul.f32 $8.000000000e+00, v4  }
0x268: {  	s29 =	simm.s32 $0x1;
	v9 =	vor.u32 s1, v0;
	v8 =	vld [tilespmem:s28+$0x0]  }
0x269: {  	v10 =	vor.u32 s29, v0;
	s31 =	simm.s32 $0x2;
	[tilespmem:v5+s10+$0x0] =	vst.idx.msk $0xffff, v4  }
0x26a: {  	v4 =	vor.u32 s31, v0;
	v5 =	vld [tilespmem:s28+$0x90]  }
0x26b: {  	v6 =	vmul.f32 $8.000000000e+00, v6  }
0x26c: {  	v11 =	vor.u32 s13, v1;
	v7 =	vmul.f32 $8.000000000e+00, v7  }
0x26d: {  	v8 =	vmul.f32 $8.000000000e+00, v8;
	[tilespmem:v9+s10+$0x0] =	vst.idx.msk $0xffff, v6  }
0x26e: {  	[tilespmem:v10+s10+$0x0] =	vst.idx.msk $0xffff, v7;
	v6 =	vld [tilespmem:s28+$0xFFFFFF10]  }
0x26f: {  	v7 =	vld [tilespmem:s28+$0xFFFFFF90];
	[tilespmem:v4+s10+$0x0] =	vst.idx.msk $0xffff, v8;
	v4 =	vmul.f32 $8.000000000e+00, v5  }
0x270: {  	s2 =	simm.s32 $0x12700;
	v8 =	vor.u32 s1, v1;
	v5 =	vld [tilespmem:s28+$0x10]  }
0x271: {  	v9 =	vor.u32 s29, v1;
	[tilespmem:v11+s10+$0x0] =	vst.idx.msk $0xffff, v4;
	v4 =	vld [tilespmem:s2+$0x80]  }
0x272: {  	s8 =	simm.s32 $0x7;
	v10 =	vor.u32 s31, v1;
	v11 =	vld [tilespmem:s28+$0xA0]  }
0x273: {  	v13 =	vor.u32 s8, v0;
	v12 =	vld [tilespmem:s2+$0xFFFFFF80];
	v6 =	vmul.f32 $8.000000000e+00, v6  }
0x274: {  	s7 =	simm.s32 $0x5;
	v15 =	vor.u32 s13, v2;
	v14 =	vld [tilespmem:s2+$0x0];
	v7 =	vmul.f32 $8.000000000e+00, v7  }
0x275: {  	s22 =	simm.s32 $0x6;
	[tilespmem:v8+s10+$0x0] =	vst.idx.msk $0xffff, v6;
	v6 =	vld [tilespmem:s2+$0xFFFFFF00];
	v8 =	vor.u32 s7, v0;
	v5 =	vmul.f32 $8.000000000e+00, v5  }
0x276: {  	s25 =	simm.s32 $0x4;
	[tilespmem:v9+s10+$0x0] =	vst.idx.msk $0xffff, v7;
	v7 =	vor.u32 s22, v0;
	v9 =	vld [tilespmem:s28+$0xFFFFFF20];
	v4 =	vmul.f32 $8.000000000e+00, v4  }
0x277: {  	[tilespmem:v10+s10+$0x0] =	vst.idx.msk $0xffff, v5;
	v5 =	vor.u32 s25, v0;
	v10 =	vld [tilespmem:s28+$0xFFFFFFA0];
	v11 =	vmul.f32 $8.000000000e+00, v11  }
0x278: {  	v12 =	vmul.f32 $8.000000000e+00, v12;
	[tilespmem:v13+s10+$0x0] =	vst.idx.msk $0xffff, v4;
	v4 =	vor.u32 s1, v2;
	v13 =	vld [tilespmem:s28+$0x20]  }
0x279: {  	v17 =	vor.u32 s29, v2;
	v14 =	vmul.f32 $8.000000000e+00, v14;
	v16 =	vld [tilespmem:s2+$0x90];
	[tilespmem:v15+s10+$0x0] =	vst.idx.msk $0xffff, v11  }
0x27a: {  	v6 =	vmul.f32 $8.000000000e+00, v6;
	[tilespmem:v8+s10+$0x0] =	vst.idx.msk $0xffff, v12;
	v8 =	vor.u32 s31, v2;
	v11 =	vld [tilespmem:s28+$0xB0]  }
0x27b: {  	[tilespmem:v7+s10+$0x0] =	vst.idx.msk $0xffff, v14;
	v7 =	vor.u32 s8, v1;
	v15 =	vld [tilespmem:s2+$0xFFFFFF90];
	v9 =	vmul.f32 $8.000000000e+00, v9  }
0x27c: {  	v14 =	vld [tilespmem:s2+$0x10];
	[tilespmem:v5+s10+$0x0] =	vst.idx.msk $0xffff, v6;
	v5 =	vmul.f32 $8.000000000e+00, v10;
	v10 =	vor.u32 s13, v3  }
0x27d: {  	v63 =	vor.u32 s7, v1;
	v62 =	vld [tilespmem:s2+$0xFFFFFF10];
	[tilespmem:v4+s10+$0x0] =	vst.idx.msk $0xffff, v9;
	v9 =	vmul.f32 $8.000000000e+00, v13  }
0x27e: {  	v12 =	vor.u32 s22, v1;
	[tilespmem:v17+s10+$0x0] =	vst.idx.msk $0xffff, v5;
	v13 =	vmul.f32 $8.000000000e+00, v16;
	v6 =	vld [tilespmem:s28+$0xFFFFFF30]  }
0x27f: {  	v4 =	vld [tilespmem:s28+$0xFFFFFFB0];
	[tilespmem:v8+s10+$0x0] =	vst.idx.msk $0xffff, v9;
	v11 =	vmul.f32 $8.000000000e+00, v11;
	v9 =	vor.u32 s25, v1  }
0x280: {  	s26 =	simm.s32 $0x12900;
	v16 =	vmul.f32 $8.000000000e+00, v15;
	v8 =	vor.u32 s1, v3;
	[tilespmem:v7+s10+$0x0] =	vst.idx.msk $0xffff, v13;
	v5 =	vld [tilespmem:s28+$0x30]  }
0x281: {  	v15 =	vmul.f32 $8.000000000e+00, v14;
	v13 =	vld [tilespmem:s26+$0x80];
	[tilespmem:v10+s10+$0x0] =	vst.idx.msk $0xffff, v11;
	v10 =	vor.u32 s29, v3  }
0x282: {  	s30 =	simm.s32 $0xC;
	s28 =	simm.s32 $0x8;
	[tilespmem:v63+s10+$0x0] =	vst.idx.msk $0xffff, v16;
	s29 =	simm.s32 $0xB;
	v14 =	vmul.f32 $8.000000000e+00, v62;
	v7 =	vld [tilespmem:s2+$0xA0];
	v11 =	vor.u32 s31, v3  }
.LBB2_9:
0x283: {  	p0 =	slt.u32 s30, $0x7C;
	v16 =	vld [tilespmem:s26+$0xFFFFFF80];
	v17 =	vor.u32 s29, v0;
	[tilespmem:v12+s10+$0x0] =	vst.idx.msk $0xffff, v15;
	v6 =	vmul.f32 $8.000000000e+00, v6  }
0x284: {  	s11 =	sadd.s32 $0x1, s28;
	v12 =	vld [tilespmem:s26+$0x0];
	[tilespmem:v9+s10+$0x0] =	vst.idx.msk $0xffff, v14;
	v9 =	vor.u32 s8, v2;
	v4 =	vmul.f32 $8.000000000e+00, v4  }
0x285: {  	s1 =	sadd.s32 $0x2, s28;
	v15 =	vor.u32 s11, v0;
	v14 =	vld [tilespmem:s26+$0xFFFFFF00];
	[tilespmem:v8+s10+$0x0] =	vst.idx.msk $0xffff, v6;
	v5 =	vmul.f32 $8.000000000e+00, v5  }
0x286: {  	v6 =	vor.u32 s1, v0;
	v8 =	vmul.f32 $8.000000000e+00, v13;
	v13 =	vld [tilespmem:s2+$0xFFFFFF20];
	[tilespmem:v10+s10+$0x0] =	vst.idx.msk $0xffff, v4  }
0x287: {  	v4 =	vor.u32 s28, v0;
	v10 =	vld [tilespmem:s2+$0xFFFFFFA0];
	v7 =	vmul.f32 $8.000000000e+00, v7;
	[tilespmem:v11+s10+$0x0] =	vst.idx.msk $0xffff, v5  }
0x288: {  	v5 =	vmul.f32 $8.000000000e+00, v16;
	[tilespmem:v17+s10+$0x0] =	vst.idx.msk $0xffff, v8;
	v8 =	vor.u32 s25, v2;
	v11 =	vld [tilespmem:s2+$0x20]  }
0x289: {  	v17 =	vor.u32 s7, v2;
	v12 =	vmul.f32 $8.000000000e+00, v12;
	v16 =	vld [tilespmem:s26+$0x90];
	[tilespmem:v9+s10+$0x0] =	vst.idx.msk $0xffff, v7  }
0x28a: {  	v7 =	vmul.f32 $8.000000000e+00, v14;
	[tilespmem:v15+s10+$0x0] =	vst.idx.msk $0xffff, v5;
	v5 =	vor.u32 s22, v2;
	v14 =	vld [tilespmem:s2+$0xB0]  }
0x28b: {  	v18 =	vor.u32 s29, v1;
	v15 =	vld [tilespmem:s26+$0xFFFFFF90];
	[tilespmem:v6+s10+$0x0] =	vst.idx.msk $0xffff, v12;
	v6 =	vmul.f32 $8.000000000e+00, v13  }
0x28c: {  	v19 =	vor.u32 s8, v3;
	s8 =	smov.u32 s29;
	[tilespmem:v4+s10+$0x0] =	vst.idx.msk $0xffff, v7;
	v7 =	vld [tilespmem:s26+$0x10];
	v4 =	vmul.f32 $8.000000000e+00, v10  }
0x28d: {  	v21 =	vor.u32 s11, v1;
	v20 =	vld [tilespmem:s26+$0xFFFFFF10];
	[tilespmem:v8+s10+$0x0] =	vst.idx.msk $0xffff, v6;
	v8 =	vmul.f32 $8.000000000e+00, v11  }
.Ltmp3:
0x28e: {  	v12 =	vor.u32 s1, v1;
	v10 =	vmul.f32 $8.000000000e+00, v16;
	v6 =	vld [tilespmem:s2+$0xFFFFFF30];
	[tilespmem:v17+s10+$0x0] =	vst.idx.msk $0xffff, v4;
	(pc) =	sbr.rel @p0 .LBB2_9-.Ltmp3, $4  }
0x28f: {  	v9 =	vor.u32 s28, v1;
	v4 =	vld [tilespmem:s2+$0xFFFFFFB0];
	[tilespmem:v5+s10+$0x0] =	vst.idx.msk $0xffff, v8;
	v11 =	vmul.f32 $8.000000000e+00, v14  }
0x290: {  	v8 =	vor.u32 s25, v3;
	s25 =	smov.u32 s28;
	v16 =	vmul.f32 $8.000000000e+00, v15;
	[tilespmem:v18+s10+$0x0] =	vst.idx.msk $0xffff, v10;
	v5 =	vld [tilespmem:s2+$0x30];
	s2 =	smov.u32 s26;
	s26 =	sadd.s32 $0x200, s26  }
0x291: {  	s28 =	smov.u32 s30;
	v10 =	vor.u32 s7, v3;
	s7 =	smov.u32 s11;
	v13 =	vld [tilespmem:s26+$0x80];
	v15 =	vmul.f32 $8.000000000e+00, v7;
	[tilespmem:v19+s10+$0x0] =	vst.idx.msk $0xffff, v11  }
0x292: {  	s30 =	sadd.s32 $0x4, s30;
	s29 =	sadd.s32 $0x3, s28;
	v11 =	vor.u32 s22, v3;
	s22 =	smov.u32 s1;
	v14 =	vmul.f32 $8.000000000e+00, v20;
	[tilespmem:v21+s10+$0x0] =	vst.idx.msk $0xffff, v16;
	v7 =	vld [tilespmem:s2+$0xA0]  }
0x293: {  	v16 =	vld [tilespmem:s26+$0xFFFFFF00]  }
0x294: {  	v17 =	vld [tilespmem:s26+$0xFFFFFF80];
	v18 =	vor.u32 s29, v0  }
0x295: {  	s1 =	sadd.s32 $0x1, s28;
	v19 =	vld [tilespmem:s26+$0x0];
	v20 =	vor.u32 s28, v0  }
0x296: {  	s11 =	sadd.s32 $0x2, s28;
	v21 =	vor.u32 s1, v0  }
0x297: {  	v22 =	vor.u32 s11, v0;
	v13 =	vmul.f32 $8.000000000e+00, v13  }
0x298: {  	[tilespmem:v12+s10+$0x0] =	vst.idx.msk $0xffff, v15;
	v16 =	vmul.f32 $8.000000000e+00, v16  }
0x299: {  	[tilespmem:v18+s10+$0x0] =	vst.idx.msk $0xffff, v13;
	v23 =	vmul.f32 $8.000000000e+00, v17  }
0x29a: {  	v24 =	vmul.f32 $8.000000000e+00, v19;
	v25 =	vld [tilespmem:s26+$0x90];
	[tilespmem:v20+s10+$0x0] =	vst.idx.msk $0xffff, v16  }
0x29b: {  	[tilespmem:v21+s10+$0x0] =	vst.idx.msk $0xffff, v23;
	v26 =	vld [tilespmem:s26+$0xFFFFFF10]  }
0x29c: {  	v6 =	vmul.f32 $8.000000000e+00, v6;
	v28 =	vor.u32 s29, v1;
	[tilespmem:v22+s10+$0x0] =	vst.idx.msk $0xffff, v24;
	v27 =	vld [tilespmem:s26+$0xFFFFFF90]  }
0x29d: {  	v30 =	vor.u32 s28, v1;
	[tilespmem:v9+s10+$0x0] =	vst.idx.msk $0xffff, v14;
	v4 =	vmul.f32 $8.000000000e+00, v4;
	v29 =	vld [tilespmem:s26+$0x10]  }
0x29e: {  	v31 =	vor.u32 s1, v1;
	[tilespmem:v8+s10+$0x0] =	vst.idx.msk $0xffff, v6;
	v5 =	vmul.f32 $8.000000000e+00, v5  }
0x29f: {  	v32 =	vld [tilespmem:s2+$0xFFFFFF20];
	[tilespmem:v10+s10+$0x0] =	vst.idx.msk $0xffff, v4;
	v4 =	vor.u32 s11, v1;
	v33 =	vmul.f32 $8.000000000e+00, v25  }
0x2a0: {  	v34 =	vor.u32 s8, v2;
	v35 =	vld [tilespmem:s2+$0xFFFFFFA0];
	[tilespmem:v11+s10+$0x0] =	vst.idx.msk $0xffff, v5;
	v5 =	vmul.f32 $8.000000000e+00, v26  }
0x2a1: {  	v36 =	vor.u32 s25, v2;
	v37 =	vld [tilespmem:s2+$0x20];
	v16 =	vmul.f32 $8.000000000e+00, v27;
	[tilespmem:v28+s10+$0x0] =	vst.idx.msk $0xffff, v33  }
0x2a2: {  	v38 =	vor.u32 s7, v2;
	v9 =	vmul.f32 $8.000000000e+00, v29;
	v12 =	vld [tilespmem:s26+$0xA0];
	[tilespmem:v30+s10+$0x0] =	vst.idx.msk $0xffff, v5  }
0x2a3: {  	v39 =	vor.u32 s22, v2;
	v5 =	vmul.f32 $8.000000000e+00, v7;
	[tilespmem:v31+s10+$0x0] =	vst.idx.msk $0xffff, v16;
	v40 =	vld [tilespmem:s26+$0xFFFFFF20]  }
0x2a4: {  	v8 =	vmul.f32 $8.000000000e+00, v32;
	[tilespmem:v4+s10+$0x0] =	vst.idx.msk $0xffff, v9;
	v4 =	vor.u32 s29, v2;
	v41 =	vld [tilespmem:s26+$0xFFFFFFA0]  }
0x2a5: {  	v42 =	vor.u32 s28, v2;
	v43 =	vld [tilespmem:s26+$0x20];
	[tilespmem:v34+s10+$0x0] =	vst.idx.msk $0xffff, v5;
	v5 =	vmul.f32 $8.000000000e+00, v35  }
0x2a6: {  	v46 =	vor.u32 s1, v2;
	v45 =	vmul.f32 $8.000000000e+00, v37;
	[tilespmem:v36+s10+$0x0] =	vst.idx.msk $0xffff, v8;
	v44 =	vld [tilespmem:s2+$0xB0]  }
0x2a7: {  	v48 =	vor.u32 s11, v2;
	v47 =	vld [tilespmem:s2+$0xFFFFFF30];
	[tilespmem:v38+s10+$0x0] =	vst.idx.msk $0xffff, v5;
	v5 =	vmul.f32 $8.000000000e+00, v12  }
0x2a8: {  	v49 =	vor.u32 s8, v3;
	[tilespmem:v39+s10+$0x0] =	vst.idx.msk $0xffff, v45;
	v50 =	vld [tilespmem:s2+$0xFFFFFFB0];
	v6 =	vmul.f32 $8.000000000e+00, v40  }
0x2a9: {  	v51 =	vor.u32 s25, v3;
	v8 =	vld [tilespmem:s2+$0x30];
	[tilespmem:v4+s10+$0x0] =	vst.idx.msk $0xffff, v5;
	v4 =	vmul.f32 $8.000000000e+00, v41  }
0x2aa: {  	v5 =	vor.u32 s7, v3;
	v53 =	vmul.f32 $8.000000000e+00, v43;
	v52 =	vld [tilespmem:s26+$0xB0];
	[tilespmem:v42+s10+$0x0] =	vst.idx.msk $0xffff, v6  }
0x2ab: {  	v55 =	vor.u32 s22, v3;
	v54 =	vmul.f32 $8.000000000e+00, v44;
	[tilespmem:v46+s10+$0x0] =	vst.idx.msk $0xffff, v4;
	v56 =	vld [tilespmem:s26+$0xFFFFFF30]  }
0x2ac: {  	v57 =	vor.u32 s29, v3;
	v4 =	vmul.f32 $8.000000000e+00, v47;
	[tilespmem:v48+s10+$0x0] =	vst.idx.msk $0xffff, v53;
	v58 =	vld [tilespmem:s26+$0xFFFFFFB0]  }
0x2ad: {  	v60 =	vor.u32 s28, v3;
	v61 =	vld [tilespmem:s26+$0x30];
	[tilespmem:v49+s10+$0x0] =	vst.idx.msk $0xffff, v54;
	v59 =	vmul.f32 $8.000000000e+00, v50  }
0x2ae: {  	v62 =	vor.u32 s1, v3;
	[tilespmem:v51+s10+$0x0] =	vst.idx.msk $0xffff, v4;
	v4 =	vmul.f32 $8.000000000e+00, v8  }
0x2af: {  	v63 =	vor.u32 s11, v3;
	[tilespmem:v5+s10+$0x0] =	vst.idx.msk $0xffff, v59;
	v5 =	vmul.f32 $8.000000000e+00, v52  }
0x2b0: {  	[tilespmem:v55+s10+$0x0] =	vst.idx.msk $0xffff, v4;
	v4 =	vmul.f32 $8.000000000e+00, v56  }
0x2b1: {  	s11 =	sshll.u32 s21, $0x12;
	[tilespmem:v57+s10+$0x0] =	vst.idx.msk $0xffff, v5;
	v5 =	vmul.f32 $8.000000000e+00, v58  }
0x2b2: {  	s1 =	sor.u32 s6, s11;
	[tilespmem:v60+s10+$0x0] =	vst.idx.msk $0xffff, v4;
	v4 =	vmul.f32 $8.000000000e+00, v61  }
0x2b3: {  	s1 =	sshrl.u32 s1, $0x3;
	[tilespmem:v62+s10+$0x0] =	vst.idx.msk $0xffff, v5  }
0x2b4: {  	s1 =	sadd.s32 s14, s1;
	[tilespmem:v63+s10+$0x0] =	vst.idx.msk $0xffff, v4  }
0x2b5: {  	[hbm4b:s1+s4] =	stream.linear.scatter [tilespmem:s10], [sflag:$0x6], $0x400, $0x38;
	[tilespmem:$0x1E400] =	vst v63  }
0x2b6: {  	s31 =	smov.u32 s14;
	s14 =	simm.s32 $0x1AC00;
	s13 =	sadd.s32 $0x1000, s1  }
0x2b7: {  	[hbm4b:s13+s4] =	stream.linear.scatter [tilespmem:s14], [sflag:$0x6], $0x400, $0x38;
	[tilespmem:$0x1E400] =	vst v63  }
0x2b8: {  	s22 =	simm.s32 $0x1B400;
	s21 =	sadd.s32 $0x2000, s1  }
0x2b9: {  	[hbm4b:s21+s4] =	stream.linear.scatter [tilespmem:s22], [sflag:$0x6], $0x400, $0x38;
	[tilespmem:$0x1E400] =	vst v63  }
0x2ba: {  	s25 =	sadd.s32 $0x3000, s1;
	s26 =	simm.s32 $0x1BC00  }
0x2bb: {  	[hbm4b:s25+s4] =	stream.linear.scatter [tilespmem:s26], [sflag:$0x6], $0x400, $0x38;
	[tilespmem:$0x1E400] =	vst v63  }
0x2bc: {  	s20 =	sadd.s32 $0x1, s20;
	s28 =	sadd.s32 $0x4000, s1  }
0x2bd: {  	[hbm4b:s28+s4] =	stream.linear.scatter [tilespmem:s5], [sflag:$0x6], $0x400, $0x38;
	[tilespmem:$0x1E400] =	vst v63  }
0x2be: {  	p0 =	sne.s32 s20, $0x32;
	s29 =	sadd.s32 $0x5000, s1  }
0x2bf: {  	[hbm4b:s29+s4] =	stream.linear.scatter [tilespmem:s9], [sflag:$0x6], $0x400, $0x38;
	[tilespmem:$0x1E400] =	vst v63  }
.Ltmp4:
0x2c0: {  	_ = 	snop;
	(pc) =	sbr.rel @p0 .LBB2_2-.Ltmp4, $4  }
0x2c1: {  	s30 =	sadd.s32 $0x6000, s1  }
0x2c2: {  	[hbm4b:s30+s4] =	stream.linear.scatter [tilespmem:s12], [sflag:$0x6], $0x400, $0x38;
	[tilespmem:$0x1E400] =	vst v63  }
0x2c3: {  	s1 =	sadd.s32 $0x7000, s1  }
0x2c4: {  	[hbm4b:s1+s4] =	stream.linear.scatter [tilespmem:s15], [sflag:$0x6], $0x400, $0x38;
	[tilespmem:$0x1E400] =	vst v63  }
0x2c5: {  	_ =	swait.ge [sflag:s17], $0x2000  }
0x2c6: {  	[sflag:s17] =	ssyncset.done $0x0  }
0x2c7: {  	[sflag:s17] =	ssyncadd.s32 $0xFFFFE000  }
0x2c8: {  	_ =	swait.ge [sflag:s19], $0x2000  }
0x2c9: {  	s2 =	rddreg [dreg:$0x8]  }
0x2ca: {  	s1 =	rddreg [dreg:$0x7];
	s2 =	sadd.s32 $0x1, s2  }
0x2cb: {  	p0 =	sne.s32 s2, s1  }
.Ltmp5:
0x2cc: {  	_ = 	snop;
	(pc) =	sbr.rel @p0 .LBB2_1-.Ltmp5, $3  }
0x2cd: {  	_ =	sdelay $0x1  }
0x2ce: {  	[sflag:s19] =	ssyncset.done $0x0  }
0x2cf: {  	[sflag:s19] =	ssyncadd.s32 $0xFFFFE000  }
0x2d0: {  	_ =	sfence.sel $0x180000  }
0x2d1: {  	[bflag:$0x0] =	sbarrier.arrive $0xFFFF  }
0x2d2: {  	_ =	strace $0x90000047  }
0x2d3: {  	s0 =	stileid.u32;
	[bflag:$0x2] =	sbarrier.arrive $0xFFFF  }
0x2d4: {  	p0 =	sne.s32 s0, $0x0;
	s0 =	rddreg [dreg:$0x3]  }
0x2d5: {  	s0 =	sadd.s32 @!p0 $0x100000, s0  }
0x2d6: {  	[sflag:s0] =	ssyncadd.tile.s32 @!p0 $0x1;
	_ =	shalt  }
.Lfunc_end2:
_tile_overlayer_lowered:
.L_overlay_start_2:
0x2d7: {  	(tag) =	ssettag $0x2  }
0x2d8: {  	s0 =	rddreg [dreg:$0x0];
	s2 =	stileid.u32  }
0x2d9: {  	s1 =	rddreg [dreg:$0x1];
	p0 =	sne.s32 s2, $0x0  }
0x2da: {  	s3 =	rddreg [dreg:$0x2];
	[bflag:$0x3] =	sbarrier.arrive $0xFFFF;
	s2 =	simm.s32 @!p0 $0x1C07  }
0x2db: {  	[timem:s3], [sflag:s2] =	dma.local @!p0 [hbm:s0], s1  }
0x2dc: {  	s0 =	simm.s32 @!p0 $0x7  }
0x2dd: {  	_ =	swait.ge @!p0 [sflag:s0], s1  }
0x2de: {  	s1 =	ssub.s32 @!p0 $0x0, s1;
	[sflag:s0] =	ssyncset.done @!p0 $0x0  }
0x2df: {  	[sflag:s0] =	ssyncadd.s32 @!p0 s1  }
0x2e0: {  	[bflag:$0x3] =	sbarrier.arrive $0xFFFF  }
0x2e1: {  	_ =	shalt  }

</sc_bundles>
